<compile_context>
chip_gen: v7x
topology: tpu7x:2x2x1
jax: 0.10.2.dev20260603
libtpu: 0.0.44.dev20260713+nightly
codegen_flags: <defaults>
</compile_context>

<pallas_src>
import functools

import jax
import jax.numpy as jnp
from jax import lax
from jax.experimental import pallas as pl
from jax.experimental.pallas import tpu as pltpu
from jax.experimental.pallas import tpu_sc as plsc

_N = 320000
_D = 128
_K = 100
_KP = 128
_BLK = 16000
_NB = _N // _BLK

_NW = 32
_RW = _N // _NW
_CH = 400
_NCH = _RW // _CH


@functools.partial(
    pl.kernel,
    mesh=plsc.VectorSubcoreMesh(core_axis_name="c", subcore_axis_name="s"),
    out_type=jax.ShapeDtypeStruct((_NW, _KP, _D), jnp.float32),
    scratch_types=[
        pltpu.VMEM((_CH, _D), jnp.float32),
        pltpu.VMEM((_CH,), jnp.int32),
        pltpu.VMEM((_KP, _D), jnp.float32),
    ],
)
def _sc_segment_sums(x_hbm, lab_hbm, out_hbm, xbuf, labbuf, sums_v):
    wid = lax.axis_index("s") * 2 + lax.axis_index("c")
    base = wid * _RW

    def _zero_row(r, carry):
        for j in range(_D // 16):
            sums_v[r, pl.ds(j * 16, 16)] = jnp.zeros((16,), jnp.float32)
        return carry

    lax.fori_loop(0, _KP, _zero_row, 0)

    def _chunk(ch, carry):
        off = base + ch * _CH
        pltpu.sync_copy(x_hbm.at[pl.ds(off, _CH)], xbuf)
        pltpu.sync_copy(lab_hbm.at[pl.ds(off, _CH)], labbuf)

        def _group(g, c2):
            lab16 = labbuf[pl.ds(g * 16, 16)]
            l0 = lab16[0]

            def _uniform(_):
                for j in range(_D // 16):
                    sl = pl.ds(j * 16, 16)
                    acc = xbuf[g * 16, sl]
                    for q in range(1, 16):
                        acc = acc + xbuf[g * 16 + q, sl]
                    plsc.addupdate(sums_v.at[l0, sl], acc)
                return 0

            def _mixed(_):
                for q in range(16):
                    lbl = lab16[q]
                    r = g * 16 + q
                    for j in range(_D // 16):
                        sl = pl.ds(j * 16, 16)
                        plsc.addupdate(sums_v.at[lbl, sl], xbuf[r, sl])
                return 0

            lax.cond(l0 == lab16[15], _uniform, _mixed, 0)
            return c2

        lax.fori_loop(0, _CH // 16, _group, 0)
        return carry

    lax.fori_loop(0, _NCH, _chunk, 0)
    pltpu.sync_copy(sums_v, out_hbm.at[wid])


def _loss_kernel(x_ref, lab_ref, part_ref, out_ref, sums_ref, counts_ref,
                 centers_ref, acc_ref):
    p = pl.program_id(0)
    i = pl.program_id(1)

    lab = lab_ref[0, 0, :]
    ids = jax.lax.broadcasted_iota(jnp.int16, (_BLK, _KP), 1)
    oh = jnp.where(lab.astype(jnp.int16)[:, None] == ids,
                   jnp.bfloat16(1), jnp.bfloat16(0))

    @pl.when(jnp.logical_and(p == 0, i == 0))
    def _init():
        counts_ref[...] = jnp.zeros_like(counts_ref)

    @pl.when(p == 0)
    def _counts():
        ones_row = jnp.ones((1, _BLK), jnp.bfloat16)
        counts_ref[...] += jax.lax.dot_general(
            ones_row, oh, (((1,), (0,)), ((), ())),
            preferred_element_type=jnp.float32)

    @pl.when(jnp.logical_and(p == 1, i == 0))
    def _centers_and_inter():
        sums_ref[...] = jnp.sum(part_ref[...], axis=0)
        cnt = counts_ref[0, :]
        inv = jnp.where(cnt > 0.0, 1.0 / cnt, 0.0)
        centers = sums_ref[...] * inv[:, None]
        centers_ref[...] = centers
        g = jax.lax.dot_general(
            centers, centers, (((1,), (1,)), ((), ())),
            preferred_element_type=jnp.float32,
            precision=jax.lax.Precision.HIGHEST)
        n2 = jnp.sum(centers * centers, axis=1)
        d2 = n2[:, None] + n2[None, :] - 2.0 * g
        r = jax.lax.broadcasted_iota(jnp.int32, (_KP, _KP), 0)
        c = jax.lax.broadcasted_iota(jnp.int32, (_KP, _KP), 1)
        valid = jnp.logical_and(r < c, c < _K)
        d = jnp.sqrt(jnp.maximum(d2, 0.0))
        acc_ref[0] = jnp.sum(jnp.where(valid, d, 0.0))
        acc_ref[1] = 0.0

    @pl.when(p == 1)
    def _intra():
        x_bf = x_ref[...].astype(jnp.bfloat16)
        centers_bf = centers_ref[...].astype(jnp.bfloat16)
        cg = jax.lax.dot_general(
            oh, centers_bf, (((1,), (0,)), ((), ())),
            preferred_element_type=jnp.float32).astype(jnp.bfloat16)
        diff = x_bf - cg
        sq = diff * diff
        ones_row = jnp.ones((1, _D), jnp.bfloat16)
        rs = jax.lax.dot_general(
            ones_row, sq, (((1,), (1,)), ((), ())),
            preferred_element_type=jnp.float32)[0]
        acc_ref[1] += jnp.sum(jnp.sqrt(rs))

        @pl.when(i == _NB - 1)
        def _fin():
            inter = acc_ref[0]
            intra = acc_ref[1]
            out_ref[0, 0] = jnp.where(inter > 0.0, intra / inter, intra)


def kernel(x, labels):
    labels_i32 = labels.astype(jnp.int32)
    partials = _sc_segment_sums(x, labels_i32)
    labels3 = labels_i32.reshape(_NB, 1, _BLK)
    out = pl.pallas_call(
        _loss_kernel,
        grid=(2, _NB),
        in_specs=[
            pl.BlockSpec((_BLK, _D), lambda p, i: (i * p, 0)),
            pl.BlockSpec((1, 1, _BLK), lambda p, i: (i, 0, 0)),
            pl.BlockSpec((_NW, _KP, _D), lambda p, i: (0, 0, 0)),
        ],
        out_shape=jax.ShapeDtypeStruct((1, 1), jnp.float32),
        out_specs=pl.BlockSpec(memory_space=pltpu.SMEM),
        scratch_shapes=[
            pltpu.VMEM((_KP, _D), jnp.float32),
            pltpu.VMEM((1, _KP), jnp.float32),
            pltpu.VMEM((_KP, _D), jnp.float32),
            pltpu.SMEM((2,), jnp.float32),
        ],
    )(x, labels3, partials)
    return out[0, 0]

# --- scband reference (transcript-rebuilt; emitter-appended) ---
"""Pipeline reference for scband-cluster-loss-17910013624492 (READ-ONLY COPY).

The authoritative reference and input builder live on the scoring server;
editing this copy changes nothing except your own understanding.
"""

import jax, jax.numpy as jnp
import numpy as np

NUM_CLUSTERS = 100


def setup_inputs(seed: int = 0) -> dict:
    key = jax.random.key(seed)
    k1, k2 = jax.random.split(key)
    x = jax.random.normal(k1, (320000, 128), dtype=jnp.float32)
    labels = jnp.sort(jax.random.randint(k2, (320000,), 0, NUM_CLUSTERS, dtype=jnp.int64))
    return {"x": x, "labels": labels}


def reference(x, labels):
    K = NUM_CLUSTERS
    # segment mean -> cluster centers (torch: per-label mean over masked rows)
    counts = jnp.bincount(labels, length=K).astype(x.dtype)
    sums = jax.ops.segment_sum(x, labels, num_segments=K)
    centers = sums / counts[:, None]
    # intra-cluster distance: sum over all points of ||x_i - center[label_i]||
    diffs = x - centers[labels]
    intra = jnp.sum(jnp.linalg.norm(diffs, axis=1))
    # inter-cluster distance: sum over i<j of ||center_i - center_j||
    ii, jj = jnp.triu_indices(K, k=1)
    inter = jnp.sum(jnp.linalg.norm(centers[ii] - centers[jj], axis=1))
    loss = jnp.where(inter > 0, intra / inter, intra)
    return loss

if __name__ == "__main__":
    import jax
    _d = setup_inputs()
    print(jax.jit(kernel)(*tuple(_d.values())))

</pallas_src>

<mosaic_0001>
#map = affine_map<(d0, d1) -> (0, 0)>
#map1 = affine_map<(d0, d1) -> (0)>
#map2 = affine_map<(d0, d1) -> (0, 0, 0)>
module attributes {stable_mosaic.version = 14 : i64} {
  func.func @_sc_segment_sums(%arg0: i32, %arg1: i32, %arg2: memref<320000x128xf32, #tpu.memory_space<hbm>>, %arg3: memref<320000xi32, #tpu.memory_space<hbm>>, %arg4: memref<32x128x128xf32, #tpu.memory_space<hbm>>, %arg5: memref<400x128xf32, #tpu.memory_space<vmem>>, %arg6: memref<400xi32, #tpu.memory_space<vmem>>, %arg7: memref<128x128xf32, #tpu.memory_space<vmem>>) attributes {dimension_semantics = [#tpu.dimension_semantics<core_parallel>, #tpu.dimension_semantics<subcore_parallel>], iteration_bounds = array<i64: 2, 16>, scalar_prefetch = 0 : i64, scratch_operands = 3 : i64, tpu.core_type = #tpu.core_type<sc_vector_subcore>, window_params = [{transform_indices = #map}, {transform_indices = #map1}, {transform_indices = #map2}]} {
    %mul3A = arith.constant 2 : i32
    %mul3A_0 = arith.muli %arg1, %mul3A : i32
    %add3A = arith.addi %mul3A_0, %arg0 : i32
    %mul3A_1 = arith.constant 10000 : i32
    %mul3A_2 = arith.muli %add3A, %mul3A_1 : i32
    %scan3A = arith.constant 0 : i32
    %scan3A_3 = arith.constant 0 : i32
    %scan3A_4 = arith.constant 128 : i32
    %scan3A_5 = arith.addi %scan3A_3, %scan3A_4 : i32
    %scan3A_6 = arith.constant 1 : i32
    scf.for %scan3A_14 = %scan3A_3 to %scan3A_5 step %scan3A_6  : i32 {
      %broadcast_in_dim3A = arith.constant 0.000000e+00 : f32
      %broadcast_in_dim3A_15 = vector.broadcast %broadcast_in_dim3A : f32 to vector<16xf32>
      %swap3A = arith.index_cast %scan3A_14 : i32 to index
      %swap3A_16 = arith.constant 0 : index
      %swap3A_17 = tpu.vector_load %arg7[%swap3A, %swap3A_16] {strides = array<i32>} : memref<128x128xf32, #tpu.memory_space<vmem>>, vector<1x16xf32>,
      %swap3A_18 = vector.shape_cast %swap3A_17 : vector<1x16xf32> to vector<16xf32>
      %swap3A_19 = vector.shape_cast %broadcast_in_dim3A_15 : vector<16xf32> to vector<1x16xf32>
      tpu.vector_store %arg7[%swap3A, %swap3A_16], %swap3A_19 {strides = array<i32>} : memref<128x128xf32, #tpu.memory_space<vmem>>, vector<1x16xf32>,
      %broadcast_in_dim3A_20 = arith.constant 0.000000e+00 : f32
      %broadcast_in_dim3A_21 = vector.broadcast %broadcast_in_dim3A_20 : f32 to vector<16xf32>
      %swap3A_22 = arith.index_cast %scan3A_14 : i32 to index
      %swap3A_23 = arith.constant 16 : index
      %swap3A_24 = tpu.vector_load %arg7[%swap3A_22, %swap3A_23] {strides = array<i32>} : memref<128x128xf32, #tpu.memory_space<vmem>>, vector<1x16xf32>,
      %swap3A_25 = vector.shape_cast %swap3A_24 : vector<1x16xf32> to vector<16xf32>
      %swap3A_26 = vector.shape_cast %broadcast_in_dim3A_21 : vector<16xf32> to vector<1x16xf32>
      tpu.vector_store %arg7[%swap3A_22, %swap3A_23], %swap3A_26 {strides = array<i32>} : memref<128x128xf32, #tpu.memory_space<vmem>>, vector<1x16xf32>,
      %broadcast_in_dim3A_27 = arith.constant 0.000000e+00 : f32
      %broadcast_in_dim3A_28 = vector.broadcast %broadcast_in_dim3A_27 : f32 to vector<16xf32>
      %swap3A_29 = arith.index_cast %scan3A_14 : i32 to index
      %swap3A_30 = arith.constant 32 : index
      %swap3A_31 = tpu.vector_load %arg7[%swap3A_29, %swap3A_30] {strides = array<i32>} : memref<128x128xf32, #tpu.memory_space<vmem>>, vector<1x16xf32>,
      %swap3A_32 = vector.shape_cast %swap3A_31 : vector<1x16xf32> to vector<16xf32>
      %swap3A_33 = vector.shape_cast %broadcast_in_dim3A_28 : vector<16xf32> to vector<1x16xf32>
      tpu.vector_store %arg7[%swap3A_29, %swap3A_30], %swap3A_33 {strides = array<i32>} : memref<128x128xf32, #tpu.memory_space<vmem>>, vector<1x16xf32>,
      %broadcast_in_dim3A_34 = arith.constant 0.000000e+00 : f32
      %broadcast_in_dim3A_35 = vector.broadcast %broadcast_in_dim3A_34 : f32 to vector<16xf32>
      %swap3A_36 = arith.index_cast %scan3A_14 : i32 to index
      %swap3A_37 = arith.constant 48 : index
      %swap3A_38 = tpu.vector_load %arg7[%swap3A_36, %swap3A_37] {strides = array<i32>} : memref<128x128xf32, #tpu.memory_space<vmem>>, vector<1x16xf32>,
      %swap3A_39 = vector.shape_cast %swap3A_38 : vector<1x16xf32> to vector<16xf32>
      %swap3A_40 = vector.shape_cast %broadcast_in_dim3A_35 : vector<16xf32> to vector<1x16xf32>
      tpu.vector_store %arg7[%swap3A_36, %swap3A_37], %swap3A_40 {strides = array<i32>} : memref<128x128xf32, #tpu.memory_space<vmem>>, vector<1x16xf32>,
      %broadcast_in_dim3A_41 = arith.constant 0.000000e+00 : f32
      %broadcast_in_dim3A_42 = vector.broadcast %broadcast_in_dim3A_41 : f32 to vector<16xf32>
      %swap3A_43 = arith.index_cast %scan3A_14 : i32 to index
      %swap3A_44 = arith.constant 64 : index
      %swap3A_45 = tpu.vector_load %arg7[%swap3A_43, %swap3A_44] {strides = array<i32>} : memref<128x128xf32, #tpu.memory_space<vmem>>, vector<1x16xf32>,
      %swap3A_46 = vector.shape_cast %swap3A_45 : vector<1x16xf32> to vector<16xf32>
      %swap3A_47 = vector.shape_cast %broadcast_in_dim3A_42 : vector<16xf32> to vector<1x16xf32>
      tpu.vector_store %arg7[%swap3A_43, %swap3A_44], %swap3A_47 {strides = array<i32>} : memref<128x128xf32, #tpu.memory_space<vmem>>, vector<1x16xf32>,
      %broadcast_in_dim3A_48 = arith.constant 0.000000e+00 : f32
      %broadcast_in_dim3A_49 = vector.broadcast %broadcast_in_dim3A_48 : f32 to vector<16xf32>
      %swap3A_50 = arith.index_cast %scan3A_14 : i32 to index
      %swap3A_51 = arith.constant 80 : index
      %swap3A_52 = tpu.vector_load %arg7[%swap3A_50, %swap3A_51] {strides = array<i32>} : memref<128x128xf32, #tpu.memory_space<vmem>>, vector<1x16xf32>,
      %swap3A_53 = vector.shape_cast %swap3A_52 : vector<1x16xf32> to vector<16xf32>
      %swap3A_54 = vector.shape_cast %broadcast_in_dim3A_49 : vector<16xf32> to vector<1x16xf32>
      tpu.vector_store %arg7[%swap3A_50, %swap3A_51], %swap3A_54 {strides = array<i32>} : memref<128x128xf32, #tpu.memory_space<vmem>>, vector<1x16xf32>,
      %broadcast_in_dim3A_55 = arith.constant 0.000000e+00 : f32
      %broadcast_in_dim3A_56 = vector.broadcast %broadcast_in_dim3A_55 : f32 to vector<16xf32>
      %swap3A_57 = arith.index_cast %scan3A_14 : i32 to index
      %swap3A_58 = arith.constant 96 : index
      %swap3A_59 = tpu.vector_load %arg7[%swap3A_57, %swap3A_58] {strides = array<i32>} : memref<128x128xf32, #tpu.memory_space<vmem>>, vector<1x16xf32>,
      %swap3A_60 = vector.shape_cast %swap3A_59 : vector<1x16xf32> to vector<16xf32>
      %swap3A_61 = vector.shape_cast %broadcast_in_dim3A_56 : vector<16xf32> to vector<1x16xf32>
      tpu.vector_store %arg7[%swap3A_57, %swap3A_58], %swap3A_61 {strides = array<i32>} : memref<128x128xf32, #tpu.memory_space<vmem>>, vector<1x16xf32>,
      %broadcast_in_dim3A_62 = arith.constant 0.000000e+00 : f32
      %broadcast_in_dim3A_63 = vector.broadcast %broadcast_in_dim3A_62 : f32 to vector<16xf32>
      %swap3A_64 = arith.index_cast %scan3A_14 : i32 to index
      %swap3A_65 = arith.constant 112 : index
      %swap3A_66 = tpu.vector_load %arg7[%swap3A_64, %swap3A_65] {strides = array<i32>} : memref<128x128xf32, #tpu.memory_space<vmem>>, vector<1x16xf32>,
      %swap3A_67 = vector.shape_cast %swap3A_66 : vector<1x16xf32> to vector<16xf32>
      %swap3A_68 = vector.shape_cast %broadcast_in_dim3A_63 : vector<16xf32> to vector<1x16xf32>
      tpu.vector_store %arg7[%swap3A_64, %swap3A_65], %swap3A_68 {strides = array<i32>} : memref<128x128xf32, #tpu.memory_space<vmem>>, vector<1x16xf32>,
    }
    %scan3A_7 = arith.constant 128 : i32
    %scan3A_8 = arith.constant 0 : i32
    %scan3A_9 = arith.constant 0 : i32
    %scan3A_10 = arith.constant 25 : i32
    %scan3A_11 = arith.addi %scan3A_9, %scan3A_10 : i32
    %scan3A_12 = arith.constant 1 : i32
    scf.for %scan3A_14 = %scan3A_9 to %scan3A_11 step %scan3A_12  : i32 {
      %mul3A_15 = arith.constant 400 : i32
      %mul3A_16 = arith.muli %scan3A_14, %mul3A_15 : i32
      %add3A_17 = arith.addi %mul3A_2, %mul3A_16 : i32
      "tpu.region"() ({
        %run_scoped3A = tpu.sem_alloc : memref<!tpu.dma_semaphore, #tpu.memory_space<semaphore_mem>>
        %dma_start3A = arith.constant 0 : i32
        %dma_start3A_24 = tpu.memref_slice %arg2[%add3A_17, %dma_start3A] : memref<320000x128xf32, #tpu.memory_space<hbm>> -> memref<400x128xf32, #tpu.memory_space<hbm>>
        %dma_start3A_25 = arith.constant 0 : i32
        %dma_start3A_26 = tpu.memref_slice %arg2[%add3A_17, %dma_start3A_25] : memref<320000x128xf32, #tpu.memory_space<hbm>> -> memref<400x128xf32, #tpu.memory_space<hbm>>
        tpu.enqueue_dma source(%dma_start3A_26 : memref<400x128xf32, #tpu.memory_space<hbm>>) target(%arg5 : memref<400x128xf32, #tpu.memory_space<vmem>>) target_semaphore(%run_scoped3A : memref<!tpu.dma_semaphore, #tpu.memory_space<semaphore_mem>>)
        %dma_wait3A = arith.constant 0 : i32
        %dma_wait3A_27 = tpu.memref_slice %arg2[%add3A_17, %dma_wait3A] : memref<320000x128xf32, #tpu.memory_space<hbm>> -> memref<400x128xf32, #tpu.memory_space<hbm>>
        %dma_wait3A_28 = arith.constant 0 : i32
        %dma_wait3A_29 = tpu.memref_slice %arg2[%add3A_17, %dma_wait3A_28] : memref<320000x128xf32, #tpu.memory_space<hbm>> -> memref<400x128xf32, #tpu.memory_space<hbm>>
        tpu.wait_dma2 semaphore(%run_scoped3A : memref<!tpu.dma_semaphore, #tpu.memory_space<semaphore_mem>>) src(%dma_wait3A_29 : memref<400x128xf32, #tpu.memory_space<hbm>>) dst(%arg5 : memref<400x128xf32, #tpu.memory_space<vmem>>)
        tpu.yield
      }) : () -> ()
      "tpu.region"() ({
        %run_scoped3A = tpu.sem_alloc : memref<!tpu.dma_semaphore, #tpu.memory_space<semaphore_mem>>
        %dma_start3A = tpu.memref_slice %arg3[%add3A_17] : memref<320000xi32, #tpu.memory_space<hbm>> -> memref<400xi32, #tpu.memory_space<hbm>>
        %dma_start3A_24 = tpu.memref_slice %arg3[%add3A_17] : memref<320000xi32, #tpu.memory_space<hbm>> -> memref<400xi32, #tpu.memory_space<hbm>>
        tpu.enqueue_dma source(%dma_start3A_24 : memref<400xi32, #tpu.memory_space<hbm>>) target(%arg6 : memref<400xi32, #tpu.memory_space<vmem>>) target_semaphore(%run_scoped3A : memref<!tpu.dma_semaphore, #tpu.memory_space<semaphore_mem>>)
        %dma_wait3A = tpu.memref_slice %arg3[%add3A_17] : memref<320000xi32, #tpu.memory_space<hbm>> -> memref<400xi32, #tpu.memory_space<hbm>>
        %dma_wait3A_25 = tpu.memref_slice %arg3[%add3A_17] : memref<320000xi32, #tpu.memory_space<hbm>> -> memref<400xi32, #tpu.memory_space<hbm>>
        tpu.wait_dma2 semaphore(%run_scoped3A : memref<!tpu.dma_semaphore, #tpu.memory_space<semaphore_mem>>) src(%dma_wait3A_25 : memref<400xi32, #tpu.memory_space<hbm>>) dst(%arg6 : memref<400xi32, #tpu.memory_space<vmem>>)
        tpu.yield
      }) : () -> ()
      %scan3A_18 = arith.constant 0 : i32
      %scan3A_19 = arith.constant 0 : i32
      %scan3A_20 = arith.constant 25 : i32
      %scan3A_21 = arith.addi %scan3A_19, %scan3A_20 : i32
      %scan3A_22 = arith.constant 1 : i32
      scf.for %scan3A_24 = %scan3A_19 to %scan3A_21 step %scan3A_22  : i32 {
        %mul3A_25 = arith.constant 16 : i32
        %mul3A_26 = arith.muli %scan3A_24, %mul3A_25 : i32
        %get3A = arith.index_cast %mul3A_26 : i32 to index
        %get3A_27 = tpu.vector_load %arg6[%get3A] {strides = array<i32>} : memref<400xi32, #tpu.memory_space<vmem>>, vector<16xi32>,
        %get3A_28 = vector.shape_cast %get3A_27 : vector<16xi32> to vector<16xi32>
        %slice3A = vector.extract_strided_slice %get3A_28 {offsets = [0], sizes = [1], strides = [1]} : vector<16xi32> to vector<1xi32>
        %squeeze3A = vector.extract %slice3A[0] : i32 from vector<1xi32>
        %slice3A_29 = vector.extract_strided_slice %get3A_28 {offsets = [15], sizes = [1], strides = [1]} : vector<16xi32> to vector<1xi32>
        %squeeze3A_30 = vector.extract %slice3A_29[0] : i32 from vector<1xi32>
        %eq3A = arith.cmpi eq, %squeeze3A, %squeeze3A_30 : i32
        %convert_element_type3A = arith.extui %eq3A : i1 to i32
        %cond3A = arith.constant 0 : i32
        %cond3A_31 = arith.constant 0 : i32
        %cond3A_32 = arith.cmpi ne, %convert_element_type3A, %cond3A_31 : i32
        %cond3A_33 = scf.if %cond3A_32 -> (i32) {
          %mul3A_34 = arith.constant 16 : i32
          %mul3A_35 = arith.muli %scan3A_24, %mul3A_34 : i32
          %get3A_36 = arith.index_cast %mul3A_35 : i32 to index
          %get3A_37 = arith.constant 0 : index
          %get3A_38 = tpu.vector_load %arg5[%get3A_36, %get3A_37] {strides = array<i32>} : memref<400x128xf32, #tpu.memory_space<vmem>>, vector<1x16xf32>,
          %get3A_39 = vector.shape_cast %get3A_38 : vector<1x16xf32> to vector<16xf32>
          %mul3A_40 = arith.constant 16 : i32
          %mul3A_41 = arith.muli %scan3A_24, %mul3A_40 : i32
          %add3A_42 = arith.constant 1 : i32
          %add3A_43 = arith.addi %mul3A_41, %add3A_42 : i32
          %get3A_44 = arith.index_cast %add3A_43 : i32 to index
          %get3A_45 = arith.constant 0 : index
          %get3A_46 = tpu.vector_load %arg5[%get3A_44, %get3A_45] {strides = array<i32>} : memref<400x128xf32, #tpu.memory_space<vmem>>, vector<1x16xf32>,
          %get3A_47 = vector.shape_cast %get3A_46 : vector<1x16xf32> to vector<16xf32>
          %add3A_48 = arith.addf %get3A_39, %get3A_47 : vector<16xf32>
          %mul3A_49 = arith.constant 16 : i32
          %mul3A_50 = arith.muli %scan3A_24, %mul3A_49 : i32
          %add3A_51 = arith.constant 2 : i32
          %add3A_52 = arith.addi %mul3A_50, %add3A_51 : i32
          %get3A_53 = arith.index_cast %add3A_52 : i32 to index
          %get3A_54 = arith.constant 0 : index
          %get3A_55 = tpu.vector_load %arg5[%get3A_53, %get3A_54] {strides = array<i32>} : memref<400x128xf32, #tpu.memory_space<vmem>>, vector<1x16xf32>,
          %get3A_56 = vector.shape_cast %get3A_55 : vector<1x16xf32> to vector<16xf32>
          %add3A_57 = arith.addf %add3A_48, %get3A_56 : vector<16xf32>
          %mul3A_58 = arith.constant 16 : i32
          %mul3A_59 = arith.muli %scan3A_24, %mul3A_58 : i32
          %add3A_60 = arith.constant 3 : i32
          %add3A_61 = arith.addi %mul3A_59, %add3A_60 : i32
          %get3A_62 = arith.index_cast %add3A_61 : i32 to index
          %get3A_63 = arith.constant 0 : index
          %get3A_64 = tpu.vector_load %arg5[%get3A_62, %get3A_63] {strides = array<i32>} : memref<400x128xf32, #tpu.memory_space<vmem>>, vector<1x16xf32>,
          %get3A_65 = vector.shape_cast %get3A_64 : vector<1x16xf32> to vector<16xf32>
          %add3A_66 = arith.addf %add3A_57, %get3A_65 : vector<16xf32>
          %mul3A_67 = arith.constant 16 : i32
          %mul3A_68 = arith.muli %scan3A_24, %mul3A_67 : i32
          %add3A_69 = arith.constant 4 : i32
          %add3A_70 = arith.addi %mul3A_68, %add3A_69 : i32
          %get3A_71 = arith.index_cast %add3A_70 : i32 to index
          %get3A_72 = arith.constant 0 : index
          %get3A_73 = tpu.vector_load %arg5[%get3A_71, %get3A_72] {strides = array<i32>} : memref<400x128xf32, #tpu.memory_space<vmem>>, vector<1x16xf32>,
          %get3A_74 = vector.shape_cast %get3A_73 : vector<1x16xf32> to vector<16xf32>
          %add3A_75 = arith.addf %add3A_66, %get3A_74 : vector<16xf32>
          %mul3A_76 = arith.constant 16 : i32
          %mul3A_77 = arith.muli %scan3A_24, %mul3A_76 : i32
          %add3A_78 = arith.constant 5 : i32
          %add3A_79 = arith.addi %mul3A_77, %add3A_78 : i32
          %get3A_80 = arith.index_cast %add3A_79 : i32 to index
          %get3A_81 = arith.constant 0 : index
          %get3A_82 = tpu.vector_load %arg5[%get3A_80, %get3A_81] {strides = array<i32>} : memref<400x128xf32, #tpu.memory_space<vmem>>, vector<1x16xf32>,
          %get3A_83 = vector.shape_cast %get3A_82 : vector<1x16xf32> to vector<16xf32>
          %add3A_84 = arith.addf %add3A_75, %get3A_83 : vector<16xf32>
          %mul3A_85 = arith.constant 16 : i32
          %mul3A_86 = arith.muli %scan3A_24, %mul3A_85 : i32
          %add3A_87 = arith.constant 6 : i32
          %add3A_88 = arith.addi %mul3A_86, %add3A_87 : i32
          %get3A_89 = arith.index_cast %add3A_88 : i32 to index
          %get3A_90 = arith.constant 0 : index
          %get3A_91 = tpu.vector_load %arg5[%get3A_89, %get3A_90] {strides = array<i32>} : memref<400x128xf32, #tpu.memory_space<vmem>>, vector<1x16xf32>,
          %get3A_92 = vector.shape_cast %get3A_91 : vector<1x16xf32> to vector<16xf32>
          %add3A_93 = arith.addf %add3A_84, %get3A_92 : vector<16xf32>
          %mul3A_94 = arith.constant 16 : i32
          %mul3A_95 = arith.muli %scan3A_24, %mul3A_94 : i32
          %add3A_96 = arith.constant 7 : i32
          %add3A_97 = arith.addi %mul3A_95, %add3A_96 : i32
          %get3A_98 = arith.index_cast %add3A_97 : i32 to index
          %get3A_99 = arith.constant 0 : index
          %get3A_100 = tpu.vector_load %arg5[%get3A_98, %get3A_99] {strides = array<i32>} : memref<400x128xf32, #tpu.memory_space<vmem>>, vector<1x16xf32>,
          %get3A_101 = vector.shape_cast %get3A_100 : vector<1x16xf32> to vector<16xf32>
          %add3A_102 = arith.addf %add3A_93, %get3A_101 : vector<16xf32>
          %mul3A_103 = arith.constant 16 : i32
          %mul3A_104 = arith.muli %scan3A_24, %mul3A_103 : i32
          %add3A_105 = arith.constant 8 : i32
          %add3A_106 = arith.addi %mul3A_104, %add3A_105 : i32
          %get3A_107 = arith.index_cast %add3A_106 : i32 to index
          %get3A_108 = arith.constant 0 : index
          %get3A_109 = tpu.vector_load %arg5[%get3A_107, %get3A_108] {strides = array<i32>} : memref<400x128xf32, #tpu.memory_space<vmem>>, vector<1x16xf32>,
          %get3A_110 = vector.shape_cast %get3A_109 : vector<1x16xf32> to vector<16xf32>
          %add3A_111 = arith.addf %add3A_102, %get3A_110 : vector<16xf32>
          %mul3A_112 = arith.constant 16 : i32
          %mul3A_113 = arith.muli %scan3A_24, %mul3A_112 : i32
          %add3A_114 = arith.constant 9 : i32
          %add3A_115 = arith.addi %mul3A_113, %add3A_114 : i32
          %get3A_116 = arith.index_cast %add3A_115 : i32 to index
          %get3A_117 = arith.constant 0 : index
          %get3A_118 = tpu.vector_load %arg5[%get3A_116, %get3A_117] {strides = array<i32>} : memref<400x128xf32, #tpu.memory_space<vmem>>, vector<1x16xf32>,
          %get3A_119 = vector.shape_cast %get3A_118 : vector<1x16xf32> to vector<16xf32>
          %add3A_120 = arith.addf %add3A_111, %get3A_119 : vector<16xf32>
          %mul3A_121 = arith.constant 16 : i32
          %mul3A_122 = arith.muli %scan3A_24, %mul3A_121 : i32
          %add3A_123 = arith.constant 10 : i32
          %add3A_124 = arith.addi %mul3A_122, %add3A_123 : i32
          %get3A_125 = arith.index_cast %add3A_124 : i32 to index
          %get3A_126 = arith.constant 0 : index
          %get3A_127 = tpu.vector_load %arg5[%get3A_125, %get3A_126] {strides = array<i32>} : memref<400x128xf32, #tpu.memory_space<vmem>>, vector<1x16xf32>,
          %get3A_128 = vector.shape_cast %get3A_127 : vector<1x16xf32> to vector<16xf32>
          %add3A_129 = arith.addf %add3A_120, %get3A_128 : vector<16xf32>
          %mul3A_130 = arith.constant 16 : i32
          %mul3A_131 = arith.muli %scan3A_24, %mul3A_130 : i32
          %add3A_132 = arith.constant 11 : i32
          %add3A_133 = arith.addi %mul3A_131, %add3A_132 : i32
          %get3A_134 = arith.index_cast %add3A_133 : i32 to index
          %get3A_135 = arith.constant 0 : index
          %get3A_136 = tpu.vector_load %arg5[%get3A_134, %get3A_135] {strides = array<i32>} : memref<400x128xf32, #tpu.memory_space<vmem>>, vector<1x16xf32>,
          %get3A_137 = vector.shape_cast %get3A_136 : vector<1x16xf32> to vector<16xf32>
          %add3A_138 = arith.addf %add3A_129, %get3A_137 : vector<16xf32>
          %mul3A_139 = arith.constant 16 : i32
          %mul3A_140 = arith.muli %scan3A_24, %mul3A_139 : i32
          %add3A_141 = arith.constant 12 : i32
          %add3A_142 = arith.addi %mul3A_140, %add3A_141 : i32
          %get3A_143 = arith.index_cast %add3A_142 : i32 to index
          %get3A_144 = arith.constant 0 : index
          %get3A_145 = tpu.vector_load %arg5[%get3A_143, %get3A_144] {strides = array<i32>} : memref<400x128xf32, #tpu.memory_space<vmem>>, vector<1x16xf32>,
          %get3A_146 = vector.shape_cast %get3A_145 : vector<1x16xf32> to vector<16xf32>
          %add3A_147 = arith.addf %add3A_138, %get3A_146 : vector<16xf32>
          %mul3A_148 = arith.constant 16 : i32
          %mul3A_149 = arith.muli %scan3A_24, %mul3A_148 : i32
          %add3A_150 = arith.constant 13 : i32
          %add3A_151 = arith.addi %mul3A_149, %add3A_150 : i32
          %get3A_152 = arith.index_cast %add3A_151 : i32 to index
          %get3A_153 = arith.constant 0 : index
          %get3A_154 = tpu.vector_load %arg5[%get3A_152, %get3A_153] {strides = array<i32>} : memref<400x128xf32, #tpu.memory_space<vmem>>, vector<1x16xf32>,
          %get3A_155 = vector.shape_cast %get3A_154 : vector<1x16xf32> to vector<16xf32>
          %add3A_156 = arith.addf %add3A_147, %get3A_155 : vector<16xf32>
          %mul3A_157 = arith.constant 16 : i32
          %mul3A_158 = arith.muli %scan3A_24, %mul3A_157 : i32
          %add3A_159 = arith.constant 14 : i32
          %add3A_160 = arith.addi %mul3A_158, %add3A_159 : i32
          %get3A_161 = arith.index_cast %add3A_160 : i32 to index
          %get3A_162 = arith.constant 0 : index
          %get3A_163 = tpu.vector_load %arg5[%get3A_161, %get3A_162] {strides = array<i32>} : memref<400x128xf32, #tpu.memory_space<vmem>>, vector<1x16xf32>,
          %get3A_164 = vector.shape_cast %get3A_163 : vector<1x16xf32> to vector<16xf32>
          %add3A_165 = arith.addf %add3A_156, %get3A_164 : vector<16xf32>
          %mul3A_166 = arith.constant 16 : i32
          %mul3A_167 = arith.muli %scan3A_24, %mul3A_166 : i32
          %add3A_168 = arith.constant 15 : i32
          %add3A_169 = arith.addi %mul3A_167, %add3A_168 : i32
          %get3A_170 = arith.index_cast %add3A_169 : i32 to index
          %get3A_171 = arith.constant 0 : index
          %get3A_172 = tpu.vector_load %arg5[%get3A_170, %get3A_171] {strides = array<i32>} : memref<400x128xf32, #tpu.memory_space<vmem>>, vector<1x16xf32>,
          %get3A_173 = vector.shape_cast %get3A_172 : vector<1x16xf32> to vector<16xf32>
          %add3A_174 = arith.addf %add3A_165, %get3A_173 : vector<16xf32>
          %swap3A = arith.index_cast %squeeze3A : i32 to index
          %swap3A_175 = arith.constant 0 : index
          %swap3A_176 = tpu.vector_load %arg7[%swap3A, %swap3A_175] {strides = array<i32>} : memref<128x128xf32, #tpu.memory_space<vmem>>, vector<1x16xf32>,
          %swap3A_177 = vector.shape_cast %swap3A_176 : vector<1x16xf32> to vector<16xf32>
          %swap3A_178 = vector.shape_cast %add3A_174 : vector<16xf32> to vector<1x16xf32>
          tpu.vector_store %arg7[%swap3A, %swap3A_175], %swap3A_178 {add = true, strides = array<i32>} : memref<128x128xf32, #tpu.memory_space<vmem>>, vector<1x16xf32>,
          %mul3A_179 = arith.constant 16 : i32
          %mul3A_180 = arith.muli %scan3A_24, %mul3A_179 : i32
          %get3A_181 = arith.index_cast %mul3A_180 : i32 to index
          %get3A_182 = arith.constant 16 : index
          %get3A_183 = tpu.vector_load %arg5[%get3A_181, %get3A_182] {strides = array<i32>} : memref<400x128xf32, #tpu.memory_space<vmem>>, vector<1x16xf32>,
          %get3A_184 = vector.shape_cast %get3A_183 : vector<1x16xf32> to vector<16xf32>
          %mul3A_185 = arith.constant 16 : i32
          %mul3A_186 = arith.muli %scan3A_24, %mul3A_185 : i32
          %add3A_187 = arith.constant 1 : i32
          %add3A_188 = arith.addi %mul3A_186, %add3A_187 : i32
          %get3A_189 = arith.index_cast %add3A_188 : i32 to index
          %get3A_190 = arith.constant 16 : index
          %get3A_191 = tpu.vector_load %arg5[%get3A_189, %get3A_190] {strides = array<i32>} : memref<400x128xf32, #tpu.memory_space<vmem>>, vector<1x16xf32>,
          %get3A_192 = vector.shape_cast %get3A_191 : vector<1x16xf32> to vector<16xf32>
          %add3A_193 = arith.addf %get3A_184, %get3A_192 : vector<16xf32>
          %mul3A_194 = arith.constant 16 : i32
          %mul3A_195 = arith.muli %scan3A_24, %mul3A_194 : i32
          %add3A_196 = arith.constant 2 : i32
          %add3A_197 = arith.addi %mul3A_195, %add3A_196 : i32
          %get3A_198 = arith.index_cast %add3A_197 : i32 to index
          %get3A_199 = arith.constant 16 : index
          %get3A_200 = tpu.vector_load %arg5[%get3A_198, %get3A_199] {strides = array<i32>} : memref<400x128xf32, #tpu.memory_space<vmem>>, vector<1x16xf32>,
          %get3A_201 = vector.shape_cast %get3A_200 : vector<1x16xf32> to vector<16xf32>
          %add3A_202 = arith.addf %add3A_193, %get3A_201 : vector<16xf32>
          %mul3A_203 = arith.constant 16 : i32
          %mul3A_204 = arith.muli %scan3A_24, %mul3A_203 : i32
          %add3A_205 = arith.constant 3 : i32
          %add3A_206 = arith.addi %mul3A_204, %add3A_205 : i32
          %get3A_207 = arith.index_cast %add3A_206 : i32 to index
          %get3A_208 = arith.constant 16 : index
          %get3A_209 = tpu.vector_load %arg5[%get3A_207, %get3A_208] {strides = array<i32>} : memref<400x128xf32, #tpu.memory_space<vmem>>, vector<1x16xf32>,
          %get3A_210 = vector.shape_cast %get3A_209 : vector<1x16xf32> to vector<16xf32>
          %add3A_211 = arith.addf %add3A_202, %get3A_210 : vector<16xf32>
          %mul3A_212 = arith.constant 16 : i32
          %mul3A_213 = arith.muli %scan3A_24, %mul3A_212 : i32
          %add3A_214 = arith.constant 4 : i32
          %add3A_215 = arith.addi %mul3A_213, %add3A_214 : i32
          %get3A_216 = arith.index_cast %add3A_215 : i32 to index
          %get3A_217 = arith.constant 16 : index
          %get3A_218 = tpu.vector_load %arg5[%get3A_216, %get3A_217] {strides = array<i32>} : memref<400x128xf32, #tpu.memory_space<vmem>>, vector<1x16xf32>,
          %get3A_219 = vector.shape_cast %get3A_218 : vector<1x16xf32> to vector<16xf32>
          %add3A_220 = arith.addf %add3A_211, %get3A_219 : vector<16xf32>
          %mul3A_221 = arith.constant 16 : i32
          %mul3A_222 = arith.muli %scan3A_24, %mul3A_221 : i32
          %add3A_223 = arith.constant 5 : i32
          %add3A_224 = arith.addi %mul3A_222, %add3A_223 : i32
          %get3A_225 = arith.index_cast %add3A_224 : i32 to index
          %get3A_226 = arith.constant 16 : index
          %get3A_227 = tpu.vector_load %arg5[%get3A_225, %get3A_226] {strides = array<i32>} : memref<400x128xf32, #tpu.memory_space<vmem>>, vector<1x16xf32>,
          %get3A_228 = vector.shape_cast %get3A_227 : vector<1x16xf32> to vector<16xf32>
          %add3A_229 = arith.addf %add3A_220, %get3A_228 : vector<16xf32>
          %mul3A_230 = arith.constant 16 : i32
          %mul3A_231 = arith.muli %scan3A_24, %mul3A_230 : i32
          %add3A_232 = arith.constant 6 : i32
          %add3A_233 = arith.addi %mul3A_231, %add3A_232 : i32
          %get3A_234 = arith.index_cast %add3A_233 : i32 to index
          %get3A_235 = arith.constant 16 : index
          %get3A_236 = tpu.vector_load %arg5[%get3A_234, %get3A_235] {strides = array<i32>} : memref<400x128xf32, #tpu.memory_space<vmem>>, vector<1x16xf32>,
          %get3A_237 = vector.shape_cast %get3A_236 : vector<1x16xf32> to vector<16xf32>
          %add3A_238 = arith.addf %add3A_229, %get3A_237 : vector<16xf32>
          %mul3A_239 = arith.constant 16 : i32
          %mul3A_240 = arith.muli %scan3A_24, %mul3A_239 : i32
          %add3A_241 = arith.constant 7 : i32
          %add3A_242 = arith.addi %mul3A_240, %add3A_241 : i32
          %get3A_243 = arith.index_cast %add3A_242 : i32 to index
          %get3A_244 = arith.constant 16 : index
          %get3A_245 = tpu.vector_load %arg5[%get3A_243, %get3A_244] {strides = array<i32>} : memref<400x128xf32, #tpu.memory_space<vmem>>, vector<1x16xf32>,
          %get3A_246 = vector.shape_cast %get3A_245 : vector<1x16xf32> to vector<16xf32>
          %add3A_247 = arith.addf %add3A_238, %get3A_246 : vector<16xf32>
          %mul3A_248 = arith.constant 16 : i32
          %mul3A_249 = arith.muli %scan3A_24, %mul3A_248 : i32
          %add3A_250 = arith.constant 8 : i32
          %add3A_251 = arith.addi %mul3A_249, %add3A_250 : i32
          %get3A_252 = arith.index_cast %add3A_251 : i32 to index
          %get3A_253 = arith.constant 16 : index
          %get3A_254 = tpu.vector_load %arg5[%get3A_252, %get3A_253] {strides = array<i32>} : memref<400x128xf32, #tpu.memory_space<vmem>>, vector<1x16xf32>,
          %get3A_255 = vector.shape_cast %get3A_254 : vector<1x16xf32> to vector<16xf32>
          %add3A_256 = arith.addf %add3A_247, %get3A_255 : vector<16xf32>
          %mul3A_257 = arith.constant 16 : i32
          %mul3A_258 = arith.muli %scan3A_24, %mul3A_257 : i32
          %add3A_259 = arith.constant 9 : i32
          %add3A_260 = arith.addi %mul3A_258, %add3A_259 : i32
          %get3A_261 = arith.index_cast %add3A_260 : i32 to index
          %get3A_262 = arith.constant 16 : index
          %get3A_263 = tpu.vector_load %arg5[%get3A_261, %get3A_262] {strides = array<i32>} : memref<400x128xf32, #tpu.memory_space<vmem>>, vector<1x16xf32>,
          %get3A_264 = vector.shape_cast %get3A_263 : vector<1x16xf32> to vector<16xf32>
          %add3A_265 = arith.addf %add3A_256, %get3A_264 : vector<16xf32>
          %mul3A_266 = arith.constant 16 : i32
          %mul3A_267 = arith.muli %scan3A_24, %mul3A_266 : i32
          %add3A_268 = arith.constant 10 : i32
          %add3A_269 = arith.addi %mul3A_267, %add3A_268 : i32
          %get3A_270 = arith.index_cast %add3A_269 : i32 to index
          %get3A_271 = arith.constant 16 : index
          %get3A_272 = tpu.vector_load %arg5[%get3A_270, %get3A_271] {strides = array<i32>} : memref<400x128xf32, #tpu.memory_space<vmem>>, vector<1x16xf32>,
          %get3A_273 = vector.shape_cast %get3A_272 : vector<1x16xf32> to vector<16xf32>
          %add3A_274 = arith.addf %add3A_265, %get3A_273 : vector<16xf32>
          %mul3A_275 = arith.constant 16 : i32
          %mul3A_276 = arith.muli %scan3A_24, %mul3A_275 : i32
          %add3A_277 = arith.constant 11 : i32
          %add3A_278 = arith.addi %mul3A_276, %add3A_277 : i32
          %get3A_279 = arith.index_cast %add3A_278 : i32 to index
          %get3A_280 = arith.constant 16 : index
          %get3A_281 = tpu.vector_load %arg5[%get3A_279, %get3A_280] {strides = array<i32>} : memref<400x128xf32, #tpu.memory_space<vmem>>, vector<1x16xf32>,
          %get3A_282 = vector.shape_cast %get3A_281 : vector<1x16xf32> to vector<16xf32>
          %add3A_283 = arith.addf %add3A_274, %get3A_282 : vector<16xf32>
          %mul3A_284 = arith.constant 16 : i32
          %mul3A_285 = arith.muli %scan3A_24, %mul3A_284 : i32
          %add3A_286 = arith.constant 12 : i32
          %add3A_287 = arith.addi %mul3A_285, %add3A_286 : i32
          %get3A_288 = arith.index_cast %add3A_287 : i32 to index
          %get3A_289 = arith.constant 16 : index
          %get3A_290 = tpu.vector_load %arg5[%get3A_288, %get3A_289] {strides = array<i32>} : memref<400x128xf32, #tpu.memory_space<vmem>>, vector<1x16xf32>,
          %get3A_291 = vector.shape_cast %get3A_290 : vector<1x16xf32> to vector<16xf32>
          %add3A_292 = arith.addf %add3A_283, %get3A_291 : vector<16xf32>
          %mul3A_293 = arith.constant 16 : i32
          %mul3A_294 = arith.muli %scan3A_24, %mul3A_293 : i32
          %add3A_295 = arith.constant 13 : i32
          %add3A_296 = arith.addi %mul3A_294, %add3A_295 : i32
          %get3A_297 = arith.index_cast %add3A_296 : i32 to index
          %get3A_298 = arith.constant 16 : index
          %get3A_299 = tpu.vector_load %arg5[%get3A_297, %get3A_298] {strides = array<i32>} : memref<400x128xf32, #tpu.memory_space<vmem>>, vector<1x16xf32>,
          %get3A_300 = vector.shape_cast %get3A_299 : vector<1x16xf32> to vector<16xf32>
          %add3A_301 = arith.addf %add3A_292, %get3A_300 : vector<16xf32>
          %mul3A_302 = arith.constant 16 : i32
          %mul3A_303 = arith.muli %scan3A_24, %mul3A_302 : i32
          %add3A_304 = arith.constant 14 : i32
          %add3A_305 = arith.addi %mul3A_303, %add3A_304 : i32
          %get3A_306 = arith.index_cast %add3A_305 : i32 to index
          %get3A_307 = arith.constant 16 : index
          %get3A_308 = tpu.vector_load %arg5[%get3A_306, %get3A_307] {strides = array<i32>} : memref<400x128xf32, #tpu.memory_space<vmem>>, vector<1x16xf32>,
          %get3A_309 = vector.shape_cast %get3A_308 : vector<1x16xf32> to vector<16xf32>
          %add3A_310 = arith.addf %add3A_301, %get3A_309 : vector<16xf32>
          %mul3A_311 = arith.constant 16 : i32
          %mul3A_312 = arith.muli %scan3A_24, %mul3A_311 : i32
          %add3A_313 = arith.constant 15 : i32
          %add3A_314 = arith.addi %mul3A_312, %add3A_313 : i32
          %get3A_315 = arith.index_cast %add3A_314 : i32 to index
          %get3A_316 = arith.constant 16 : index
          %get3A_317 = tpu.vector_load %arg5[%get3A_315, %get3A_316] {strides = array<i32>} : memref<400x128xf32, #tpu.memory_space<vmem>>, vector<1x16xf32>,
          %get3A_318 = vector.shape_cast %get3A_317 : vector<1x16xf32> to vector<16xf32>
          %add3A_319 = arith.addf %add3A_310, %get3A_318 : vector<16xf32>
          %swap3A_320 = arith.index_cast %squeeze3A : i32 to index
          %swap3A_321 = arith.constant 16 : index
          %swap3A_322 = tpu.vector_load %arg7[%swap3A_320, %swap3A_321] {strides = array<i32>} : memref<128x128xf32, #tpu.memory_space<vmem>>, vector<1x16xf32>,
          %swap3A_323 = vector.shape_cast %swap3A_322 : vector<1x16xf32> to vector<16xf32>
          %swap3A_324 = vector.shape_cast %add3A_319 : vector<16xf32> to vector<1x16xf32>
          tpu.vector_store %arg7[%swap3A_320, %swap3A_321], %swap3A_324 {add = true, strides = array<i32>} : memref<128x128xf32, #tpu.memory_space<vmem>>, vector<1x16xf32>,
          %mul3A_325 = arith.constant 16 : i32
          %mul3A_326 = arith.muli %scan3A_24, %mul3A_325 : i32
          %get3A_327 = arith.index_cast %mul3A_326 : i32 to index
          %get3A_328 = arith.constant 32 : index
          %get3A_329 = tpu.vector_load %arg5[%get3A_327, %get3A_328] {strides = array<i32>} : memref<400x128xf32, #tpu.memory_space<vmem>>, vector<1x16xf32>,
          %get3A_330 = vector.shape_cast %get3A_329 : vector<1x16xf32> to vector<16xf32>
          %mul3A_331 = arith.constant 16 : i32
          %mul3A_332 = arith.muli %scan3A_24, %mul3A_331 : i32
          %add3A_333 = arith.constant 1 : i32
          %add3A_334 = arith.addi %mul3A_332, %add3A_333 : i32
          %get3A_335 = arith.index_cast %add3A_334 : i32 to index
          %get3A_336 = arith.constant 32 : index
          %get3A_337 = tpu.vector_load %arg5[%get3A_335, %get3A_336] {strides = array<i32>} : memref<400x128xf32, #tpu.memory_space<vmem>>, vector<1x16xf32>,
          %get3A_338 = vector.shape_cast %get3A_337 : vector<1x16xf32> to vector<16xf32>
          %add3A_339 = arith.addf %get3A_330, %get3A_338 : vector<16xf32>
          %mul3A_340 = arith.constant 16 : i32
          %mul3A_341 = arith.muli %scan3A_24, %mul3A_340 : i32
          %add3A_342 = arith.constant 2 : i32
          %add3A_343 = arith.addi %mul3A_341, %add3A_342 : i32
          %get3A_344 = arith.index_cast %add3A_343 : i32 to index
          %get3A_345 = arith.constant 32 : index
          %get3A_346 = tpu.vector_load %arg5[%get3A_344, %get3A_345] {strides = array<i32>} : memref<400x128xf32, #tpu.memory_space<vmem>>, vector<1x16xf32>,
          %get3A_347 = vector.shape_cast %get3A_346 : vector<1x16xf32> to vector<16xf32>
          %add3A_348 = arith.addf %add3A_339, %get3A_347 : vector<16xf32>
          %mul3A_349 = arith.constant 16 : i32
          %mul3A_350 = arith.muli %scan3A_24, %mul3A_349 : i32
          %add3A_351 = arith.constant 3 : i32
          %add3A_352 = arith.addi %mul3A_350, %add3A_351 : i32
          %get3A_353 = arith.index_cast %add3A_352 : i32 to index
          %get3A_354 = arith.constant 32 : index
          %get3A_355 = tpu.vector_load %arg5[%get3A_353, %get3A_354] {strides = array<i32>} : memref<400x128xf32, #tpu.memory_space<vmem>>, vector<1x16xf32>,
          %get3A_356 = vector.shape_cast %get3A_355 : vector<1x16xf32> to vector<16xf32>
          %add3A_357 = arith.addf %add3A_348, %get3A_356 : vector<16xf32>
          %mul3A_358 = arith.constant 16 : i32
          %mul3A_359 = arith.muli %scan3A_24, %mul3A_358 : i32
          %add3A_360 = arith.constant 4 : i32
          %add3A_361 = arith.addi %mul3A_359, %add3A_360 : i32
          %get3A_362 = arith.index_cast %add3A_361 : i32 to index
          %get3A_363 = arith.constant 32 : index
          %get3A_364 = tpu.vector_load %arg5[%get3A_362, %get3A_363] {strides = array<i32>} : memref<400x128xf32, #tpu.memory_space<vmem>>, vector<1x16xf32>,
          %get3A_365 = vector.shape_cast %get3A_364 : vector<1x16xf32> to vector<16xf32>
          %add3A_366 = arith.addf %add3A_357, %get3A_365 : vector<16xf32>
          %mul3A_367 = arith.constant 16 : i32
          %mul3A_368 = arith.muli %scan3A_24, %mul3A_367 : i32
          %add3A_369 = arith.constant 5 : i32
          %add3A_370 = arith.addi %mul3A_368, %add3A_369 : i32
          %get3A_371 = arith.index_cast %add3A_370 : i32 to index
          %get3A_372 = arith.constant 32 : index
          %get3A_373 = tpu.vector_load %arg5[%get3A_371, %get3A_372] {strides = array<i32>} : memref<400x128xf32, #tpu.memory_space<vmem>>, vector<1x16xf32>,
          %get3A_374 = vector.shape_cast %get3A_373 : vector<1x16xf32> to vector<16xf32>
          %add3A_375 = arith.addf %add3A_366, %get3A_374 : vector<16xf32>
          %mul3A_376 = arith.constant 16 : i32
          %mul3A_377 = arith.muli %scan3A_24, %mul3A_376 : i32
          %add3A_378 = arith.constant 6 : i32
          %add3A_379 = arith.addi %mul3A_377, %add3A_378 : i32
          %get3A_380 = arith.index_cast %add3A_379 : i32 to index
          %get3A_381 = arith.constant 32 : index
          %get3A_382 = tpu.vector_load %arg5[%get3A_380, %get3A_381] {strides = array<i32>} : memref<400x128xf32, #tpu.memory_space<vmem>>, vector<1x16xf32>,
          %get3A_383 = vector.shape_cast %get3A_382 : vector<1x16xf32> to vector<16xf32>
          %add3A_384 = arith.addf %add3A_375, %get3A_383 : vector<16xf32>
          %mul3A_385 = arith.constant 16 : i32
          %mul3A_386 = arith.muli %scan3A_24, %mul3A_385 : i32
          %add3A_387 = arith.constant 7 : i32
          %add3A_388 = arith.addi %mul3A_386, %add3A_387 : i32
          %get3A_389 = arith.index_cast %add3A_388 : i32 to index
          %get3A_390 = arith.constant 32 : index
          %get3A_391 = tpu.vector_load %arg5[%get3A_389, %get3A_390] {strides = array<i32>} : memref<400x128xf32, #tpu.memory_space<vmem>>, vector<1x16xf32>,
          %get3A_392 = vector.shape_cast %get3A_391 : vector<1x16xf32> to vector<16xf32>
          %add3A_393 = arith.addf %add3A_384, %get3A_392 : vector<16xf32>
          %mul3A_394 = arith.constant 16 : i32
          %mul3A_395 = arith.muli %scan3A_24, %mul3A_394 : i32
          %add3A_396 = arith.constant 8 : i32
          %add3A_397 = arith.addi %mul3A_395, %add3A_396 : i32
          %get3A_398 = arith.index_cast %add3A_397 : i32 to index
          %get3A_399 = arith.constant 32 : index
          %get3A_400 = tpu.vector_load %arg5[%get3A_398, %get3A_399] {strides = array<i32>} : memref<400x128xf32, #tpu.memory_space<vmem>>, vector<1x16xf32>,
          %get3A_401 = vector.shape_cast %get3A_400 : vector<1x16xf32> to vector<16xf32>
          %add3A_402 = arith.addf %add3A_393, %get3A_401 : vector<16xf32>
          %mul3A_403 = arith.constant 16 : i32
          %mul3A_404 = arith.muli %scan3A_24, %mul3A_403 : i32
          %add3A_405 = arith.constant 9 : i32
          %add3A_406 = arith.addi %mul3A_404, %add3A_405 : i32
          %get3A_407 = arith.index_cast %add3A_406 : i32 to index
          %get3A_408 = arith.constant 32 : index
          %get3A_409 = tpu.vector_load %arg5[%get3A_407, %get3A_408] {strides = array<i32>} : memref<400x128xf32, #tpu.memory_space<vmem>>, vector<1x16xf32>,
          %get3A_410 = vector.shape_cast %get3A_409 : vector<1x16xf32> to vector<16xf32>
          %add3A_411 = arith.addf %add3A_402, %get3A_410 : vector<16xf32>
          %mul3A_412 = arith.constant 16 : i32
          %mul3A_413 = arith.muli %scan3A_24, %mul3A_412 : i32
          %add3A_414 = arith.constant 10 : i32
          %add3A_415 = arith.addi %mul3A_413, %add3A_414 : i32
          %get3A_416 = arith.index_cast %add3A_415 : i32 to index
          %get3A_417 = arith.constant 32 : index
          %get3A_418 = tpu.vector_load %arg5[%get3A_416, %get3A_417] {strides = array<i32>} : memref<400x128xf32, #tpu.memory_space<vmem>>, vector<1x16xf32>,
          %get3A_419 = vector.shape_cast %get3A_418 : vector<1x16xf32> to vector<16xf32>
          %add3A_420 = arith.addf %add3A_411, %get3A_419 : vector<16xf32>
          %mul3A_421 = arith.constant 16 : i32
          %mul3A_422 = arith.muli %scan3A_24, %mul3A_421 : i32
          %add3A_423 = arith.constant 11 : i32
          %add3A_424 = arith.addi %mul3A_422, %add3A_423 : i32
          %get3A_425 = arith.index_cast %add3A_424 : i32 to index
          %get3A_426 = arith.constant 32 : index
          %get3A_427 = tpu.vector_load %arg5[%get3A_425, %get3A_426] {strides = array<i32>} : memref<400x128xf32, #tpu.memory_space<vmem>>, vector<1x16xf32>,
          %get3A_428 = vector.shape_cast %get3A_427 : vector<1x16xf32> to vector<16xf32>
          %add3A_429 = arith.addf %add3A_420, %get3A_428 : vector<16xf32>
          %mul3A_430 = arith.constant 16 : i32
          %mul3A_431 = arith.muli %scan3A_24, %mul3A_430 : i32
          %add3A_432 = arith.constant 12 : i32
          %add3A_433 = arith.addi %mul3A_431, %add3A_432 : i32
          %get3A_434 = arith.index_cast %add3A_433 : i32 to index
          %get3A_435 = arith.constant 32 : index
          %get3A_436 = tpu.vector_load %arg5[%get3A_434, %get3A_435] {strides = array<i32>} : memref<400x128xf32, #tpu.memory_space<vmem>>, vector<1x16xf32>,
          %get3A_437 = vector.shape_cast %get3A_436 : vector<1x16xf32> to vector<16xf32>
          %add3A_438 = arith.addf %add3A_429, %get3A_437 : vector<16xf32>
          %mul3A_439 = arith.constant 16 : i32
          %mul3A_440 = arith.muli %scan3A_24, %mul3A_439 : i32
          %add3A_441 = arith.constant 13 : i32
          %add3A_442 = arith.addi %mul3A_440, %add3A_441 : i32
          %get3A_443 = arith.index_cast %add3A_442 : i32 to index
          %get3A_444 = arith.constant 32 : index
          %get3A_445 = tpu.vector_load %arg5[%get3A_443, %get3A_444] {strides = array<i32>} : memref<400x128xf32, #tpu.memory_space<vmem>>, vector<1x16xf32>,
          %get3A_446 = vector.shape_cast %get3A_445 : vector<1x16xf32> to vector<16xf32>
          %add3A_447 = arith.addf %add3A_438, %get3A_446 : vector<16xf32>
          %mul3A_448 = arith.constant 16 : i32
          %mul3A_449 = arith.muli %scan3A_24, %mul3A_448 : i32
          %add3A_450 = arith.constant 14 : i32
          %add3A_451 = arith.addi %mul3A_449, %add3A_450 : i32
          %get3A_452 = arith.index_cast %add3A_451 : i32 to index
          %get3A_453 = arith.constant 32 : index
          %get3A_454 = tpu.vector_load %arg5[%get3A_452, %get3A_453] {strides = array<i32>} : memref<400x128xf32, #tpu.memory_space<vmem>>, vector<1x16xf32>,
          %get3A_455 = vector.shape_cast %get3A_454 : vector<1x16xf32> to vector<16xf32>
          %add3A_456 = arith.addf %add3A_447, %get3A_455 : vector<16xf32>
          %mul3A_457 = arith.constant 16 : i32
          %mul3A_458 = arith.muli %scan3A_24, %mul3A_457 : i32
          %add3A_459 = arith.constant 15 : i32
          %add3A_460 = arith.addi %mul3A_458, %add3A_459 : i32
          %get3A_461 = arith.index_cast %add3A_460 : i32 to index
          %get3A_462 = arith.constant 32 : index
          %get3A_463 = tpu.vector_load %arg5[%get3A_461, %get3A_462] {strides = array<i32>} : memref<400x128xf32, #tpu.memory_space<vmem>>, vector<1x16xf32>,
          %get3A_464 = vector.shape_cast %get3A_463 : vector<1x16xf32> to vector<16xf32>
          %add3A_465 = arith.addf %add3A_456, %get3A_464 : vector<16xf32>
          %swap3A_466 = arith.index_cast %squeeze3A : i32 to index
          %swap3A_467 = arith.constant 32 : index
          %swap3A_468 = tpu.vector_load %arg7[%swap3A_466, %swap3A_467] {strides = array<i32>} : memref<128x128xf32, #tpu.memory_space<vmem>>, vector<1x16xf32>,
          %swap3A_469 = vector.shape_cast %swap3A_468 : vector<1x16xf32> to vector<16xf32>
          %swap3A_470 = vector.shape_cast %add3A_465 : vector<16xf32> to vector<1x16xf32>
          tpu.vector_store %arg7[%swap3A_466, %swap3A_467], %swap3A_470 {add = true, strides = array<i32>} : memref<128x128xf32, #tpu.memory_space<vmem>>, vector<1x16xf32>,
          %mul3A_471 = arith.constant 16 : i32
          %mul3A_472 = arith.muli %scan3A_24, %mul3A_471 : i32
          %get3A_473 = arith.index_cast %mul3A_472 : i32 to index
          %get3A_474 = arith.constant 48 : index
          %get3A_475 = tpu.vector_load %arg5[%get3A_473, %get3A_474] {strides = array<i32>} : memref<400x128xf32, #tpu.memory_space<vmem>>, vector<1x16xf32>,
          %get3A_476 = vector.shape_cast %get3A_475 : vector<1x16xf32> to vector<16xf32>
          %mul3A_477 = arith.constant 16 : i32
          %mul3A_478 = arith.muli %scan3A_24, %mul3A_477 : i32
          %add3A_479 = arith.constant 1 : i32
          %add3A_480 = arith.addi %mul3A_478, %add3A_479 : i32
          %get3A_481 = arith.index_cast %add3A_480 : i32 to index
          %get3A_482 = arith.constant 48 : index
          %get3A_483 = tpu.vector_load %arg5[%get3A_481, %get3A_482] {strides = array<i32>} : memref<400x128xf32, #tpu.memory_space<vmem>>, vector<1x16xf32>,
          %get3A_484 = vector.shape_cast %get3A_483 : vector<1x16xf32> to vector<16xf32>
          %add3A_485 = arith.addf %get3A_476, %get3A_484 : vector<16xf32>
          %mul3A_486 = arith.constant 16 : i32
          %mul3A_487 = arith.muli %scan3A_24, %mul3A_486 : i32
          %add3A_488 = arith.constant 2 : i32
          %add3A_489 = arith.addi %mul3A_487, %add3A_488 : i32
          %get3A_490 = arith.index_cast %add3A_489 : i32 to index
          %get3A_491 = arith.constant 48 : index
          %get3A_492 = tpu.vector_load %arg5[%get3A_490, %get3A_491] {strides = array<i32>} : memref<400x128xf32, #tpu.memory_space<vmem>>, vector<1x16xf32>,
          %get3A_493 = vector.shape_cast %get3A_492 : vector<1x16xf32> to vector<16xf32>
          %add3A_494 = arith.addf %add3A_485, %get3A_493 : vector<16xf32>
          %mul3A_495 = arith.constant 16 : i32
          %mul3A_496 = arith.muli %scan3A_24, %mul3A_495 : i32
          %add3A_497 = arith.constant 3 : i32
          %add3A_498 = arith.addi %mul3A_496, %add3A_497 : i32
          %get3A_499 = arith.index_cast %add3A_498 : i32 to index
          %get3A_500 = arith.constant 48 : index
          %get3A_501 = tpu.vector_load %arg5[%get3A_499, %get3A_500] {strides = array<i32>} : memref<400x128xf32, #tpu.memory_space<vmem>>, vector<1x16xf32>,
          %get3A_502 = vector.shape_cast %get3A_501 : vector<1x16xf32> to vector<16xf32>
          %add3A_503 = arith.addf %add3A_494, %get3A_502 : vector<16xf32>
          %mul3A_504 = arith.constant 16 : i32
          %mul3A_505 = arith.muli %scan3A_24, %mul3A_504 : i32
          %add3A_506 = arith.constant 4 : i32
          %add3A_507 = arith.addi %mul3A_505, %add3A_506 : i32
          %get3A_508 = arith.index_cast %add3A_507 : i32 to index
          %get3A_509 = arith.constant 48 : index
          %get3A_510 = tpu.vector_load %arg5[%get3A_508, %get3A_509] {strides = array<i32>} : memref<400x128xf32, #tpu.memory_space<vmem>>, vector<1x16xf32>,
          %get3A_511 = vector.shape_cast %get3A_510 : vector<1x16xf32> to vector<16xf32>
          %add3A_512 = arith.addf %add3A_503, %get3A_511 : vector<16xf32>
          %mul3A_513 = arith.constant 16 : i32
          %mul3A_514 = arith.muli %scan3A_24, %mul3A_513 : i32
          %add3A_515 = arith.constant 5 : i32
          %add3A_516 = arith.addi %mul3A_514, %add3A_515 : i32
          %get3A_517 = arith.index_cast %add3A_516 : i32 to index
          %get3A_518 = arith.constant 48 : index
          %get3A_519 = tpu.vector_load %arg5[%get3A_517, %get3A_518] {strides = array<i32>} : memref<400x128xf32, #tpu.memory_space<vmem>>, vector<1x16xf32>,
          %get3A_520 = vector.shape_cast %get3A_519 : vector<1x16xf32> to vector<16xf32>
          %add3A_521 = arith.addf %add3A_512, %get3A_520 : vector<16xf32>
          %mul3A_522 = arith.constant 16 : i32
          %mul3A_523 = arith.muli %scan3A_24, %mul3A_522 : i32
          %add3A_524 = arith.constant 6 : i32
          %add3A_525 = arith.addi %mul3A_523, %add3A_524 : i32
          %get3A_526 = arith.index_cast %add3A_525 : i32 to index
          %get3A_527 = arith.constant 48 : index
          %get3A_528 = tpu.vector_load %arg5[%get3A_526, %get3A_527] {strides = array<i32>} : memref<400x128xf32, #tpu.memory_space<vmem>>, vector<1x16xf32>,
          %get3A_529 = vector.shape_cast %get3A_528 : vector<1x16xf32> to vector<16xf32>
          %add3A_530 = arith.addf %add3A_521, %get3A_529 : vector<16xf32>
          %mul3A_531 = arith.constant 16 : i32
          %mul3A_532 = arith.muli %scan3A_24, %mul3A_531 : i32
          %add3A_533 = arith.constant 7 : i32
          %add3A_534 = arith.addi %mul3A_532, %add3A_533 : i32
          %get3A_535 = arith.index_cast %add3A_534 : i32 to index
          %get3A_536 = arith.constant 48 : index
          %get3A_537 = tpu.vector_load %arg5[%get3A_535, %get3A_536] {strides = array<i32>} : memref<400x128xf32, #tpu.memory_space<vmem>>, vector<1x16xf32>,
          %get3A_538 = vector.shape_cast %get3A_537 : vector<1x16xf32> to vector<16xf32>
          %add3A_539 = arith.addf %add3A_530, %get3A_538 : vector<16xf32>
          %mul3A_540 = arith.constant 16 : i32
          %mul3A_541 = arith.muli %scan3A_24, %mul3A_540 : i32
          %add3A_542 = arith.constant 8 : i32
          %add3A_543 = arith.addi %mul3A_541, %add3A_542 : i32
          %get3A_544 = arith.index_cast %add3A_543 : i32 to index
          %get3A_545 = arith.constant 48 : index
          %get3A_546 = tpu.vector_load %arg5[%get3A_544, %get3A_545] {strides = array<i32>} : memref<400x128xf32, #tpu.memory_space<vmem>>, vector<1x16xf32>,
          %get3A_547 = vector.shape_cast %get3A_546 : vector<1x16xf32> to vector<16xf32>
          %add3A_548 = arith.addf %add3A_539, %get3A_547 : vector<16xf32>
          %mul3A_549 = arith.constant 16 : i32
          %mul3A_550 = arith.muli %scan3A_24, %mul3A_549 : i32
          %add3A_551 = arith.constant 9 : i32
          %add3A_552 = arith.addi %mul3A_550, %add3A_551 : i32
          %get3A_553 = arith.index_cast %add3A_552 : i32 to index
          %get3A_554 = arith.constant 48 : index
          %get3A_555 = tpu.vector_load %arg5[%get3A_553, %get3A_554] {strides = array<i32>} : memref<400x128xf32, #tpu.memory_space<vmem>>, vector<1x16xf32>,
          %get3A_556 = vector.shape_cast %get3A_555 : vector<1x16xf32> to vector<16xf32>
          %add3A_557 = arith.addf %add3A_548, %get3A_556 : vector<16xf32>
          %mul3A_558 = arith.constant 16 : i32
          %mul3A_559 = arith.muli %scan3A_24, %mul3A_558 : i32
          %add3A_560 = arith.constant 10 : i32
          %add3A_561 = arith.addi %mul3A_559, %add3A_560 : i32
          %get3A_562 = arith.index_cast %add3A_561 : i32 to index
          %get3A_563 = arith.constant 48 : index
          %get3A_564 = tpu.vector_load %arg5[%get3A_562, %get3A_563] {strides = array<i32>} : memref<400x128xf32, #tpu.memory_space<vmem>>, vector<1x16xf32>,
          %get3A_565 = vector.shape_cast %get3A_564 : vector<1x16xf32> to vector<16xf32>
          %add3A_566 = arith.addf %add3A_557, %get3A_565 : vector<16xf32>
          %mul3A_567 = arith.constant 16 : i32
          %mul3A_568 = arith.muli %scan3A_24, %mul3A_567 : i32
          %add3A_569 = arith.constant 11 : i32
          %add3A_570 = arith.addi %mul3A_568, %add3A_569 : i32
          %get3A_571 = arith.index_cast %add3A_570 : i32 to index
          %get3A_572 = arith.constant 48 : index
          %get3A_573 = tpu.vector_load %arg5[%get3A_571, %get3A_572] {strides = array<i32>} : memref<400x128xf32, #tpu.memory_space<vmem>>, vector<1x16xf32>,
          %get3A_574 = vector.shape_cast %get3A_573 : vector<1x16xf32> to vector<16xf32>
          %add3A_575 = arith.addf %add3A_566, %get3A_574 : vector<16xf32>
          %mul3A_576 = arith.constant 16 : i32
          %mul3A_577 = arith.muli %scan3A_24, %mul3A_576 : i32
          %add3A_578 = arith.constant 12 : i32
          %add3A_579 = arith.addi %mul3A_577, %add3A_578 : i32
          %get3A_580 = arith.index_cast %add3A_579 : i32 to index
          %get3A_581 = arith.constant 48 : index
          %get3A_582 = tpu.vector_load %arg5[%get3A_580, %get3A_581] {strides = array<i32>} : memref<400x128xf32, #tpu.memory_space<vmem>>, vector<1x16xf32>,
          %get3A_583 = vector.shape_cast %get3A_582 : vector<1x16xf32> to vector<16xf32>
          %add3A_584 = arith.addf %add3A_575, %get3A_583 : vector<16xf32>
          %mul3A_585 = arith.constant 16 : i32
          %mul3A_586 = arith.muli %scan3A_24, %mul3A_585 : i32
          %add3A_587 = arith.constant 13 : i32
          %add3A_588 = arith.addi %mul3A_586, %add3A_587 : i32
          %get3A_589 = arith.index_cast %add3A_588 : i32 to index
          %get3A_590 = arith.constant 48 : index
          %get3A_591 = tpu.vector_load %arg5[%get3A_589, %get3A_590] {strides = array<i32>} : memref<400x128xf32, #tpu.memory_space<vmem>>, vector<1x16xf32>,
          %get3A_592 = vector.shape_cast %get3A_591 : vector<1x16xf32> to vector<16xf32>
          %add3A_593 = arith.addf %add3A_584, %get3A_592 : vector<16xf32>
          %mul3A_594 = arith.constant 16 : i32
          %mul3A_595 = arith.muli %scan3A_24, %mul3A_594 : i32
          %add3A_596 = arith.constant 14 : i32
          %add3A_597 = arith.addi %mul3A_595, %add3A_596 : i32
          %get3A_598 = arith.index_cast %add3A_597 : i32 to index
          %get3A_599 = arith.constant 48 : index
          %get3A_600 = tpu.vector_load %arg5[%get3A_598, %get3A_599] {strides = array<i32>} : memref<400x128xf32, #tpu.memory_space<vmem>>, vector<1x16xf32>,
          %get3A_601 = vector.shape_cast %get3A_600 : vector<1x16xf32> to vector<16xf32>
          %add3A_602 = arith.addf %add3A_593, %get3A_601 : vector<16xf32>
          %mul3A_603 = arith.constant 16 : i32
          %mul3A_604 = arith.muli %scan3A_24, %mul3A_603 : i32
          %add3A_605 = arith.constant 15 : i32
          %add3A_606 = arith.addi %mul3A_604, %add3A_605 : i32
          %get3A_607 = arith.index_cast %add3A_606 : i32 to index
          %get3A_608 = arith.constant 48 : index
          %get3A_609 = tpu.vector_load %arg5[%get3A_607, %get3A_608] {strides = array<i32>} : memref<400x128xf32, #tpu.memory_space<vmem>>, vector<1x16xf32>,
          %get3A_610 = vector.shape_cast %get3A_609 : vector<1x16xf32> to vector<16xf32>
          %add3A_611 = arith.addf %add3A_602, %get3A_610 : vector<16xf32>
          %swap3A_612 = arith.index_cast %squeeze3A : i32 to index
          %swap3A_613 = arith.constant 48 : index
          %swap3A_614 = tpu.vector_load %arg7[%swap3A_612, %swap3A_613] {strides = array<i32>} : memref<128x128xf32, #tpu.memory_space<vmem>>, vector<1x16xf32>,
          %swap3A_615 = vector.shape_cast %swap3A_614 : vector<1x16xf32> to vector<16xf32>
          %swap3A_616 = vector.shape_cast %add3A_611 : vector<16xf32> to vector<1x16xf32>
          tpu.vector_store %arg7[%swap3A_612, %swap3A_613], %swap3A_616 {add = true, strides = array<i32>} : memref<128x128xf32, #tpu.memory_space<vmem>>, vector<1x16xf32>,
          %mul3A_617 = arith.constant 16 : i32
          %mul3A_618 = arith.muli %scan3A_24, %mul3A_617 : i32
          %get3A_619 = arith.index_cast %mul3A_618 : i32 to index
          %get3A_620 = arith.constant 64 : index
          %get3A_621 = tpu.vector_load %arg5[%get3A_619, %get3A_620] {strides = array<i32>} : memref<400x128xf32, #tpu.memory_space<vmem>>, vector<1x16xf32>,
          %get3A_622 = vector.shape_cast %get3A_621 : vector<1x16xf32> to vector<16xf32>
          %mul3A_623 = arith.constant 16 : i32
          %mul3A_624 = arith.muli %scan3A_24, %mul3A_623 : i32
          %add3A_625 = arith.constant 1 : i32
          %add3A_626 = arith.addi %mul3A_624, %add3A_625 : i32
          %get3A_627 = arith.index_cast %add3A_626 : i32 to index
          %get3A_628 = arith.constant 64 : index
          %get3A_629 = tpu.vector_load %arg5[%get3A_627, %get3A_628] {strides = array<i32>} : memref<400x128xf32, #tpu.memory_space<vmem>>, vector<1x16xf32>,
          %get3A_630 = vector.shape_cast %get3A_629 : vector<1x16xf32> to vector<16xf32>
          %add3A_631 = arith.addf %get3A_622, %get3A_630 : vector<16xf32>
          %mul3A_632 = arith.constant 16 : i32
          %mul3A_633 = arith.muli %scan3A_24, %mul3A_632 : i32
          %add3A_634 = arith.constant 2 : i32
          %add3A_635 = arith.addi %mul3A_633, %add3A_634 : i32
          %get3A_636 = arith.index_cast %add3A_635 : i32 to index
          %get3A_637 = arith.constant 64 : index
          %get3A_638 = tpu.vector_load %arg5[%get3A_636, %get3A_637] {strides = array<i32>} : memref<400x128xf32, #tpu.memory_space<vmem>>, vector<1x16xf32>,
          %get3A_639 = vector.shape_cast %get3A_638 : vector<1x16xf32> to vector<16xf32>
          %add3A_640 = arith.addf %add3A_631, %get3A_639 : vector<16xf32>
          %mul3A_641 = arith.constant 16 : i32
          %mul3A_642 = arith.muli %scan3A_24, %mul3A_641 : i32
          %add3A_643 = arith.constant 3 : i32
          %add3A_644 = arith.addi %mul3A_642, %add3A_643 : i32
          %get3A_645 = arith.index_cast %add3A_644 : i32 to index
          %get3A_646 = arith.constant 64 : index
          %get3A_647 = tpu.vector_load %arg5[%get3A_645, %get3A_646] {strides = array<i32>} : memref<400x128xf32, #tpu.memory_space<vmem>>, vector<1x16xf32>,
          %get3A_648 = vector.shape_cast %get3A_647 : vector<1x16xf32> to vector<16xf32>
          %add3A_649 = arith.addf %add3A_640, %get3A_648 : vector<16xf32>
          %mul3A_650 = arith.constant 16 : i32
          %mul3A_651 = arith.muli %scan3A_24, %mul3A_650 : i32
          %add3A_652 = arith.constant 4 : i32
          %add3A_653 = arith.addi %mul3A_651, %add3A_652 : i32
          %get3A_654 = arith.index_cast %add3A_653 : i32 to index
          %get3A_655 = arith.constant 64 : index
          %get3A_656 = tpu.vector_load %arg5[%get3A_654, %get3A_655] {strides = array<i32>} : memref<400x128xf32, #tpu.memory_space<vmem>>, vector<1x16xf32>,
          %get3A_657 = vector.shape_cast %get3A_656 : vector<1x16xf32> to vector<16xf32>
          %add3A_658 = arith.addf %add3A_649, %get3A_657 : vector<16xf32>
          %mul3A_659 = arith.constant 16 : i32
          %mul3A_660 = arith.muli %scan3A_24, %mul3A_659 : i32
          %add3A_661 = arith.constant 5 : i32
          %add3A_662 = arith.addi %mul3A_660, %add3A_661 : i32
          %get3A_663 = arith.index_cast %add3A_662 : i32 to index
          %get3A_664 = arith.constant 64 : index
          %get3A_665 = tpu.vector_load %arg5[%get3A_663, %get3A_664] {strides = array<i32>} : memref<400x128xf32, #tpu.memory_space<vmem>>, vector<1x16xf32>,
          %get3A_666 = vector.shape_cast %get3A_665 : vector<1x16xf32> to vector<16xf32>
          %add3A_667 = arith.addf %add3A_658, %get3A_666 : vector<16xf32>
          %mul3A_668 = arith.constant 16 : i32
          %mul3A_669 = arith.muli %scan3A_24, %mul3A_668 : i32
          %add3A_670 = arith.constant 6 : i32
          %add3A_671 = arith.addi %mul3A_669, %add3A_670 : i32
          %get3A_672 = arith.index_cast %add3A_671 : i32 to index
          %get3A_673 = arith.constant 64 : index
          %get3A_674 = tpu.vector_load %arg5[%get3A_672, %get3A_673] {strides = array<i32>} : memref<400x128xf32, #tpu.memory_space<vmem>>, vector<1x16xf32>,
          %get3A_675 = vector.shape_cast %get3A_674 : vector<1x16xf32> to vector<16xf32>
          %add3A_676 = arith.addf %add3A_667, %get3A_675 : vector<16xf32>
          %mul3A_677 = arith.constant 16 : i32
          %mul3A_678 = arith.muli %scan3A_24, %mul3A_677 : i32
          %add3A_679 = arith.constant 7 : i32
          %add3A_680 = arith.addi %mul3A_678, %add3A_679 : i32
          %get3A_681 = arith.index_cast %add3A_680 : i32 to index
          %get3A_682 = arith.constant 64 : index
          %get3A_683 = tpu.vector_load %arg5[%get3A_681, %get3A_682] {strides = array<i32>} : memref<400x128xf32, #tpu.memory_space<vmem>>, vector<1x16xf32>,
          %get3A_684 = vector.shape_cast %get3A_683 : vector<1x16xf32> to vector<16xf32>
          %add3A_685 = arith.addf %add3A_676, %get3A_684 : vector<16xf32>
          %mul3A_686 = arith.constant 16 : i32
          %mul3A_687 = arith.muli %scan3A_24, %mul3A_686 : i32
          %add3A_688 = arith.constant 8 : i32
          %add3A_689 = arith.addi %mul3A_687, %add3A_688 : i32
          %get3A_690 = arith.index_cast %add3A_689 : i32 to index
          %get3A_691 = arith.constant 64 : index
          %get3A_692 = tpu.vector_load %arg5[%get3A_690, %get3A_691] {strides = array<i32>} : memref<400x128xf32, #tpu.memory_space<vmem>>, vector<1x16xf32>,
          %get3A_693 = vector.shape_cast %get3A_692 : vector<1x16xf32> to vector<16xf32>
          %add3A_694 = arith.addf %add3A_685, %get3A_693 : vector<16xf32>
          %mul3A_695 = arith.constant 16 : i32
          %mul3A_696 = arith.muli %scan3A_24, %mul3A_695 : i32
          %add3A_697 = arith.constant 9 : i32
          %add3A_698 = arith.addi %mul3A_696, %add3A_697 : i32
          %get3A_699 = arith.index_cast %add3A_698 : i32 to index
          %get3A_700 = arith.constant 64 : index
          %get3A_701 = tpu.vector_load %arg5[%get3A_699, %get3A_700] {strides = array<i32>} : memref<400x128xf32, #tpu.memory_space<vmem>>, vector<1x16xf32>,
          %get3A_702 = vector.shape_cast %get3A_701 : vector<1x16xf32> to vector<16xf32>
          %add3A_703 = arith.addf %add3A_694, %get3A_702 : vector<16xf32>
          %mul3A_704 = arith.constant 16 : i32
          %mul3A_705 = arith.muli %scan3A_24, %mul3A_704 : i32
          %add3A_706 = arith.constant 10 : i32
          %add3A_707 = arith.addi %mul3A_705, %add3A_706 : i32
          %get3A_708 = arith.index_cast %add3A_707 : i32 to index
          %get3A_709 = arith.constant 64 : index
          %get3A_710 = tpu.vector_load %arg5[%get3A_708, %get3A_709] {strides = array<i32>} : memref<400x128xf32, #tpu.memory_space<vmem>>, vector<1x16xf32>,
          %get3A_711 = vector.shape_cast %get3A_710 : vector<1x16xf32> to vector<16xf32>
          %add3A_712 = arith.addf %add3A_703, %get3A_711 : vector<16xf32>
          %mul3A_713 = arith.constant 16 : i32
          %mul3A_714 = arith.muli %scan3A_24, %mul3A_713 : i32
          %add3A_715 = arith.constant 11 : i32
          %add3A_716 = arith.addi %mul3A_714, %add3A_715 : i32
          %get3A_717 = arith.index_cast %add3A_716 : i32 to index
          %get3A_718 = arith.constant 64 : index
          %get3A_719 = tpu.vector_load %arg5[%get3A_717, %get3A_718] {strides = array<i32>} : memref<400x128xf32, #tpu.memory_space<vmem>>, vector<1x16xf32>,
          %get3A_720 = vector.shape_cast %get3A_719 : vector<1x16xf32> to vector<16xf32>
          %add3A_721 = arith.addf %add3A_712, %get3A_720 : vector<16xf32>
          %mul3A_722 = arith.constant 16 : i32
          %mul3A_723 = arith.muli %scan3A_24, %mul3A_722 : i32
          %add3A_724 = arith.constant 12 : i32
          %add3A_725 = arith.addi %mul3A_723, %add3A_724 : i32
          %get3A_726 = arith.index_cast %add3A_725 : i32 to index
          %get3A_727 = arith.constant 64 : index
          %get3A_728 = tpu.vector_load %arg5[%get3A_726, %get3A_727] {strides = array<i32>} : memref<400x128xf32, #tpu.memory_space<vmem>>, vector<1x16xf32>,
          %get3A_729 = vector.shape_cast %get3A_728 : vector<1x16xf32> to vector<16xf32>
          %add3A_730 = arith.addf %add3A_721, %get3A_729 : vector<16xf32>
          %mul3A_731 = arith.constant 16 : i32
          %mul3A_732 = arith.muli %scan3A_24, %mul3A_731 : i32
          %add3A_733 = arith.constant 13 : i32
          %add3A_734 = arith.addi %mul3A_732, %add3A_733 : i32
          %get3A_735 = arith.index_cast %add3A_734 : i32 to index
          %get3A_736 = arith.constant 64 : index
          %get3A_737 = tpu.vector_load %arg5[%get3A_735, %get3A_736] {strides = array<i32>} : memref<400x128xf32, #tpu.memory_space<vmem>>, vector<1x16xf32>,
          %get3A_738 = vector.shape_cast %get3A_737 : vector<1x16xf32> to vector<16xf32>
          %add3A_739 = arith.addf %add3A_730, %get3A_738 : vector<16xf32>
          %mul3A_740 = arith.constant 16 : i32
          %mul3A_741 = arith.muli %scan3A_24, %mul3A_740 : i32
          %add3A_742 = arith.constant 14 : i32
          %add3A_743 = arith.addi %mul3A_741, %add3A_742 : i32
          %get3A_744 = arith.index_cast %add3A_743 : i32 to index
          %get3A_745 = arith.constant 64 : index
          %get3A_746 = tpu.vector_load %arg5[%get3A_744, %get3A_745] {strides = array<i32>} : memref<400x128xf32, #tpu.memory_space<vmem>>, vector<1x16xf32>,
          %get3A_747 = vector.shape_cast %get3A_746 : vector<1x16xf32> to vector<16xf32>
          %add3A_748 = arith.addf %add3A_739, %get3A_747 : vector<16xf32>
          %mul3A_749 = arith.constant 16 : i32
          %mul3A_750 = arith.muli %scan3A_24, %mul3A_749 : i32
          %add3A_751 = arith.constant 15 : i32
          %add3A_752 = arith.addi %mul3A_750, %add3A_751 : i32
          %get3A_753 = arith.index_cast %add3A_752 : i32 to index
          %get3A_754 = arith.constant 64 : index
          %get3A_755 = tpu.vector_load %arg5[%get3A_753, %get3A_754] {strides = array<i32>} : memref<400x128xf32, #tpu.memory_space<vmem>>, vector<1x16xf32>,
          %get3A_756 = vector.shape_cast %get3A_755 : vector<1x16xf32> to vector<16xf32>
          %add3A_757 = arith.addf %add3A_748, %get3A_756 : vector<16xf32>
          %swap3A_758 = arith.index_cast %squeeze3A : i32 to index
          %swap3A_759 = arith.constant 64 : index
          %swap3A_760 = tpu.vector_load %arg7[%swap3A_758, %swap3A_759] {strides = array<i32>} : memref<128x128xf32, #tpu.memory_space<vmem>>, vector<1x16xf32>,
          %swap3A_761 = vector.shape_cast %swap3A_760 : vector<1x16xf32> to vector<16xf32>
          %swap3A_762 = vector.shape_cast %add3A_757 : vector<16xf32> to vector<1x16xf32>
          tpu.vector_store %arg7[%swap3A_758, %swap3A_759], %swap3A_762 {add = true, strides = array<i32>} : memref<128x128xf32, #tpu.memory_space<vmem>>, vector<1x16xf32>,
          %mul3A_763 = arith.constant 16 : i32
          %mul3A_764 = arith.muli %scan3A_24, %mul3A_763 : i32
          %get3A_765 = arith.index_cast %mul3A_764 : i32 to index
          %get3A_766 = arith.constant 80 : index
          %get3A_767 = tpu.vector_load %arg5[%get3A_765, %get3A_766] {strides = array<i32>} : memref<400x128xf32, #tpu.memory_space<vmem>>, vector<1x16xf32>,
          %get3A_768 = vector.shape_cast %get3A_767 : vector<1x16xf32> to vector<16xf32>
          %mul3A_769 = arith.constant 16 : i32
          %mul3A_770 = arith.muli %scan3A_24, %mul3A_769 : i32
          %add3A_771 = arith.constant 1 : i32
          %add3A_772 = arith.addi %mul3A_770, %add3A_771 : i32
          %get3A_773 = arith.index_cast %add3A_772 : i32 to index
          %get3A_774 = arith.constant 80 : index
          %get3A_775 = tpu.vector_load %arg5[%get3A_773, %get3A_774] {strides = array<i32>} : memref<400x128xf32, #tpu.memory_space<vmem>>, vector<1x16xf32>,
          %get3A_776 = vector.shape_cast %get3A_775 : vector<1x16xf32> to vector<16xf32>
          %add3A_777 = arith.addf %get3A_768, %get3A_776 : vector<16xf32>
          %mul3A_778 = arith.constant 16 : i32
          %mul3A_779 = arith.muli %scan3A_24, %mul3A_778 : i32
          %add3A_780 = arith.constant 2 : i32
          %add3A_781 = arith.addi %mul3A_779, %add3A_780 : i32
          %get3A_782 = arith.index_cast %add3A_781 : i32 to index
          %get3A_783 = arith.constant 80 : index
          %get3A_784 = tpu.vector_load %arg5[%get3A_782, %get3A_783] {strides = array<i32>} : memref<400x128xf32, #tpu.memory_space<vmem>>, vector<1x16xf32>,
          %get3A_785 = vector.shape_cast %get3A_784 : vector<1x16xf32> to vector<16xf32>
          %add3A_786 = arith.addf %add3A_777, %get3A_785 : vector<16xf32>
          %mul3A_787 = arith.constant 16 : i32
          %mul3A_788 = arith.muli %scan3A_24, %mul3A_787 : i32
          %add3A_789 = arith.constant 3 : i32
          %add3A_790 = arith.addi %mul3A_788, %add3A_789 : i32
          %get3A_791 = arith.index_cast %add3A_790 : i32 to index
          %get3A_792 = arith.constant 80 : index
          %get3A_793 = tpu.vector_load %arg5[%get3A_791, %get3A_792] {strides = array<i32>} : memref<400x128xf32, #tpu.memory_space<vmem>>, vector<1x16xf32>,
          %get3A_794 = vector.shape_cast %get3A_793 : vector<1x16xf32> to vector<16xf32>
          %add3A_795 = arith.addf %add3A_786, %get3A_794 : vector<16xf32>
          %mul3A_796 = arith.constant 16 : i32
          %mul3A_797 = arith.muli %scan3A_24, %mul3A_796 : i32
          %add3A_798 = arith.constant 4 : i32
          %add3A_799 = arith.addi %mul3A_797, %add3A_798 : i32
          %get3A_800 = arith.index_cast %add3A_799 : i32 to index
          %get3A_801 = arith.constant 80 : index
          %get3A_802 = tpu.vector_load %arg5[%get3A_800, %get3A_801] {strides = array<i32>} : memref<400x128xf32, #tpu.memory_space<vmem>>, vector<1x16xf32>,
          %get3A_803 = vector.shape_cast %get3A_802 : vector<1x16xf32> to vector<16xf32>
          %add3A_804 = arith.addf %add3A_795, %get3A_803 : vector<16xf32>
          %mul3A_805 = arith.constant 16 : i32
          %mul3A_806 = arith.muli %scan3A_24, %mul3A_805 : i32
          %add3A_807 = arith.constant 5 : i32
          %add3A_808 = arith.addi %mul3A_806, %add3A_807 : i32
          %get3A_809 = arith.index_cast %add3A_808 : i32 to index
          %get3A_810 = arith.constant 80 : index
          %get3A_811 = tpu.vector_load %arg5[%get3A_809, %get3A_810] {strides = array<i32>} : memref<400x128xf32, #tpu.memory_space<vmem>>, vector<1x16xf32>,
          %get3A_812 = vector.shape_cast %get3A_811 : vector<1x16xf32> to vector<16xf32>
          %add3A_813 = arith.addf %add3A_804, %get3A_812 : vector<16xf32>
          %mul3A_814 = arith.constant 16 : i32
          %mul3A_815 = arith.muli %scan3A_24, %mul3A_814 : i32
          %add3A_816 = arith.constant 6 : i32
          %add3A_817 = arith.addi %mul3A_815, %add3A_816 : i32
          %get3A_818 = arith.index_cast %add3A_817 : i32 to index
          %get3A_819 = arith.constant 80 : index
          %get3A_820 = tpu.vector_load %arg5[%get3A_818, %get3A_819] {strides = array<i32>} : memref<400x128xf32, #tpu.memory_space<vmem>>, vector<1x16xf32>,
          %get3A_821 = vector.shape_cast %get3A_820 : vector<1x16xf32> to vector<16xf32>
          %add3A_822 = arith.addf %add3A_813, %get3A_821 : vector<16xf32>
          %mul3A_823 = arith.constant 16 : i32
          %mul3A_824 = arith.muli %scan3A_24, %mul3A_823 : i32
          %add3A_825 = arith.constant 7 : i32
          %add3A_826 = arith.addi %mul3A_824, %add3A_825 : i32
          %get3A_827 = arith.index_cast %add3A_826 : i32 to index
          %get3A_828 = arith.constant 80 : index
          %get3A_829 = tpu.vector_load %arg5[%get3A_827, %get3A_828] {strides = array<i32>} : memref<400x128xf32, #tpu.memory_space<vmem>>, vector<1x16xf32>,
          %get3A_830 = vector.shape_cast %get3A_829 : vector<1x16xf32> to vector<16xf32>
          %add3A_831 = arith.addf %add3A_822, %get3A_830 : vector<16xf32>
          %mul3A_832 = arith.constant 16 : i32
          %mul3A_833 = arith.muli %scan3A_24, %mul3A_832 : i32
          %add3A_834 = arith.constant 8 : i32
          %add3A_835 = arith.addi %mul3A_833, %add3A_834 : i32
          %get3A_836 = arith.index_cast %add3A_835 : i32 to index
          %get3A_837 = arith.constant 80 : index
          %get3A_838 = tpu.vector_load %arg5[%get3A_836, %get3A_837] {strides = array<i32>} : memref<400x128xf32, #tpu.memory_space<vmem>>, vector<1x16xf32>,
          %get3A_839 = vector.shape_cast %get3A_838 : vector<1x16xf32> to vector<16xf32>
          %add3A_840 = arith.addf %add3A_831, %get3A_839 : vector<16xf32>
          %mul3A_841 = arith.constant 16 : i32
          %mul3A_842 = arith.muli %scan3A_24, %mul3A_841 : i32
          %add3A_843 = arith.constant 9 : i32
          %add3A_844 = arith.addi %mul3A_842, %add3A_843 : i32
          %get3A_845 = arith.index_cast %add3A_844 : i32 to index
          %get3A_846 = arith.constant 80 : index
          %get3A_847 = tpu.vector_load %arg5[%get3A_845, %get3A_846] {strides = array<i32>} : memref<400x128xf32, #tpu.memory_space<vmem>>, vector<1x16xf32>,
          %get3A_848 = vector.shape_cast %get3A_847 : vector<1x16xf32> to vector<16xf32>
          %add3A_849 = arith.addf %add3A_840, %get3A_848 : vector<16xf32>
          %mul3A_850 = arith.constant 16 : i32
          %mul3A_851 = arith.muli %scan3A_24, %mul3A_850 : i32
          %add3A_852 = arith.constant 10 : i32
          %add3A_853 = arith.addi %mul3A_851, %add3A_852 : i32
          %get3A_854 = arith.index_cast %add3A_853 : i32 to index
          %get3A_855 = arith.constant 80 : index
          %get3A_856 = tpu.vector_load %arg5[%get3A_854, %get3A_855] {strides = array<i32>} : memref<400x128xf32, #tpu.memory_space<vmem>>, vector<1x16xf32>,
          %get3A_857 = vector.shape_cast %get3A_856 : vector<1x16xf32> to vector<16xf32>
          %add3A_858 = arith.addf %add3A_849, %get3A_857 : vector<16xf32>
          %mul3A_859 = arith.constant 16 : i32
          %mul3A_860 = arith.muli %scan3A_24, %mul3A_859 : i32
          %add3A_861 = arith.constant 11 : i32
          %add3A_862 = arith.addi %mul3A_860, %add3A_861 : i32
          %get3A_863 = arith.index_cast %add3A_862 : i32 to index
          %get3A_864 = arith.constant 80 : index
          %get3A_865 = tpu.vector_load %arg5[%get3A_863, %get3A_864] {strides = array<i32>} : memref<400x128xf32, #tpu.memory_space<vmem>>, vector<1x16xf32>,
          %get3A_866 = vector.shape_cast %get3A_865 : vector<1x16xf32> to vector<16xf32>
          %add3A_867 = arith.addf %add3A_858, %get3A_866 : vector<16xf32>
          %mul3A_868 = arith.constant 16 : i32
          %mul3A_869 = arith.muli %scan3A_24, %mul3A_868 : i32
          %add3A_870 = arith.constant 12 : i32
          %add3A_871 = arith.addi %mul3A_869, %add3A_870 : i32
          %get3A_872 = arith.index_cast %add3A_871 : i32 to index
          %get3A_873 = arith.constant 80 : index
          %get3A_874 = tpu.vector_load %arg5[%get3A_872, %get3A_873] {strides = array<i32>} : memref<400x128xf32, #tpu.memory_space<vmem>>, vector<1x16xf32>,
          %get3A_875 = vector.shape_cast %get3A_874 : vector<1x16xf32> to vector<16xf32>
          %add3A_876 = arith.addf %add3A_867, %get3A_875 : vector<16xf32>
          %mul3A_877 = arith.constant 16 : i32
          %mul3A_878 = arith.muli %scan3A_24, %mul3A_877 : i32
          %add3A_879 = arith.constant 13 : i32
          %add3A_880 = arith.addi %mul3A_878, %add3A_879 : i32
          %get3A_881 = arith.index_cast %add3A_880 : i32 to index
          %get3A_882 = arith.constant 80 : index
          %get3A_883 = tpu.vector_load %arg5[%get3A_881, %get3A_882] {strides = array<i32>} : memref<400x128xf32, #tpu.memory_space<vmem>>, vector<1x16xf32>,
          %get3A_884 = vector.shape_cast %get3A_883 : vector<1x16xf32> to vector<16xf32>
          %add3A_885 = arith.addf %add3A_876, %get3A_884 : vector<16xf32>
          %mul3A_886 = arith.constant 16 : i32
          %mul3A_887 = arith.muli %scan3A_24, %mul3A_886 : i32
          %add3A_888 = arith.constant 14 : i32
          %add3A_889 = arith.addi %mul3A_887, %add3A_888 : i32
          %get3A_890 = arith.index_cast %add3A_889 : i32 to index
          %get3A_891 = arith.constant 80 : index
          %get3A_892 = tpu.vector_load %arg5[%get3A_890, %get3A_891] {strides = array<i32>} : memref<400x128xf32, #tpu.memory_space<vmem>>, vector<1x16xf32>,
          %get3A_893 = vector.shape_cast %get3A_892 : vector<1x16xf32> to vector<16xf32>
          %add3A_894 = arith.addf %add3A_885, %get3A_893 : vector<16xf32>
          %mul3A_895 = arith.constant 16 : i32
          %mul3A_896 = arith.muli %scan3A_24, %mul3A_895 : i32
          %add3A_897 = arith.constant 15 : i32
          %add3A_898 = arith.addi %mul3A_896, %add3A_897 : i32
          %get3A_899 = arith.index_cast %add3A_898 : i32 to index
          %get3A_900 = arith.constant 80 : index
          %get3A_901 = tpu.vector_load %arg5[%get3A_899, %get3A_900] {strides = array<i32>} : memref<400x128xf32, #tpu.memory_space<vmem>>, vector<1x16xf32>,
          %get3A_902 = vector.shape_cast %get3A_901 : vector<1x16xf32> to vector<16xf32>
          %add3A_903 = arith.addf %add3A_894, %get3A_902 : vector<16xf32>
          %swap3A_904 = arith.index_cast %squeeze3A : i32 to index
          %swap3A_905 = arith.constant 80 : index
          %swap3A_906 = tpu.vector_load %arg7[%swap3A_904, %swap3A_905] {strides = array<i32>} : memref<128x128xf32, #tpu.memory_space<vmem>>, vector<1x16xf32>,
          %swap3A_907 = vector.shape_cast %swap3A_906 : vector<1x16xf32> to vector<16xf32>
          %swap3A_908 = vector.shape_cast %add3A_903 : vector<16xf32> to vector<1x16xf32>
          tpu.vector_store %arg7[%swap3A_904, %swap3A_905], %swap3A_908 {add = true, strides = array<i32>} : memref<128x128xf32, #tpu.memory_space<vmem>>, vector<1x16xf32>,
          %mul3A_909 = arith.constant 16 : i32
          %mul3A_910 = arith.muli %scan3A_24, %mul3A_909 : i32
          %get3A_911 = arith.index_cast %mul3A_910 : i32 to index
          %get3A_912 = arith.constant 96 : index
          %get3A_913 = tpu.vector_load %arg5[%get3A_911, %get3A_912] {strides = array<i32>} : memref<400x128xf32, #tpu.memory_space<vmem>>, vector<1x16xf32>,
          %get3A_914 = vector.shape_cast %get3A_913 : vector<1x16xf32> to vector<16xf32>
          %mul3A_915 = arith.constant 16 : i32
          %mul3A_916 = arith.muli %scan3A_24, %mul3A_915 : i32
          %add3A_917 = arith.constant 1 : i32
          %add3A_918 = arith.addi %mul3A_916, %add3A_917 : i32
          %get3A_919 = arith.index_cast %add3A_918 : i32 to index
          %get3A_920 = arith.constant 96 : index
          %get3A_921 = tpu.vector_load %arg5[%get3A_919, %get3A_920] {strides = array<i32>} : memref<400x128xf32, #tpu.memory_space<vmem>>, vector<1x16xf32>,
          %get3A_922 = vector.shape_cast %get3A_921 : vector<1x16xf32> to vector<16xf32>
          %add3A_923 = arith.addf %get3A_914, %get3A_922 : vector<16xf32>
          %mul3A_924 = arith.constant 16 : i32
          %mul3A_925 = arith.muli %scan3A_24, %mul3A_924 : i32
          %add3A_926 = arith.constant 2 : i32
          %add3A_927 = arith.addi %mul3A_925, %add3A_926 : i32
          %get3A_928 = arith.index_cast %add3A_927 : i32 to index
          %get3A_929 = arith.constant 96 : index
          %get3A_930 = tpu.vector_load %arg5[%get3A_928, %get3A_929] {strides = array<i32>} : memref<400x128xf32, #tpu.memory_space<vmem>>, vector<1x16xf32>,
          %get3A_931 = vector.shape_cast %get3A_930 : vector<1x16xf32> to vector<16xf32>
          %add3A_932 = arith.addf %add3A_923, %get3A_931 : vector<16xf32>
          %mul3A_933 = arith.constant 16 : i32
          %mul3A_934 = arith.muli %scan3A_24, %mul3A_933 : i32
          %add3A_935 = arith.constant 3 : i32
          %add3A_936 = arith.addi %mul3A_934, %add3A_935 : i32
          %get3A_937 = arith.index_cast %add3A_936 : i32 to index
          %get3A_938 = arith.constant 96 : index
          %get3A_939 = tpu.vector_load %arg5[%get3A_937, %get3A_938] {strides = array<i32>} : memref<400x128xf32, #tpu.memory_space<vmem>>, vector<1x16xf32>,
          %get3A_940 = vector.shape_cast %get3A_939 : vector<1x16xf32> to vector<16xf32>
          %add3A_941 = arith.addf %add3A_932, %get3A_940 : vector<16xf32>
          %mul3A_942 = arith.constant 16 : i32
          %mul3A_943 = arith.muli %scan3A_24, %mul3A_942 : i32
          %add3A_944 = arith.constant 4 : i32
          %add3A_945 = arith.addi %mul3A_943, %add3A_944 : i32
          %get3A_946 = arith.index_cast %add3A_945 : i32 to index
          %get3A_947 = arith.constant 96 : index
          %get3A_948 = tpu.vector_load %arg5[%get3A_946, %get3A_947] {strides = array<i32>} : memref<400x128xf32, #tpu.memory_space<vmem>>, vector<1x16xf32>,
          %get3A_949 = vector.shape_cast %get3A_948 : vector<1x16xf32> to vector<16xf32>
          %add3A_950 = arith.addf %add3A_941, %get3A_949 : vector<16xf32>
          %mul3A_951 = arith.constant 16 : i32
          %mul3A_952 = arith.muli %scan3A_24, %mul3A_951 : i32
          %add3A_953 = arith.constant 5 : i32
          %add3A_954 = arith.addi %mul3A_952, %add3A_953 : i32
          %get3A_955 = arith.index_cast %add3A_954 : i32 to index
          %get3A_956 = arith.constant 96 : index
          %get3A_957 = tpu.vector_load %arg5[%get3A_955, %get3A_956] {strides = array<i32>} : memref<400x128xf32, #tpu.memory_space<vmem>>, vector<1x16xf32>,
          %get3A_958 = vector.shape_cast %get3A_957 : vector<1x16xf32> to vector<16xf32>
          %add3A_959 = arith.addf %add3A_950, %get3A_958 : vector<16xf32>
          %mul3A_960 = arith.constant 16 : i32
          %mul3A_961 = arith.muli %scan3A_24, %mul3A_960 : i32
          %add3A_962 = arith.constant 6 : i32
          %add3A_963 = arith.addi %mul3A_961, %add3A_962 : i32
          %get3A_964 = arith.index_cast %add3A_963 : i32 to index
          %get3A_965 = arith.constant 96 : index
          %get3A_966 = tpu.vector_load %arg5[%get3A_964, %get3A_965] {strides = array<i32>} : memref<400x128xf32, #tpu.memory_space<vmem>>, vector<1x16xf32>,
          %get3A_967 = vector.shape_cast %get3A_966 : vector<1x16xf32> to vector<16xf32>
          %add3A_968 = arith.addf %add3A_959, %get3A_967 : vector<16xf32>
          %mul3A_969 = arith.constant 16 : i32
          %mul3A_970 = arith.muli %scan3A_24, %mul3A_969 : i32
          %add3A_971 = arith.constant 7 : i32
          %add3A_972 = arith.addi %mul3A_970, %add3A_971 : i32
          %get3A_973 = arith.index_cast %add3A_972 : i32 to index
          %get3A_974 = arith.constant 96 : index
          %get3A_975 = tpu.vector_load %arg5[%get3A_973, %get3A_974] {strides = array<i32>} : memref<400x128xf32, #tpu.memory_space<vmem>>, vector<1x16xf32>,
          %get3A_976 = vector.shape_cast %get3A_975 : vector<1x16xf32> to vector<16xf32>
          %add3A_977 = arith.addf %add3A_968, %get3A_976 : vector<16xf32>
          %mul3A_978 = arith.constant 16 : i32
          %mul3A_979 = arith.muli %scan3A_24, %mul3A_978 : i32
          %add3A_980 = arith.constant 8 : i32
          %add3A_981 = arith.addi %mul3A_979, %add3A_980 : i32
          %get3A_982 = arith.index_cast %add3A_981 : i32 to index
          %get3A_983 = arith.constant 96 : index
          %get3A_984 = tpu.vector_load %arg5[%get3A_982, %get3A_983] {strides = array<i32>} : memref<400x128xf32, #tpu.memory_space<vmem>>, vector<1x16xf32>,
          %get3A_985 = vector.shape_cast %get3A_984 : vector<1x16xf32> to vector<16xf32>
          %add3A_986 = arith.addf %add3A_977, %get3A_985 : vector<16xf32>
          %mul3A_987 = arith.constant 16 : i32
          %mul3A_988 = arith.muli %scan3A_24, %mul3A_987 : i32
          %add3A_989 = arith.constant 9 : i32
          %add3A_990 = arith.addi %mul3A_988, %add3A_989 : i32
          %get3A_991 = arith.index_cast %add3A_990 : i32 to index
          %get3A_992 = arith.constant 96 : index
          %get3A_993 = tpu.vector_load %arg5[%get3A_991, %get3A_992] {strides = array<i32>} : memref<400x128xf32, #tpu.memory_space<vmem>>, vector<1x16xf32>,
          %get3A_994 = vector.shape_cast %get3A_993 : vector<1x16xf32> to vector<16xf32>
          %add3A_995 = arith.addf %add3A_986, %get3A_994 : vector<16xf32>
          %mul3A_996 = arith.constant 16 : i32
          %mul3A_997 = arith.muli %scan3A_24, %mul3A_996 : i32
          %add3A_998 = arith.constant 10 : i32
          %add3A_999 = arith.addi %mul3A_997, %add3A_998 : i32
          %get3A_1000 = arith.index_cast %add3A_999 : i32 to index
          %get3A_1001 = arith.constant 96 : index
          %get3A_1002 = tpu.vector_load %arg5[%get3A_1000, %get3A_1001] {strides = array<i32>} : memref<400x128xf32, #tpu.memory_space<vmem>>, vector<1x16xf32>,
          %get3A_1003 = vector.shape_cast %get3A_1002 : vector<1x16xf32> to vector<16xf32>
          %add3A_1004 = arith.addf %add3A_995, %get3A_1003 : vector<16xf32>
          %mul3A_1005 = arith.constant 16 : i32
          %mul3A_1006 = arith.muli %scan3A_24, %mul3A_1005 : i32
          %add3A_1007 = arith.constant 11 : i32
          %add3A_1008 = arith.addi %mul3A_1006, %add3A_1007 : i32
          %get3A_1009 = arith.index_cast %add3A_1008 : i32 to index
          %get3A_1010 = arith.constant 96 : index
          %get3A_1011 = tpu.vector_load %arg5[%get3A_1009, %get3A_1010] {strides = array<i32>} : memref<400x128xf32, #tpu.memory_space<vmem>>, vector<1x16xf32>,
          %get3A_1012 = vector.shape_cast %get3A_1011 : vector<1x16xf32> to vector<16xf32>
          %add3A_1013 = arith.addf %add3A_1004, %get3A_1012 : vector<16xf32>
          %mul3A_1014 = arith.constant 16 : i32
          %mul3A_1015 = arith.muli %scan3A_24, %mul3A_1014 : i32
          %add3A_1016 = arith.constant 12 : i32
          %add3A_1017 = arith.addi %mul3A_1015, %add3A_1016 : i32
          %get3A_1018 = arith.index_cast %add3A_1017 : i32 to index
          %get3A_1019 = arith.constant 96 : index
          %get3A_1020 = tpu.vector_load %arg5[%get3A_1018, %get3A_1019] {strides = array<i32>} : memref<400x128xf32, #tpu.memory_space<vmem>>, vector<1x16xf32>,
          %get3A_1021 = vector.shape_cast %get3A_1020 : vector<1x16xf32> to vector<16xf32>
          %add3A_1022 = arith.addf %add3A_1013, %get3A_1021 : vector<16xf32>
          %mul3A_1023 = arith.constant 16 : i32
          %mul3A_1024 = arith.muli %scan3A_24, %mul3A_1023 : i32
          %add3A_1025 = arith.constant 13 : i32
          %add3A_1026 = arith.addi %mul3A_1024, %add3A_1025 : i32
          %get3A_1027 = arith.index_cast %add3A_1026 : i32 to index
          %get3A_1028 = arith.constant 96 : index
          %get3A_1029 = tpu.vector_load %arg5[%get3A_1027, %get3A_1028] {strides = array<i32>} : memref<400x128xf32, #tpu.memory_space<vmem>>, vector<1x16xf32>,
          %get3A_1030 = vector.shape_cast %get3A_1029 : vector<1x16xf32> to vector<16xf32>
          %add3A_1031 = arith.addf %add3A_1022, %get3A_1030 : vector<16xf32>
          %mul3A_1032 = arith.constant 16 : i32
          %mul3A_1033 = arith.muli %scan3A_24, %mul3A_1032 : i32
          %add3A_1034 = arith.constant 14 : i32
          %add3A_1035 = arith.addi %mul3A_1033, %add3A_1034 : i32
          %get3A_1036 = arith.index_cast %add3A_1035 : i32 to index
          %get3A_1037 = arith.constant 96 : index
          %get3A_1038 = tpu.vector_load %arg5[%get3A_1036, %get3A_1037] {strides = array<i32>} : memref<400x128xf32, #tpu.memory_space<vmem>>, vector<1x16xf32>,
          %get3A_1039 = vector.shape_cast %get3A_1038 : vector<1x16xf32> to vector<16xf32>
          %add3A_1040 = arith.addf %add3A_1031, %get3A_1039 : vector<16xf32>
          %mul3A_1041 = arith.constant 16 : i32
          %mul3A_1042 = arith.muli %scan3A_24, %mul3A_1041 : i32
          %add3A_1043 = arith.constant 15 : i32
          %add3A_1044 = arith.addi %mul3A_1042, %add3A_1043 : i32
          %get3A_1045 = arith.index_cast %add3A_1044 : i32 to index
          %get3A_1046 = arith.constant 96 : index
          %get3A_1047 = tpu.vector_load %arg5[%get3A_1045, %get3A_1046] {strides = array<i32>} : memref<400x128xf32, #tpu.memory_space<vmem>>, vector<1x16xf32>,
          %get3A_1048 = vector.shape_cast %get3A_1047 : vector<1x16xf32> to vector<16xf32>
          %add3A_1049 = arith.addf %add3A_1040, %get3A_1048 : vector<16xf32>
          %swap3A_1050 = arith.index_cast %squeeze3A : i32 to index
          %swap3A_1051 = arith.constant 96 : index
          %swap3A_1052 = tpu.vector_load %arg7[%swap3A_1050, %swap3A_1051] {strides = array<i32>} : memref<128x128xf32, #tpu.memory_space<vmem>>, vector<1x16xf32>,
          %swap3A_1053 = vector.shape_cast %swap3A_1052 : vector<1x16xf32> to vector<16xf32>
          %swap3A_1054 = vector.shape_cast %add3A_1049 : vector<16xf32> to vector<1x16xf32>
          tpu.vector_store %arg7[%swap3A_1050, %swap3A_1051], %swap3A_1054 {add = true, strides = array<i32>} : memref<128x128xf32, #tpu.memory_space<vmem>>, vector<1x16xf32>,
          %mul3A_1055 = arith.constant 16 : i32
          %mul3A_1056 = arith.muli %scan3A_24, %mul3A_1055 : i32
          %get3A_1057 = arith.index_cast %mul3A_1056 : i32 to index
          %get3A_1058 = arith.constant 112 : index
          %get3A_1059 = tpu.vector_load %arg5[%get3A_1057, %get3A_1058] {strides = array<i32>} : memref<400x128xf32, #tpu.memory_space<vmem>>, vector<1x16xf32>,
          %get3A_1060 = vector.shape_cast %get3A_1059 : vector<1x16xf32> to vector<16xf32>
          %mul3A_1061 = arith.constant 16 : i32
          %mul3A_1062 = arith.muli %scan3A_24, %mul3A_1061 : i32
          %add3A_1063 = arith.constant 1 : i32
          %add3A_1064 = arith.addi %mul3A_1062, %add3A_1063 : i32
          %get3A_1065 = arith.index_cast %add3A_1064 : i32 to index
          %get3A_1066 = arith.constant 112 : index
          %get3A_1067 = tpu.vector_load %arg5[%get3A_1065, %get3A_1066] {strides = array<i32>} : memref<400x128xf32, #tpu.memory_space<vmem>>, vector<1x16xf32>,
          %get3A_1068 = vector.shape_cast %get3A_1067 : vector<1x16xf32> to vector<16xf32>
          %add3A_1069 = arith.addf %get3A_1060, %get3A_1068 : vector<16xf32>
          %mul3A_1070 = arith.constant 16 : i32
          %mul3A_1071 = arith.muli %scan3A_24, %mul3A_1070 : i32
          %add3A_1072 = arith.constant 2 : i32
          %add3A_1073 = arith.addi %mul3A_1071, %add3A_1072 : i32
          %get3A_1074 = arith.index_cast %add3A_1073 : i32 to index
          %get3A_1075 = arith.constant 112 : index
          %get3A_1076 = tpu.vector_load %arg5[%get3A_1074, %get3A_1075] {strides = array<i32>} : memref<400x128xf32, #tpu.memory_space<vmem>>, vector<1x16xf32>,
          %get3A_1077 = vector.shape_cast %get3A_1076 : vector<1x16xf32> to vector<16xf32>
          %add3A_1078 = arith.addf %add3A_1069, %get3A_1077 : vector<16xf32>
          %mul3A_1079 = arith.constant 16 : i32
          %mul3A_1080 = arith.muli %scan3A_24, %mul3A_1079 : i32
          %add3A_1081 = arith.constant 3 : i32
          %add3A_1082 = arith.addi %mul3A_1080, %add3A_1081 : i32
          %get3A_1083 = arith.index_cast %add3A_1082 : i32 to index
          %get3A_1084 = arith.constant 112 : index
          %get3A_1085 = tpu.vector_load %arg5[%get3A_1083, %get3A_1084] {strides = array<i32>} : memref<400x128xf32, #tpu.memory_space<vmem>>, vector<1x16xf32>,
          %get3A_1086 = vector.shape_cast %get3A_1085 : vector<1x16xf32> to vector<16xf32>
          %add3A_1087 = arith.addf %add3A_1078, %get3A_1086 : vector<16xf32>
          %mul3A_1088 = arith.constant 16 : i32
          %mul3A_1089 = arith.muli %scan3A_24, %mul3A_1088 : i32
          %add3A_1090 = arith.constant 4 : i32
          %add3A_1091 = arith.addi %mul3A_1089, %add3A_1090 : i32
          %get3A_1092 = arith.index_cast %add3A_1091 : i32 to index
          %get3A_1093 = arith.constant 112 : index
          %get3A_1094 = tpu.vector_load %arg5[%get3A_1092, %get3A_1093] {strides = array<i32>} : memref<400x128xf32, #tpu.memory_space<vmem>>, vector<1x16xf32>,
          %get3A_1095 = vector.shape_cast %get3A_1094 : vector<1x16xf32> to vector<16xf32>
          %add3A_1096 = arith.addf %add3A_1087, %get3A_1095 : vector<16xf32>
          %mul3A_1097 = arith.constant 16 : i32
          %mul3A_1098 = arith.muli %scan3A_24, %mul3A_1097 : i32
          %add3A_1099 = arith.constant 5 : i32
          %add3A_1100 = arith.addi %mul3A_1098, %add3A_1099 : i32
          %get3A_1101 = arith.index_cast %add3A_1100 : i32 to index
          %get3A_1102 = arith.constant 112 : index
          %get3A_1103 = tpu.vector_load %arg5[%get3A_1101, %get3A_1102] {strides = array<i32>} : memref<400x128xf32, #tpu.memory_space<vmem>>, vector<1x16xf32>,
          %get3A_1104 = vector.shape_cast %get3A_1103 : vector<1x16xf32> to vector<16xf32>
          %add3A_1105 = arith.addf %add3A_1096, %get3A_1104 : vector<16xf32>
          %mul3A_1106 = arith.constant 16 : i32
          %mul3A_1107 = arith.muli %scan3A_24, %mul3A_1106 : i32
          %add3A_1108 = arith.constant 6 : i32
          %add3A_1109 = arith.addi %mul3A_1107, %add3A_1108 : i32
          %get3A_1110 = arith.index_cast %add3A_1109 : i32 to index
          %get3A_1111 = arith.constant 112 : index
          %get3A_1112 = tpu.vector_load %arg5[%get3A_1110, %get3A_1111] {strides = array<i32>} : memref<400x128xf32, #tpu.memory_space<vmem>>, vector<1x16xf32>,
          %get3A_1113 = vector.shape_cast %get3A_1112 : vector<1x16xf32> to vector<16xf32>
          %add3A_1114 = arith.addf %add3A_1105, %get3A_1113 : vector<16xf32>
          %mul3A_1115 = arith.constant 16 : i32
          %mul3A_1116 = arith.muli %scan3A_24, %mul3A_1115 : i32
          %add3A_1117 = arith.constant 7 : i32
          %add3A_1118 = arith.addi %mul3A_1116, %add3A_1117 : i32
          %get3A_1119 = arith.index_cast %add3A_1118 : i32 to index
          %get3A_1120 = arith.constant 112 : index
          %get3A_1121 = tpu.vector_load %arg5[%get3A_1119, %get3A_1120] {strides = array<i32>} : memref<400x128xf32, #tpu.memory_space<vmem>>, vector<1x16xf32>,
          %get3A_1122 = vector.shape_cast %get3A_1121 : vector<1x16xf32> to vector<16xf32>
          %add3A_1123 = arith.addf %add3A_1114, %get3A_1122 : vector<16xf32>
          %mul3A_1124 = arith.constant 16 : i32
          %mul3A_1125 = arith.muli %scan3A_24, %mul3A_1124 : i32
          %add3A_1126 = arith.constant 8 : i32
          %add3A_1127 = arith.addi %mul3A_1125, %add3A_1126 : i32
          %get3A_1128 = arith.index_cast %add3A_1127 : i32 to index
          %get3A_1129 = arith.constant 112 : index
          %get3A_1130 = tpu.vector_load %arg5[%get3A_1128, %get3A_1129] {strides = array<i32>} : memref<400x128xf32, #tpu.memory_space<vmem>>, vector<1x16xf32>,
          %get3A_1131 = vector.shape_cast %get3A_1130 : vector<1x16xf32> to vector<16xf32>
          %add3A_1132 = arith.addf %add3A_1123, %get3A_1131 : vector<16xf32>
          %mul3A_1133 = arith.constant 16 : i32
          %mul3A_1134 = arith.muli %scan3A_24, %mul3A_1133 : i32
          %add3A_1135 = arith.constant 9 : i32
          %add3A_1136 = arith.addi %mul3A_1134, %add3A_1135 : i32
          %get3A_1137 = arith.index_cast %add3A_1136 : i32 to index
          %get3A_1138 = arith.constant 112 : index
          %get3A_1139 = tpu.vector_load %arg5[%get3A_1137, %get3A_1138] {strides = array<i32>} : memref<400x128xf32, #tpu.memory_space<vmem>>, vector<1x16xf32>,
          %get3A_1140 = vector.shape_cast %get3A_1139 : vector<1x16xf32> to vector<16xf32>
          %add3A_1141 = arith.addf %add3A_1132, %get3A_1140 : vector<16xf32>
          %mul3A_1142 = arith.constant 16 : i32
          %mul3A_1143 = arith.muli %scan3A_24, %mul3A_1142 : i32
          %add3A_1144 = arith.constant 10 : i32
          %add3A_1145 = arith.addi %mul3A_1143, %add3A_1144 : i32
          %get3A_1146 = arith.index_cast %add3A_1145 : i32 to index
          %get3A_1147 = arith.constant 112 : index
          %get3A_1148 = tpu.vector_load %arg5[%get3A_1146, %get3A_1147] {strides = array<i32>} : memref<400x128xf32, #tpu.memory_space<vmem>>, vector<1x16xf32>,
          %get3A_1149 = vector.shape_cast %get3A_1148 : vector<1x16xf32> to vector<16xf32>
          %add3A_1150 = arith.addf %add3A_1141, %get3A_1149 : vector<16xf32>
          %mul3A_1151 = arith.constant 16 : i32
          %mul3A_1152 = arith.muli %scan3A_24, %mul3A_1151 : i32
          %add3A_1153 = arith.constant 11 : i32
          %add3A_1154 = arith.addi %mul3A_1152, %add3A_1153 : i32
          %get3A_1155 = arith.index_cast %add3A_1154 : i32 to index
          %get3A_1156 = arith.constant 112 : index
          %get3A_1157 = tpu.vector_load %arg5[%get3A_1155, %get3A_1156] {strides = array<i32>} : memref<400x128xf32, #tpu.memory_space<vmem>>, vector<1x16xf32>,
          %get3A_1158 = vector.shape_cast %get3A_1157 : vector<1x16xf32> to vector<16xf32>
          %add3A_1159 = arith.addf %add3A_1150, %get3A_1158 : vector<16xf32>
          %mul3A_1160 = arith.constant 16 : i32
          %mul3A_1161 = arith.muli %scan3A_24, %mul3A_1160 : i32
          %add3A_1162 = arith.constant 12 : i32
          %add3A_1163 = arith.addi %mul3A_1161, %add3A_1162 : i32
          %get3A_1164 = arith.index_cast %add3A_1163 : i32 to index
          %get3A_1165 = arith.constant 112 : index
          %get3A_1166 = tpu.vector_load %arg5[%get3A_1164, %get3A_1165] {strides = array<i32>} : memref<400x128xf32, #tpu.memory_space<vmem>>, vector<1x16xf32>,
          %get3A_1167 = vector.shape_cast %get3A_1166 : vector<1x16xf32> to vector<16xf32>
          %add3A_1168 = arith.addf %add3A_1159, %get3A_1167 : vector<16xf32>
          %mul3A_1169 = arith.constant 16 : i32
          %mul3A_1170 = arith.muli %scan3A_24, %mul3A_1169 : i32
          %add3A_1171 = arith.constant 13 : i32
          %add3A_1172 = arith.addi %mul3A_1170, %add3A_1171 : i32
          %get3A_1173 = arith.index_cast %add3A_1172 : i32 to index
          %get3A_1174 = arith.constant 112 : index
          %get3A_1175 = tpu.vector_load %arg5[%get3A_1173, %get3A_1174] {strides = array<i32>} : memref<400x128xf32, #tpu.memory_space<vmem>>, vector<1x16xf32>,
          %get3A_1176 = vector.shape_cast %get3A_1175 : vector<1x16xf32> to vector<16xf32>
          %add3A_1177 = arith.addf %add3A_1168, %get3A_1176 : vector<16xf32>
          %mul3A_1178 = arith.constant 16 : i32
          %mul3A_1179 = arith.muli %scan3A_24, %mul3A_1178 : i32
          %add3A_1180 = arith.constant 14 : i32
          %add3A_1181 = arith.addi %mul3A_1179, %add3A_1180 : i32
          %get3A_1182 = arith.index_cast %add3A_1181 : i32 to index
          %get3A_1183 = arith.constant 112 : index
          %get3A_1184 = tpu.vector_load %arg5[%get3A_1182, %get3A_1183] {strides = array<i32>} : memref<400x128xf32, #tpu.memory_space<vmem>>, vector<1x16xf32>,
          %get3A_1185 = vector.shape_cast %get3A_1184 : vector<1x16xf32> to vector<16xf32>
          %add3A_1186 = arith.addf %add3A_1177, %get3A_1185 : vector<16xf32>
          %mul3A_1187 = arith.constant 16 : i32
          %mul3A_1188 = arith.muli %scan3A_24, %mul3A_1187 : i32
          %add3A_1189 = arith.constant 15 : i32
          %add3A_1190 = arith.addi %mul3A_1188, %add3A_1189 : i32
          %get3A_1191 = arith.index_cast %add3A_1190 : i32 to index
          %get3A_1192 = arith.constant 112 : index
          %get3A_1193 = tpu.vector_load %arg5[%get3A_1191, %get3A_1192] {strides = array<i32>} : memref<400x128xf32, #tpu.memory_space<vmem>>, vector<1x16xf32>,
          %get3A_1194 = vector.shape_cast %get3A_1193 : vector<1x16xf32> to vector<16xf32>
          %add3A_1195 = arith.addf %add3A_1186, %get3A_1194 : vector<16xf32>
          %swap3A_1196 = arith.index_cast %squeeze3A : i32 to index
          %swap3A_1197 = arith.constant 112 : index
          %swap3A_1198 = tpu.vector_load %arg7[%swap3A_1196, %swap3A_1197] {strides = array<i32>} : memref<128x128xf32, #tpu.memory_space<vmem>>, vector<1x16xf32>,
          %swap3A_1199 = vector.shape_cast %swap3A_1198 : vector<1x16xf32> to vector<16xf32>
          %swap3A_1200 = vector.shape_cast %add3A_1195 : vector<16xf32> to vector<1x16xf32>
          tpu.vector_store %arg7[%swap3A_1196, %swap3A_1197], %swap3A_1200 {add = true, strides = array<i32>} : memref<128x128xf32, #tpu.memory_space<vmem>>, vector<1x16xf32>,
          %cond3A_1201 = arith.constant 0 : i32
          scf.yield %cond3A_1201 : i32
        } else {
          %slice3A_34 = vector.extract_strided_slice %get3A_28 {offsets = [0], sizes = [1], strides = [1]} : vector<16xi32> to vector<1xi32>
          %squeeze3A_35 = vector.extract %slice3A_34[0] : i32 from vector<1xi32>
          %mul3A_36 = arith.constant 16 : i32
          %mul3A_37 = arith.muli %scan3A_24, %mul3A_36 : i32
          %add3A_38 = arith.constant 0 : i32
          %add3A_39 = arith.addi %mul3A_37, %add3A_38 : i32
          %get3A_40 = arith.index_cast %add3A_39 : i32 to index
          %get3A_41 = arith.constant 0 : index
          %get3A_42 = tpu.vector_load %arg5[%get3A_40, %get3A_41] {strides = array<i32>} : memref<400x128xf32, #tpu.memory_space<vmem>>, vector<1x16xf32>,
          %get3A_43 = vector.shape_cast %get3A_42 : vector<1x16xf32> to vector<16xf32>
          %swap3A = arith.index_cast %squeeze3A_35 : i32 to index
          %swap3A_44 = arith.constant 0 : index
          %swap3A_45 = tpu.vector_load %arg7[%swap3A, %swap3A_44] {strides = array<i32>} : memref<128x128xf32, #tpu.memory_space<vmem>>, vector<1x16xf32>,
          %swap3A_46 = vector.shape_cast %swap3A_45 : vector<1x16xf32> to vector<16xf32>
          %swap3A_47 = vector.shape_cast %get3A_43 : vector<16xf32> to vector<1x16xf32>
          tpu.vector_store %arg7[%swap3A, %swap3A_44], %swap3A_47 {add = true, strides = array<i32>} : memref<128x128xf32, #tpu.memory_space<vmem>>, vector<1x16xf32>,
          %get3A_48 = arith.index_cast %add3A_39 : i32 to index
          %get3A_49 = arith.constant 16 : index
          %get3A_50 = tpu.vector_load %arg5[%get3A_48, %get3A_49] {strides = array<i32>} : memref<400x128xf32, #tpu.memory_space<vmem>>, vector<1x16xf32>,
          %get3A_51 = vector.shape_cast %get3A_50 : vector<1x16xf32> to vector<16xf32>
          %swap3A_52 = arith.index_cast %squeeze3A_35 : i32 to index
          %swap3A_53 = arith.constant 16 : index
          %swap3A_54 = tpu.vector_load %arg7[%swap3A_52, %swap3A_53] {strides = array<i32>} : memref<128x128xf32, #tpu.memory_space<vmem>>, vector<1x16xf32>,
          %swap3A_55 = vector.shape_cast %swap3A_54 : vector<1x16xf32> to vector<16xf32>
          %swap3A_56 = vector.shape_cast %get3A_51 : vector<16xf32> to vector<1x16xf32>
          tpu.vector_store %arg7[%swap3A_52, %swap3A_53], %swap3A_56 {add = true, strides = array<i32>} : memref<128x128xf32, #tpu.memory_space<vmem>>, vector<1x16xf32>,
          %get3A_57 = arith.index_cast %add3A_39 : i32 to index
          %get3A_58 = arith.constant 32 : index
          %get3A_59 = tpu.vector_load %arg5[%get3A_57, %get3A_58] {strides = array<i32>} : memref<400x128xf32, #tpu.memory_space<vmem>>, vector<1x16xf32>,
          %get3A_60 = vector.shape_cast %get3A_59 : vector<1x16xf32> to vector<16xf32>
          %swap3A_61 = arith.index_cast %squeeze3A_35 : i32 to index
          %swap3A_62 = arith.constant 32 : index
          %swap3A_63 = tpu.vector_load %arg7[%swap3A_61, %swap3A_62] {strides = array<i32>} : memref<128x128xf32, #tpu.memory_space<vmem>>, vector<1x16xf32>,
          %swap3A_64 = vector.shape_cast %swap3A_63 : vector<1x16xf32> to vector<16xf32>
          %swap3A_65 = vector.shape_cast %get3A_60 : vector<16xf32> to vector<1x16xf32>
          tpu.vector_store %arg7[%swap3A_61, %swap3A_62], %swap3A_65 {add = true, strides = array<i32>} : memref<128x128xf32, #tpu.memory_space<vmem>>, vector<1x16xf32>,
          %get3A_66 = arith.index_cast %add3A_39 : i32 to index
          %get3A_67 = arith.constant 48 : index
          %get3A_68 = tpu.vector_load %arg5[%get3A_66, %get3A_67] {strides = array<i32>} : memref<400x128xf32, #tpu.memory_space<vmem>>, vector<1x16xf32>,
          %get3A_69 = vector.shape_cast %get3A_68 : vector<1x16xf32> to vector<16xf32>
          %swap3A_70 = arith.index_cast %squeeze3A_35 : i32 to index
          %swap3A_71 = arith.constant 48 : index
          %swap3A_72 = tpu.vector_load %arg7[%swap3A_70, %swap3A_71] {strides = array<i32>} : memref<128x128xf32, #tpu.memory_space<vmem>>, vector<1x16xf32>,
          %swap3A_73 = vector.shape_cast %swap3A_72 : vector<1x16xf32> to vector<16xf32>
          %swap3A_74 = vector.shape_cast %get3A_69 : vector<16xf32> to vector<1x16xf32>
          tpu.vector_store %arg7[%swap3A_70, %swap3A_71], %swap3A_74 {add = true, strides = array<i32>} : memref<128x128xf32, #tpu.memory_space<vmem>>, vector<1x16xf32>,
          %get3A_75 = arith.index_cast %add3A_39 : i32 to index
          %get3A_76 = arith.constant 64 : index
          %get3A_77 = tpu.vector_load %arg5[%get3A_75, %get3A_76] {strides = array<i32>} : memref<400x128xf32, #tpu.memory_space<vmem>>, vector<1x16xf32>,
          %get3A_78 = vector.shape_cast %get3A_77 : vector<1x16xf32> to vector<16xf32>
          %swap3A_79 = arith.index_cast %squeeze3A_35 : i32 to index
          %swap3A_80 = arith.constant 64 : index
          %swap3A_81 = tpu.vector_load %arg7[%swap3A_79, %swap3A_80] {strides = array<i32>} : memref<128x128xf32, #tpu.memory_space<vmem>>, vector<1x16xf32>,
          %swap3A_82 = vector.shape_cast %swap3A_81 : vector<1x16xf32> to vector<16xf32>
          %swap3A_83 = vector.shape_cast %get3A_78 : vector<16xf32> to vector<1x16xf32>
          tpu.vector_store %arg7[%swap3A_79, %swap3A_80], %swap3A_83 {add = true, strides = array<i32>} : memref<128x128xf32, #tpu.memory_space<vmem>>, vector<1x16xf32>,
          %get3A_84 = arith.index_cast %add3A_39 : i32 to index
          %get3A_85 = arith.constant 80 : index
          %get3A_86 = tpu.vector_load %arg5[%get3A_84, %get3A_85] {strides = array<i32>} : memref<400x128xf32, #tpu.memory_space<vmem>>, vector<1x16xf32>,
          %get3A_87 = vector.shape_cast %get3A_86 : vector<1x16xf32> to vector<16xf32>
          %swap3A_88 = arith.index_cast %squeeze3A_35 : i32 to index
          %swap3A_89 = arith.constant 80 : index
          %swap3A_90 = tpu.vector_load %arg7[%swap3A_88, %swap3A_89] {strides = array<i32>} : memref<128x128xf32, #tpu.memory_space<vmem>>, vector<1x16xf32>,
          %swap3A_91 = vector.shape_cast %swap3A_90 : vector<1x16xf32> to vector<16xf32>
          %swap3A_92 = vector.shape_cast %get3A_87 : vector<16xf32> to vector<1x16xf32>
          tpu.vector_store %arg7[%swap3A_88, %swap3A_89], %swap3A_92 {add = true, strides = array<i32>} : memref<128x128xf32, #tpu.memory_space<vmem>>, vector<1x16xf32>,
          %get3A_93 = arith.index_cast %add3A_39 : i32 to index
          %get3A_94 = arith.constant 96 : index
          %get3A_95 = tpu.vector_load %arg5[%get3A_93, %get3A_94] {strides = array<i32>} : memref<400x128xf32, #tpu.memory_space<vmem>>, vector<1x16xf32>,
          %get3A_96 = vector.shape_cast %get3A_95 : vector<1x16xf32> to vector<16xf32>
          %swap3A_97 = arith.index_cast %squeeze3A_35 : i32 to index
          %swap3A_98 = arith.constant 96 : index
          %swap3A_99 = tpu.vector_load %arg7[%swap3A_97, %swap3A_98] {strides = array<i32>} : memref<128x128xf32, #tpu.memory_space<vmem>>, vector<1x16xf32>,
          %swap3A_100 = vector.shape_cast %swap3A_99 : vector<1x16xf32> to vector<16xf32>
          %swap3A_101 = vector.shape_cast %get3A_96 : vector<16xf32> to vector<1x16xf32>
          tpu.vector_store %arg7[%swap3A_97, %swap3A_98], %swap3A_101 {add = true, strides = array<i32>} : memref<128x128xf32, #tpu.memory_space<vmem>>, vector<1x16xf32>,
          %get3A_102 = arith.index_cast %add3A_39 : i32 to index
          %get3A_103 = arith.constant 112 : index
          %get3A_104 = tpu.vector_load %arg5[%get3A_102, %get3A_103] {strides = array<i32>} : memref<400x128xf32, #tpu.memory_space<vmem>>, vector<1x16xf32>,
          %get3A_105 = vector.shape_cast %get3A_104 : vector<1x16xf32> to vector<16xf32>
          %swap3A_106 = arith.index_cast %squeeze3A_35 : i32 to index
          %swap3A_107 = arith.constant 112 : index
          %swap3A_108 = tpu.vector_load %arg7[%swap3A_106, %swap3A_107] {strides = array<i32>} : memref<128x128xf32, #tpu.memory_space<vmem>>, vector<1x16xf32>,
          %swap3A_109 = vector.shape_cast %swap3A_108 : vector<1x16xf32> to vector<16xf32>
          %swap3A_110 = vector.shape_cast %get3A_105 : vector<16xf32> to vector<1x16xf32>
          tpu.vector_store %arg7[%swap3A_106, %swap3A_107], %swap3A_110 {add = true, strides = array<i32>} : memref<128x128xf32, #tpu.memory_space<vmem>>, vector<1x16xf32>,
          %slice3A_111 = vector.extract_strided_slice %get3A_28 {offsets = [1], sizes = [1], strides = [1]} : vector<16xi32> to vector<1xi32>
          %squeeze3A_112 = vector.extract %slice3A_111[0] : i32 from vector<1xi32>
          %mul3A_113 = arith.constant 16 : i32
          %mul3A_114 = arith.muli %scan3A_24, %mul3A_113 : i32
          %add3A_115 = arith.constant 1 : i32
          %add3A_116 = arith.addi %mul3A_114, %add3A_115 : i32
          %get3A_117 = arith.index_cast %add3A_116 : i32 to index
          %get3A_118 = arith.constant 0 : index
          %get3A_119 = tpu.vector_load %arg5[%get3A_117, %get3A_118] {strides = array<i32>} : memref<400x128xf32, #tpu.memory_space<vmem>>, vector<1x16xf32>,
          %get3A_120 = vector.shape_cast %get3A_119 : vector<1x16xf32> to vector<16xf32>
          %swap3A_121 = arith.index_cast %squeeze3A_112 : i32 to index
          %swap3A_122 = arith.constant 0 : index
          %swap3A_123 = tpu.vector_load %arg7[%swap3A_121, %swap3A_122] {strides = array<i32>} : memref<128x128xf32, #tpu.memory_space<vmem>>, vector<1x16xf32>,
          %swap3A_124 = vector.shape_cast %swap3A_123 : vector<1x16xf32> to vector<16xf32>
          %swap3A_125 = vector.shape_cast %get3A_120 : vector<16xf32> to vector<1x16xf32>
          tpu.vector_store %arg7[%swap3A_121, %swap3A_122], %swap3A_125 {add = true, strides = array<i32>} : memref<128x128xf32, #tpu.memory_space<vmem>>, vector<1x16xf32>,
          %get3A_126 = arith.index_cast %add3A_116 : i32 to index
          %get3A_127 = arith.constant 16 : index
          %get3A_128 = tpu.vector_load %arg5[%get3A_126, %get3A_127] {strides = array<i32>} : memref<400x128xf32, #tpu.memory_space<vmem>>, vector<1x16xf32>,
          %get3A_129 = vector.shape_cast %get3A_128 : vector<1x16xf32> to vector<16xf32>
          %swap3A_130 = arith.index_cast %squeeze3A_112 : i32 to index
          %swap3A_131 = arith.constant 16 : index
          %swap3A_132 = tpu.vector_load %arg7[%swap3A_130, %swap3A_131] {strides = array<i32>} : memref<128x128xf32, #tpu.memory_space<vmem>>, vector<1x16xf32>,
          %swap3A_133 = vector.shape_cast %swap3A_132 : vector<1x16xf32> to vector<16xf32>
          %swap3A_134 = vector.shape_cast %get3A_129 : vector<16xf32> to vector<1x16xf32>
          tpu.vector_store %arg7[%swap3A_130, %swap3A_131], %swap3A_134 {add = true, strides = array<i32>} : memref<128x128xf32, #tpu.memory_space<vmem>>, vector<1x16xf32>,
          %get3A_135 = arith.index_cast %add3A_116 : i32 to index
          %get3A_136 = arith.constant 32 : index
          %get3A_137 = tpu.vector_load %arg5[%get3A_135, %get3A_136] {strides = array<i32>} : memref<400x128xf32, #tpu.memory_space<vmem>>, vector<1x16xf32>,
          %get3A_138 = vector.shape_cast %get3A_137 : vector<1x16xf32> to vector<16xf32>
          %swap3A_139 = arith.index_cast %squeeze3A_112 : i32 to index
          %swap3A_140 = arith.constant 32 : index
          %swap3A_141 = tpu.vector_load %arg7[%swap3A_139, %swap3A_140] {strides = array<i32>} : memref<128x128xf32, #tpu.memory_space<vmem>>, vector<1x16xf32>,
          %swap3A_142 = vector.shape_cast %swap3A_141 : vector<1x16xf32> to vector<16xf32>
          %swap3A_143 = vector.shape_cast %get3A_138 : vector<16xf32> to vector<1x16xf32>
          tpu.vector_store %arg7[%swap3A_139, %swap3A_140], %swap3A_143 {add = true, strides = array<i32>} : memref<128x128xf32, #tpu.memory_space<vmem>>, vector<1x16xf32>,
          %get3A_144 = arith.index_cast %add3A_116 : i32 to index
          %get3A_145 = arith.constant 48 : index
          %get3A_146 = tpu.vector_load %arg5[%get3A_144, %get3A_145] {strides = array<i32>} : memref<400x128xf32, #tpu.memory_space<vmem>>, vector<1x16xf32>,
          %get3A_147 = vector.shape_cast %get3A_146 : vector<1x16xf32> to vector<16xf32>
          %swap3A_148 = arith.index_cast %squeeze3A_112 : i32 to index
          %swap3A_149 = arith.constant 48 : index
          %swap3A_150 = tpu.vector_load %arg7[%swap3A_148, %swap3A_149] {strides = array<i32>} : memref<128x128xf32, #tpu.memory_space<vmem>>, vector<1x16xf32>,
          %swap3A_151 = vector.shape_cast %swap3A_150 : vector<1x16xf32> to vector<16xf32>
          %swap3A_152 = vector.shape_cast %get3A_147 : vector<16xf32> to vector<1x16xf32>
          tpu.vector_store %arg7[%swap3A_148, %swap3A_149], %swap3A_152 {add = true, strides = array<i32>} : memref<128x128xf32, #tpu.memory_space<vmem>>, vector<1x16xf32>,
          %get3A_153 = arith.index_cast %add3A_116 : i32 to index
          %get3A_154 = arith.constant 64 : index
          %get3A_155 = tpu.vector_load %arg5[%get3A_153, %get3A_154] {strides = array<i32>} : memref<400x128xf32, #tpu.memory_space<vmem>>, vector<1x16xf32>,
          %get3A_156 = vector.shape_cast %get3A_155 : vector<1x16xf32> to vector<16xf32>
          %swap3A_157 = arith.index_cast %squeeze3A_112 : i32 to index
          %swap3A_158 = arith.constant 64 : index
          %swap3A_159 = tpu.vector_load %arg7[%swap3A_157, %swap3A_158] {strides = array<i32>} : memref<128x128xf32, #tpu.memory_space<vmem>>, vector<1x16xf32>,
          %swap3A_160 = vector.shape_cast %swap3A_159 : vector<1x16xf32> to vector<16xf32>
          %swap3A_161 = vector.shape_cast %get3A_156 : vector<16xf32> to vector<1x16xf32>
          tpu.vector_store %arg7[%swap3A_157, %swap3A_158], %swap3A_161 {add = true, strides = array<i32>} : memref<128x128xf32, #tpu.memory_space<vmem>>, vector<1x16xf32>,
          %get3A_162 = arith.index_cast %add3A_116 : i32 to index
          %get3A_163 = arith.constant 80 : index
          %get3A_164 = tpu.vector_load %arg5[%get3A_162, %get3A_163] {strides = array<i32>} : memref<400x128xf32, #tpu.memory_space<vmem>>, vector<1x16xf32>,
          %get3A_165 = vector.shape_cast %get3A_164 : vector<1x16xf32> to vector<16xf32>
          %swap3A_166 = arith.index_cast %squeeze3A_112 : i32 to index
          %swap3A_167 = arith.constant 80 : index
          %swap3A_168 = tpu.vector_load %arg7[%swap3A_166, %swap3A_167] {strides = array<i32>} : memref<128x128xf32, #tpu.memory_space<vmem>>, vector<1x16xf32>,
          %swap3A_169 = vector.shape_cast %swap3A_168 : vector<1x16xf32> to vector<16xf32>
          %swap3A_170 = vector.shape_cast %get3A_165 : vector<16xf32> to vector<1x16xf32>
          tpu.vector_store %arg7[%swap3A_166, %swap3A_167], %swap3A_170 {add = true, strides = array<i32>} : memref<128x128xf32, #tpu.memory_space<vmem>>, vector<1x16xf32>,
          %get3A_171 = arith.index_cast %add3A_116 : i32 to index
          %get3A_172 = arith.constant 96 : index
          %get3A_173 = tpu.vector_load %arg5[%get3A_171, %get3A_172] {strides = array<i32>} : memref<400x128xf32, #tpu.memory_space<vmem>>, vector<1x16xf32>,
          %get3A_174 = vector.shape_cast %get3A_173 : vector<1x16xf32> to vector<16xf32>
          %swap3A_175 = arith.index_cast %squeeze3A_112 : i32 to index
          %swap3A_176 = arith.constant 96 : index
          %swap3A_177 = tpu.vector_load %arg7[%swap3A_175, %swap3A_176] {strides = array<i32>} : memref<128x128xf32, #tpu.memory_space<vmem>>, vector<1x16xf32>,
          %swap3A_178 = vector.shape_cast %swap3A_177 : vector<1x16xf32> to vector<16xf32>
          %swap3A_179 = vector.shape_cast %get3A_174 : vector<16xf32> to vector<1x16xf32>
          tpu.vector_store %arg7[%swap3A_175, %swap3A_176], %swap3A_179 {add = true, strides = array<i32>} : memref<128x128xf32, #tpu.memory_space<vmem>>, vector<1x16xf32>,
          %get3A_180 = arith.index_cast %add3A_116 : i32 to index
          %get3A_181 = arith.constant 112 : index
          %get3A_182 = tpu.vector_load %arg5[%get3A_180, %get3A_181] {strides = array<i32>} : memref<400x128xf32, #tpu.memory_space<vmem>>, vector<1x16xf32>,
          %get3A_183 = vector.shape_cast %get3A_182 : vector<1x16xf32> to vector<16xf32>
          %swap3A_184 = arith.index_cast %squeeze3A_112 : i32 to index
          %swap3A_185 = arith.constant 112 : index
          %swap3A_186 = tpu.vector_load %arg7[%swap3A_184, %swap3A_185] {strides = array<i32>} : memref<128x128xf32, #tpu.memory_space<vmem>>, vector<1x16xf32>,
          %swap3A_187 = vector.shape_cast %swap3A_186 : vector<1x16xf32> to vector<16xf32>
          %swap3A_188 = vector.shape_cast %get3A_183 : vector<16xf32> to vector<1x16xf32>
          tpu.vector_store %arg7[%swap3A_184, %swap3A_185], %swap3A_188 {add = true, strides = array<i32>} : memref<128x128xf32, #tpu.memory_space<vmem>>, vector<1x16xf32>,
          %slice3A_189 = vector.extract_strided_slice %get3A_28 {offsets = [2], sizes = [1], strides = [1]} : vector<16xi32> to vector<1xi32>
          %squeeze3A_190 = vector.extract %slice3A_189[0] : i32 from vector<1xi32>
          %mul3A_191 = arith.constant 16 : i32
          %mul3A_192 = arith.muli %scan3A_24, %mul3A_191 : i32
          %add3A_193 = arith.constant 2 : i32
          %add3A_194 = arith.addi %mul3A_192, %add3A_193 : i32
          %get3A_195 = arith.index_cast %add3A_194 : i32 to index
          %get3A_196 = arith.constant 0 : index
          %get3A_197 = tpu.vector_load %arg5[%get3A_195, %get3A_196] {strides = array<i32>} : memref<400x128xf32, #tpu.memory_space<vmem>>, vector<1x16xf32>,
          %get3A_198 = vector.shape_cast %get3A_197 : vector<1x16xf32> to vector<16xf32>
          %swap3A_199 = arith.index_cast %squeeze3A_190 : i32 to index
          %swap3A_200 = arith.constant 0 : index
          %swap3A_201 = tpu.vector_load %arg7[%swap3A_199, %swap3A_200] {strides = array<i32>} : memref<128x128xf32, #tpu.memory_space<vmem>>, vector<1x16xf32>,
          %swap3A_202 = vector.shape_cast %swap3A_201 : vector<1x16xf32> to vector<16xf32>
          %swap3A_203 = vector.shape_cast %get3A_198 : vector<16xf32> to vector<1x16xf32>
          tpu.vector_store %arg7[%swap3A_199, %swap3A_200], %swap3A_203 {add = true, strides = array<i32>} : memref<128x128xf32, #tpu.memory_space<vmem>>, vector<1x16xf32>,
          %get3A_204 = arith.index_cast %add3A_194 : i32 to index
          %get3A_205 = arith.constant 16 : index
          %get3A_206 = tpu.vector_load %arg5[%get3A_204, %get3A_205] {strides = array<i32>} : memref<400x128xf32, #tpu.memory_space<vmem>>, vector<1x16xf32>,
          %get3A_207 = vector.shape_cast %get3A_206 : vector<1x16xf32> to vector<16xf32>
          %swap3A_208 = arith.index_cast %squeeze3A_190 : i32 to index
          %swap3A_209 = arith.constant 16 : index
          %swap3A_210 = tpu.vector_load %arg7[%swap3A_208, %swap3A_209] {strides = array<i32>} : memref<128x128xf32, #tpu.memory_space<vmem>>, vector<1x16xf32>,
          %swap3A_211 = vector.shape_cast %swap3A_210 : vector<1x16xf32> to vector<16xf32>
          %swap3A_212 = vector.shape_cast %get3A_207 : vector<16xf32> to vector<1x16xf32>
          tpu.vector_store %arg7[%swap3A_208, %swap3A_209], %swap3A_212 {add = true, strides = array<i32>} : memref<128x128xf32, #tpu.memory_space<vmem>>, vector<1x16xf32>,
          %get3A_213 = arith.index_cast %add3A_194 : i32 to index
          %get3A_214 = arith.constant 32 : index
          %get3A_215 = tpu.vector_load %arg5[%get3A_213, %get3A_214] {strides = array<i32>} : memref<400x128xf32, #tpu.memory_space<vmem>>, vector<1x16xf32>,
          %get3A_216 = vector.shape_cast %get3A_215 : vector<1x16xf32> to vector<16xf32>
          %swap3A_217 = arith.index_cast %squeeze3A_190 : i32 to index
          %swap3A_218 = arith.constant 32 : index
          %swap3A_219 = tpu.vector_load %arg7[%swap3A_217, %swap3A_218] {strides = array<i32>} : memref<128x128xf32, #tpu.memory_space<vmem>>, vector<1x16xf32>,
          %swap3A_220 = vector.shape_cast %swap3A_219 : vector<1x16xf32> to vector<16xf32>
          %swap3A_221 = vector.shape_cast %get3A_216 : vector<16xf32> to vector<1x16xf32>
          tpu.vector_store %arg7[%swap3A_217, %swap3A_218], %swap3A_221 {add = true, strides = array<i32>} : memref<128x128xf32, #tpu.memory_space<vmem>>, vector<1x16xf32>,
          %get3A_222 = arith.index_cast %add3A_194 : i32 to index
          %get3A_223 = arith.constant 48 : index
          %get3A_224 = tpu.vector_load %arg5[%get3A_222, %get3A_223] {strides = array<i32>} : memref<400x128xf32, #tpu.memory_space<vmem>>, vector<1x16xf32>,
          %get3A_225 = vector.shape_cast %get3A_224 : vector<1x16xf32> to vector<16xf32>
          %swap3A_226 = arith.index_cast %squeeze3A_190 : i32 to index
          %swap3A_227 = arith.constant 48 : index
          %swap3A_228 = tpu.vector_load %arg7[%swap3A_226, %swap3A_227] {strides = array<i32>} : memref<128x128xf32, #tpu.memory_space<vmem>>, vector<1x16xf32>,
          %swap3A_229 = vector.shape_cast %swap3A_228 : vector<1x16xf32> to vector<16xf32>
          %swap3A_230 = vector.shape_cast %get3A_225 : vector<16xf32> to vector<1x16xf32>
          tpu.vector_store %arg7[%swap3A_226, %swap3A_227], %swap3A_230 {add = true, strides = array<i32>} : memref<128x128xf32, #tpu.memory_space<vmem>>, vector<1x16xf32>,
          %get3A_231 = arith.index_cast %add3A_194 : i32 to index
          %get3A_232 = arith.constant 64 : index
          %get3A_233 = tpu.vector_load %arg5[%get3A_231, %get3A_232] {strides = array<i32>} : memref<400x128xf32, #tpu.memory_space<vmem>>, vector<1x16xf32>,
          %get3A_234 = vector.shape_cast %get3A_233 : vector<1x16xf32> to vector<16xf32>
          %swap3A_235 = arith.index_cast %squeeze3A_190 : i32 to index
          %swap3A_236 = arith.constant 64 : index
          %swap3A_237 = tpu.vector_load %arg7[%swap3A_235, %swap3A_236] {strides = array<i32>} : memref<128x128xf32, #tpu.memory_space<vmem>>, vector<1x16xf32>,
          %swap3A_238 = vector.shape_cast %swap3A_237 : vector<1x16xf32> to vector<16xf32>
          %swap3A_239 = vector.shape_cast %get3A_234 : vector<16xf32> to vector<1x16xf32>
          tpu.vector_store %arg7[%swap3A_235, %swap3A_236], %swap3A_239 {add = true, strides = array<i32>} : memref<128x128xf32, #tpu.memory_space<vmem>>, vector<1x16xf32>,
          %get3A_240 = arith.index_cast %add3A_194 : i32 to index
          %get3A_241 = arith.constant 80 : index
          %get3A_242 = tpu.vector_load %arg5[%get3A_240, %get3A_241] {strides = array<i32>} : memref<400x128xf32, #tpu.memory_space<vmem>>, vector<1x16xf32>,
          %get3A_243 = vector.shape_cast %get3A_242 : vector<1x16xf32> to vector<16xf32>
          %swap3A_244 = arith.index_cast %squeeze3A_190 : i32 to index
          %swap3A_245 = arith.constant 80 : index
          %swap3A_246 = tpu.vector_load %arg7[%swap3A_244, %swap3A_245] {strides = array<i32>} : memref<128x128xf32, #tpu.memory_space<vmem>>, vector<1x16xf32>,
          %swap3A_247 = vector.shape_cast %swap3A_246 : vector<1x16xf32> to vector<16xf32>
          %swap3A_248 = vector.shape_cast %get3A_243 : vector<16xf32> to vector<1x16xf32>
          tpu.vector_store %arg7[%swap3A_244, %swap3A_245], %swap3A_248 {add = true, strides = array<i32>} : memref<128x128xf32, #tpu.memory_space<vmem>>, vector<1x16xf32>,
          %get3A_249 = arith.index_cast %add3A_194 : i32 to index
          %get3A_250 = arith.constant 96 : index
          %get3A_251 = tpu.vector_load %arg5[%get3A_249, %get3A_250] {strides = array<i32>} : memref<400x128xf32, #tpu.memory_space<vmem>>, vector<1x16xf32>,
          %get3A_252 = vector.shape_cast %get3A_251 : vector<1x16xf32> to vector<16xf32>
          %swap3A_253 = arith.index_cast %squeeze3A_190 : i32 to index
          %swap3A_254 = arith.constant 96 : index
          %swap3A_255 = tpu.vector_load %arg7[%swap3A_253, %swap3A_254] {strides = array<i32>} : memref<128x128xf32, #tpu.memory_space<vmem>>, vector<1x16xf32>,
          %swap3A_256 = vector.shape_cast %swap3A_255 : vector<1x16xf32> to vector<16xf32>
          %swap3A_257 = vector.shape_cast %get3A_252 : vector<16xf32> to vector<1x16xf32>
          tpu.vector_store %arg7[%swap3A_253, %swap3A_254], %swap3A_257 {add = true, strides = array<i32>} : memref<128x128xf32, #tpu.memory_space<vmem>>, vector<1x16xf32>,
          %get3A_258 = arith.index_cast %add3A_194 : i32 to index
          %get3A_259 = arith.constant 112 : index
          %get3A_260 = tpu.vector_load %arg5[%get3A_258, %get3A_259] {strides = array<i32>} : memref<400x128xf32, #tpu.memory_space<vmem>>, vector<1x16xf32>,
          %get3A_261 = vector.shape_cast %get3A_260 : vector<1x16xf32> to vector<16xf32>
          %swap3A_262 = arith.index_cast %squeeze3A_190 : i32 to index
          %swap3A_263 = arith.constant 112 : index
          %swap3A_264 = tpu.vector_load %arg7[%swap3A_262, %swap3A_263] {strides = array<i32>} : memref<128x128xf32, #tpu.memory_space<vmem>>, vector<1x16xf32>,
          %swap3A_265 = vector.shape_cast %swap3A_264 : vector<1x16xf32> to vector<16xf32>
          %swap3A_266 = vector.shape_cast %get3A_261 : vector<16xf32> to vector<1x16xf32>
          tpu.vector_store %arg7[%swap3A_262, %swap3A_263], %swap3A_266 {add = true, strides = array<i32>} : memref<128x128xf32, #tpu.memory_space<vmem>>, vector<1x16xf32>,
          %slice3A_267 = vector.extract_strided_slice %get3A_28 {offsets = [3], sizes = [1], strides = [1]} : vector<16xi32> to vector<1xi32>
          %squeeze3A_268 = vector.extract %slice3A_267[0] : i32 from vector<1xi32>
          %mul3A_269 = arith.constant 16 : i32
          %mul3A_270 = arith.muli %scan3A_24, %mul3A_269 : i32
          %add3A_271 = arith.constant 3 : i32
          %add3A_272 = arith.addi %mul3A_270, %add3A_271 : i32
          %get3A_273 = arith.index_cast %add3A_272 : i32 to index
          %get3A_274 = arith.constant 0 : index
          %get3A_275 = tpu.vector_load %arg5[%get3A_273, %get3A_274] {strides = array<i32>} : memref<400x128xf32, #tpu.memory_space<vmem>>, vector<1x16xf32>,
          %get3A_276 = vector.shape_cast %get3A_275 : vector<1x16xf32> to vector<16xf32>
          %swap3A_277 = arith.index_cast %squeeze3A_268 : i32 to index
          %swap3A_278 = arith.constant 0 : index
          %swap3A_279 = tpu.vector_load %arg7[%swap3A_277, %swap3A_278] {strides = array<i32>} : memref<128x128xf32, #tpu.memory_space<vmem>>, vector<1x16xf32>,
          %swap3A_280 = vector.shape_cast %swap3A_279 : vector<1x16xf32> to vector<16xf32>
          %swap3A_281 = vector.shape_cast %get3A_276 : vector<16xf32> to vector<1x16xf32>
          tpu.vector_store %arg7[%swap3A_277, %swap3A_278], %swap3A_281 {add = true, strides = array<i32>} : memref<128x128xf32, #tpu.memory_space<vmem>>, vector<1x16xf32>,
          %get3A_282 = arith.index_cast %add3A_272 : i32 to index
          %get3A_283 = arith.constant 16 : index
          %get3A_284 = tpu.vector_load %arg5[%get3A_282, %get3A_283] {strides = array<i32>} : memref<400x128xf32, #tpu.memory_space<vmem>>, vector<1x16xf32>,
          %get3A_285 = vector.shape_cast %get3A_284 : vector<1x16xf32> to vector<16xf32>
          %swap3A_286 = arith.index_cast %squeeze3A_268 : i32 to index
          %swap3A_287 = arith.constant 16 : index
          %swap3A_288 = tpu.vector_load %arg7[%swap3A_286, %swap3A_287] {strides = array<i32>} : memref<128x128xf32, #tpu.memory_space<vmem>>, vector<1x16xf32>,
          %swap3A_289 = vector.shape_cast %swap3A_288 : vector<1x16xf32> to vector<16xf32>
          %swap3A_290 = vector.shape_cast %get3A_285 : vector<16xf32> to vector<1x16xf32>
          tpu.vector_store %arg7[%swap3A_286, %swap3A_287], %swap3A_290 {add = true, strides = array<i32>} : memref<128x128xf32, #tpu.memory_space<vmem>>, vector<1x16xf32>,
          %get3A_291 = arith.index_cast %add3A_272 : i32 to index
          %get3A_292 = arith.constant 32 : index
          %get3A_293 = tpu.vector_load %arg5[%get3A_291, %get3A_292] {strides = array<i32>} : memref<400x128xf32, #tpu.memory_space<vmem>>, vector<1x16xf32>,
          %get3A_294 = vector.shape_cast %get3A_293 : vector<1x16xf32> to vector<16xf32>
          %swap3A_295 = arith.index_cast %squeeze3A_268 : i32 to index
          %swap3A_296 = arith.constant 32 : index
          %swap3A_297 = tpu.vector_load %arg7[%swap3A_295, %swap3A_296] {strides = array<i32>} : memref<128x128xf32, #tpu.memory_space<vmem>>, vector<1x16xf32>,
          %swap3A_298 = vector.shape_cast %swap3A_297 : vector<1x16xf32> to vector<16xf32>
          %swap3A_299 = vector.shape_cast %get3A_294 : vector<16xf32> to vector<1x16xf32>
          tpu.vector_store %arg7[%swap3A_295, %swap3A_296], %swap3A_299 {add = true, strides = array<i32>} : memref<128x128xf32, #tpu.memory_space<vmem>>, vector<1x16xf32>,
          %get3A_300 = arith.index_cast %add3A_272 : i32 to index
          %get3A_301 = arith.constant 48 : index
          %get3A_302 = tpu.vector_load %arg5[%get3A_300, %get3A_301] {strides = array<i32>} : memref<400x128xf32, #tpu.memory_space<vmem>>, vector<1x16xf32>,
          %get3A_303 = vector.shape_cast %get3A_302 : vector<1x16xf32> to vector<16xf32>
          %swap3A_304 = arith.index_cast %squeeze3A_268 : i32 to index
          %swap3A_305 = arith.constant 48 : index
          %swap3A_306 = tpu.vector_load %arg7[%swap3A_304, %swap3A_305] {strides = array<i32>} : memref<128x128xf32, #tpu.memory_space<vmem>>, vector<1x16xf32>,
          %swap3A_307 = vector.shape_cast %swap3A_306 : vector<1x16xf32> to vector<16xf32>
          %swap3A_308 = vector.shape_cast %get3A_303 : vector<16xf32> to vector<1x16xf32>
          tpu.vector_store %arg7[%swap3A_304, %swap3A_305], %swap3A_308 {add = true, strides = array<i32>} : memref<128x128xf32, #tpu.memory_space<vmem>>, vector<1x16xf32>,
          %get3A_309 = arith.index_cast %add3A_272 : i32 to index
          %get3A_310 = arith.constant 64 : index
          %get3A_311 = tpu.vector_load %arg5[%get3A_309, %get3A_310] {strides = array<i32>} : memref<400x128xf32, #tpu.memory_space<vmem>>, vector<1x16xf32>,
          %get3A_312 = vector.shape_cast %get3A_311 : vector<1x16xf32> to vector<16xf32>
          %swap3A_313 = arith.index_cast %squeeze3A_268 : i32 to index
          %swap3A_314 = arith.constant 64 : index
          %swap3A_315 = tpu.vector_load %arg7[%swap3A_313, %swap3A_314] {strides = array<i32>} : memref<128x128xf32, #tpu.memory_space<vmem>>, vector<1x16xf32>,
          %swap3A_316 = vector.shape_cast %swap3A_315 : vector<1x16xf32> to vector<16xf32>
          %swap3A_317 = vector.shape_cast %get3A_312 : vector<16xf32> to vector<1x16xf32>
          tpu.vector_store %arg7[%swap3A_313, %swap3A_314], %swap3A_317 {add = true, strides = array<i32>} : memref<128x128xf32, #tpu.memory_space<vmem>>, vector<1x16xf32>,
          %get3A_318 = arith.index_cast %add3A_272 : i32 to index
          %get3A_319 = arith.constant 80 : index
          %get3A_320 = tpu.vector_load %arg5[%get3A_318, %get3A_319] {strides = array<i32>} : memref<400x128xf32, #tpu.memory_space<vmem>>, vector<1x16xf32>,
          %get3A_321 = vector.shape_cast %get3A_320 : vector<1x16xf32> to vector<16xf32>
          %swap3A_322 = arith.index_cast %squeeze3A_268 : i32 to index
          %swap3A_323 = arith.constant 80 : index
          %swap3A_324 = tpu.vector_load %arg7[%swap3A_322, %swap3A_323] {strides = array<i32>} : memref<128x128xf32, #tpu.memory_space<vmem>>, vector<1x16xf32>,
          %swap3A_325 = vector.shape_cast %swap3A_324 : vector<1x16xf32> to vector<16xf32>
          %swap3A_326 = vector.shape_cast %get3A_321 : vector<16xf32> to vector<1x16xf32>
          tpu.vector_store %arg7[%swap3A_322, %swap3A_323], %swap3A_326 {add = true, strides = array<i32>} : memref<128x128xf32, #tpu.memory_space<vmem>>, vector<1x16xf32>,
          %get3A_327 = arith.index_cast %add3A_272 : i32 to index
          %get3A_328 = arith.constant 96 : index
          %get3A_329 = tpu.vector_load %arg5[%get3A_327, %get3A_328] {strides = array<i32>} : memref<400x128xf32, #tpu.memory_space<vmem>>, vector<1x16xf32>,
          %get3A_330 = vector.shape_cast %get3A_329 : vector<1x16xf32> to vector<16xf32>
          %swap3A_331 = arith.index_cast %squeeze3A_268 : i32 to index
          %swap3A_332 = arith.constant 96 : index
          %swap3A_333 = tpu.vector_load %arg7[%swap3A_331, %swap3A_332] {strides = array<i32>} : memref<128x128xf32, #tpu.memory_space<vmem>>, vector<1x16xf32>,
          %swap3A_334 = vector.shape_cast %swap3A_333 : vector<1x16xf32> to vector<16xf32>
          %swap3A_335 = vector.shape_cast %get3A_330 : vector<16xf32> to vector<1x16xf32>
          tpu.vector_store %arg7[%swap3A_331, %swap3A_332], %swap3A_335 {add = true, strides = array<i32>} : memref<128x128xf32, #tpu.memory_space<vmem>>, vector<1x16xf32>,
          %get3A_336 = arith.index_cast %add3A_272 : i32 to index
          %get3A_337 = arith.constant 112 : index
          %get3A_338 = tpu.vector_load %arg5[%get3A_336, %get3A_337] {strides = array<i32>} : memref<400x128xf32, #tpu.memory_space<vmem>>, vector<1x16xf32>,
          %get3A_339 = vector.shape_cast %get3A_338 : vector<1x16xf32> to vector<16xf32>
          %swap3A_340 = arith.index_cast %squeeze3A_268 : i32 to index
          %swap3A_341 = arith.constant 112 : index
          %swap3A_342 = tpu.vector_load %arg7[%swap3A_340, %swap3A_341] {strides = array<i32>} : memref<128x128xf32, #tpu.memory_space<vmem>>, vector<1x16xf32>,
          %swap3A_343 = vector.shape_cast %swap3A_342 : vector<1x16xf32> to vector<16xf32>
          %swap3A_344 = vector.shape_cast %get3A_339 : vector<16xf32> to vector<1x16xf32>
          tpu.vector_store %arg7[%swap3A_340, %swap3A_341], %swap3A_344 {add = true, strides = array<i32>} : memref<128x128xf32, #tpu.memory_space<vmem>>, vector<1x16xf32>,
          %slice3A_345 = vector.extract_strided_slice %get3A_28 {offsets = [4], sizes = [1], strides = [1]} : vector<16xi32> to vector<1xi32>
          %squeeze3A_346 = vector.extract %slice3A_345[0] : i32 from vector<1xi32>
          %mul3A_347 = arith.constant 16 : i32
          %mul3A_348 = arith.muli %scan3A_24, %mul3A_347 : i32
          %add3A_349 = arith.constant 4 : i32
          %add3A_350 = arith.addi %mul3A_348, %add3A_349 : i32
          %get3A_351 = arith.index_cast %add3A_350 : i32 to index
          %get3A_352 = arith.constant 0 : index
          %get3A_353 = tpu.vector_load %arg5[%get3A_351, %get3A_352] {strides = array<i32>} : memref<400x128xf32, #tpu.memory_space<vmem>>, vector<1x16xf32>,
          %get3A_354 = vector.shape_cast %get3A_353 : vector<1x16xf32> to vector<16xf32>
          %swap3A_355 = arith.index_cast %squeeze3A_346 : i32 to index
          %swap3A_356 = arith.constant 0 : index
          %swap3A_357 = tpu.vector_load %arg7[%swap3A_355, %swap3A_356] {strides = array<i32>} : memref<128x128xf32, #tpu.memory_space<vmem>>, vector<1x16xf32>,
          %swap3A_358 = vector.shape_cast %swap3A_357 : vector<1x16xf32> to vector<16xf32>
          %swap3A_359 = vector.shape_cast %get3A_354 : vector<16xf32> to vector<1x16xf32>
          tpu.vector_store %arg7[%swap3A_355, %swap3A_356], %swap3A_359 {add = true, strides = array<i32>} : memref<128x128xf32, #tpu.memory_space<vmem>>, vector<1x16xf32>,
          %get3A_360 = arith.index_cast %add3A_350 : i32 to index
          %get3A_361 = arith.constant 16 : index
          %get3A_362 = tpu.vector_load %arg5[%get3A_360, %get3A_361] {strides = array<i32>} : memref<400x128xf32, #tpu.memory_space<vmem>>, vector<1x16xf32>,
          %get3A_363 = vector.shape_cast %get3A_362 : vector<1x16xf32> to vector<16xf32>
          %swap3A_364 = arith.index_cast %squeeze3A_346 : i32 to index
          %swap3A_365 = arith.constant 16 : index
          %swap3A_366 = tpu.vector_load %arg7[%swap3A_364, %swap3A_365] {strides = array<i32>} : memref<128x128xf32, #tpu.memory_space<vmem>>, vector<1x16xf32>,
          %swap3A_367 = vector.shape_cast %swap3A_366 : vector<1x16xf32> to vector<16xf32>
          %swap3A_368 = vector.shape_cast %get3A_363 : vector<16xf32> to vector<1x16xf32>
          tpu.vector_store %arg7[%swap3A_364, %swap3A_365], %swap3A_368 {add = true, strides = array<i32>} : memref<128x128xf32, #tpu.memory_space<vmem>>, vector<1x16xf32>,
          %get3A_369 = arith.index_cast %add3A_350 : i32 to index
          %get3A_370 = arith.constant 32 : index
          %get3A_371 = tpu.vector_load %arg5[%get3A_369, %get3A_370] {strides = array<i32>} : memref<400x128xf32, #tpu.memory_space<vmem>>, vector<1x16xf32>,
          %get3A_372 = vector.shape_cast %get3A_371 : vector<1x16xf32> to vector<16xf32>
          %swap3A_373 = arith.index_cast %squeeze3A_346 : i32 to index
          %swap3A_374 = arith.constant 32 : index
          %swap3A_375 = tpu.vector_load %arg7[%swap3A_373, %swap3A_374] {strides = array<i32>} : memref<128x128xf32, #tpu.memory_space<vmem>>, vector<1x16xf32>,
          %swap3A_376 = vector.shape_cast %swap3A_375 : vector<1x16xf32> to vector<16xf32>
          %swap3A_377 = vector.shape_cast %get3A_372 : vector<16xf32> to vector<1x16xf32>
          tpu.vector_store %arg7[%swap3A_373, %swap3A_374], %swap3A_377 {add = true, strides = array<i32>} : memref<128x128xf32, #tpu.memory_space<vmem>>, vector<1x16xf32>,
          %get3A_378 = arith.index_cast %add3A_350 : i32 to index
          %get3A_379 = arith.constant 48 : index
          %get3A_380 = tpu.vector_load %arg5[%get3A_378, %get3A_379] {strides = array<i32>} : memref<400x128xf32, #tpu.memory_space<vmem>>, vector<1x16xf32>,
          %get3A_381 = vector.shape_cast %get3A_380 : vector<1x16xf32> to vector<16xf32>
          %swap3A_382 = arith.index_cast %squeeze3A_346 : i32 to index
          %swap3A_383 = arith.constant 48 : index
          %swap3A_384 = tpu.vector_load %arg7[%swap3A_382, %swap3A_383] {strides = array<i32>} : memref<128x128xf32, #tpu.memory_space<vmem>>, vector<1x16xf32>,
          %swap3A_385 = vector.shape_cast %swap3A_384 : vector<1x16xf32> to vector<16xf32>
          %swap3A_386 = vector.shape_cast %get3A_381 : vector<16xf32> to vector<1x16xf32>
          tpu.vector_store %arg7[%swap3A_382, %swap3A_383], %swap3A_386 {add = true, strides = array<i32>} : memref<128x128xf32, #tpu.memory_space<vmem>>, vector<1x16xf32>,
          %get3A_387 = arith.index_cast %add3A_350 : i32 to index
          %get3A_388 = arith.constant 64 : index
          %get3A_389 = tpu.vector_load %arg5[%get3A_387, %get3A_388] {strides = array<i32>} : memref<400x128xf32, #tpu.memory_space<vmem>>, vector<1x16xf32>,
          %get3A_390 = vector.shape_cast %get3A_389 : vector<1x16xf32> to vector<16xf32>
          %swap3A_391 = arith.index_cast %squeeze3A_346 : i32 to index
          %swap3A_392 = arith.constant 64 : index
          %swap3A_393 = tpu.vector_load %arg7[%swap3A_391, %swap3A_392] {strides = array<i32>} : memref<128x128xf32, #tpu.memory_space<vmem>>, vector<1x16xf32>,
          %swap3A_394 = vector.shape_cast %swap3A_393 : vector<1x16xf32> to vector<16xf32>
          %swap3A_395 = vector.shape_cast %get3A_390 : vector<16xf32> to vector<1x16xf32>
          tpu.vector_store %arg7[%swap3A_391, %swap3A_392], %swap3A_395 {add = true, strides = array<i32>} : memref<128x128xf32, #tpu.memory_space<vmem>>, vector<1x16xf32>,
          %get3A_396 = arith.index_cast %add3A_350 : i32 to index
          %get3A_397 = arith.constant 80 : index
          %get3A_398 = tpu.vector_load %arg5[%get3A_396, %get3A_397] {strides = array<i32>} : memref<400x128xf32, #tpu.memory_space<vmem>>, vector<1x16xf32>,
          %get3A_399 = vector.shape_cast %get3A_398 : vector<1x16xf32> to vector<16xf32>
          %swap3A_400 = arith.index_cast %squeeze3A_346 : i32 to index
          %swap3A_401 = arith.constant 80 : index
          %swap3A_402 = tpu.vector_load %arg7[%swap3A_400, %swap3A_401] {strides = array<i32>} : memref<128x128xf32, #tpu.memory_space<vmem>>, vector<1x16xf32>,
          %swap3A_403 = vector.shape_cast %swap3A_402 : vector<1x16xf32> to vector<16xf32>
          %swap3A_404 = vector.shape_cast %get3A_399 : vector<16xf32> to vector<1x16xf32>
          tpu.vector_store %arg7[%swap3A_400, %swap3A_401], %swap3A_404 {add = true, strides = array<i32>} : memref<128x128xf32, #tpu.memory_space<vmem>>, vector<1x16xf32>,
          %get3A_405 = arith.index_cast %add3A_350 : i32 to index
          %get3A_406 = arith.constant 96 : index
          %get3A_407 = tpu.vector_load %arg5[%get3A_405, %get3A_406] {strides = array<i32>} : memref<400x128xf32, #tpu.memory_space<vmem>>, vector<1x16xf32>,
          %get3A_408 = vector.shape_cast %get3A_407 : vector<1x16xf32> to vector<16xf32>
          %swap3A_409 = arith.index_cast %squeeze3A_346 : i32 to index
          %swap3A_410 = arith.constant 96 : index
          %swap3A_411 = tpu.vector_load %arg7[%swap3A_409, %swap3A_410] {strides = array<i32>} : memref<128x128xf32, #tpu.memory_space<vmem>>, vector<1x16xf32>,
          %swap3A_412 = vector.shape_cast %swap3A_411 : vector<1x16xf32> to vector<16xf32>
          %swap3A_413 = vector.shape_cast %get3A_408 : vector<16xf32> to vector<1x16xf32>
          tpu.vector_store %arg7[%swap3A_409, %swap3A_410], %swap3A_413 {add = true, strides = array<i32>} : memref<128x128xf32, #tpu.memory_space<vmem>>, vector<1x16xf32>,
          %get3A_414 = arith.index_cast %add3A_350 : i32 to index
          %get3A_415 = arith.constant 112 : index
          %get3A_416 = tpu.vector_load %arg5[%get3A_414, %get3A_415] {strides = array<i32>} : memref<400x128xf32, #tpu.memory_space<vmem>>, vector<1x16xf32>,
          %get3A_417 = vector.shape_cast %get3A_416 : vector<1x16xf32> to vector<16xf32>
          %swap3A_418 = arith.index_cast %squeeze3A_346 : i32 to index
          %swap3A_419 = arith.constant 112 : index
          %swap3A_420 = tpu.vector_load %arg7[%swap3A_418, %swap3A_419] {strides = array<i32>} : memref<128x128xf32, #tpu.memory_space<vmem>>, vector<1x16xf32>,
          %swap3A_421 = vector.shape_cast %swap3A_420 : vector<1x16xf32> to vector<16xf32>
          %swap3A_422 = vector.shape_cast %get3A_417 : vector<16xf32> to vector<1x16xf32>
          tpu.vector_store %arg7[%swap3A_418, %swap3A_419], %swap3A_422 {add = true, strides = array<i32>} : memref<128x128xf32, #tpu.memory_space<vmem>>, vector<1x16xf32>,
          %slice3A_423 = vector.extract_strided_slice %get3A_28 {offsets = [5], sizes = [1], strides = [1]} : vector<16xi32> to vector<1xi32>
          %squeeze3A_424 = vector.extract %slice3A_423[0] : i32 from vector<1xi32>
          %mul3A_425 = arith.constant 16 : i32
          %mul3A_426 = arith.muli %scan3A_24, %mul3A_425 : i32
          %add3A_427 = arith.constant 5 : i32
          %add3A_428 = arith.addi %mul3A_426, %add3A_427 : i32
          %get3A_429 = arith.index_cast %add3A_428 : i32 to index
          %get3A_430 = arith.constant 0 : index
          %get3A_431 = tpu.vector_load %arg5[%get3A_429, %get3A_430] {strides = array<i32>} : memref<400x128xf32, #tpu.memory_space<vmem>>, vector<1x16xf32>,
          %get3A_432 = vector.shape_cast %get3A_431 : vector<1x16xf32> to vector<16xf32>
          %swap3A_433 = arith.index_cast %squeeze3A_424 : i32 to index
          %swap3A_434 = arith.constant 0 : index
          %swap3A_435 = tpu.vector_load %arg7[%swap3A_433, %swap3A_434] {strides = array<i32>} : memref<128x128xf32, #tpu.memory_space<vmem>>, vector<1x16xf32>,
          %swap3A_436 = vector.shape_cast %swap3A_435 : vector<1x16xf32> to vector<16xf32>
          %swap3A_437 = vector.shape_cast %get3A_432 : vector<16xf32> to vector<1x16xf32>
          tpu.vector_store %arg7[%swap3A_433, %swap3A_434], %swap3A_437 {add = true, strides = array<i32>} : memref<128x128xf32, #tpu.memory_space<vmem>>, vector<1x16xf32>,
          %get3A_438 = arith.index_cast %add3A_428 : i32 to index
          %get3A_439 = arith.constant 16 : index
          %get3A_440 = tpu.vector_load %arg5[%get3A_438, %get3A_439] {strides = array<i32>} : memref<400x128xf32, #tpu.memory_space<vmem>>, vector<1x16xf32>,
          %get3A_441 = vector.shape_cast %get3A_440 : vector<1x16xf32> to vector<16xf32>
          %swap3A_442 = arith.index_cast %squeeze3A_424 : i32 to index
          %swap3A_443 = arith.constant 16 : index
          %swap3A_444 = tpu.vector_load %arg7[%swap3A_442, %swap3A_443] {strides = array<i32>} : memref<128x128xf32, #tpu.memory_space<vmem>>, vector<1x16xf32>,
          %swap3A_445 = vector.shape_cast %swap3A_444 : vector<1x16xf32> to vector<16xf32>
          %swap3A_446 = vector.shape_cast %get3A_441 : vector<16xf32> to vector<1x16xf32>
          tpu.vector_store %arg7[%swap3A_442, %swap3A_443], %swap3A_446 {add = true, strides = array<i32>} : memref<128x128xf32, #tpu.memory_space<vmem>>, vector<1x16xf32>,
          %get3A_447 = arith.index_cast %add3A_428 : i32 to index
          %get3A_448 = arith.constant 32 : index
          %get3A_449 = tpu.vector_load %arg5[%get3A_447, %get3A_448] {strides = array<i32>} : memref<400x128xf32, #tpu.memory_space<vmem>>, vector<1x16xf32>,
          %get3A_450 = vector.shape_cast %get3A_449 : vector<1x16xf32> to vector<16xf32>
          %swap3A_451 = arith.index_cast %squeeze3A_424 : i32 to index
          %swap3A_452 = arith.constant 32 : index
          %swap3A_453 = tpu.vector_load %arg7[%swap3A_451, %swap3A_452] {strides = array<i32>} : memref<128x128xf32, #tpu.memory_space<vmem>>, vector<1x16xf32>,
          %swap3A_454 = vector.shape_cast %swap3A_453 : vector<1x16xf32> to vector<16xf32>
          %swap3A_455 = vector.shape_cast %get3A_450 : vector<16xf32> to vector<1x16xf32>
          tpu.vector_store %arg7[%swap3A_451, %swap3A_452], %swap3A_455 {add = true, strides = array<i32>} : memref<128x128xf32, #tpu.memory_space<vmem>>, vector<1x16xf32>,
          %get3A_456 = arith.index_cast %add3A_428 : i32 to index
          %get3A_457 = arith.constant 48 : index
          %get3A_458 = tpu.vector_load %arg5[%get3A_456, %get3A_457] {strides = array<i32>} : memref<400x128xf32, #tpu.memory_space<vmem>>, vector<1x16xf32>,
          %get3A_459 = vector.shape_cast %get3A_458 : vector<1x16xf32> to vector<16xf32>
          %swap3A_460 = arith.index_cast %squeeze3A_424 : i32 to index
          %swap3A_461 = arith.constant 48 : index
          %swap3A_462 = tpu.vector_load %arg7[%swap3A_460, %swap3A_461] {strides = array<i32>} : memref<128x128xf32, #tpu.memory_space<vmem>>, vector<1x16xf32>,
          %swap3A_463 = vector.shape_cast %swap3A_462 : vector<1x16xf32> to vector<16xf32>
          %swap3A_464 = vector.shape_cast %get3A_459 : vector<16xf32> to vector<1x16xf32>
          tpu.vector_store %arg7[%swap3A_460, %swap3A_461], %swap3A_464 {add = true, strides = array<i32>} : memref<128x128xf32, #tpu.memory_space<vmem>>, vector<1x16xf32>,
          %get3A_465 = arith.index_cast %add3A_428 : i32 to index
          %get3A_466 = arith.constant 64 : index
          %get3A_467 = tpu.vector_load %arg5[%get3A_465, %get3A_466] {strides = array<i32>} : memref<400x128xf32, #tpu.memory_space<vmem>>, vector<1x16xf32>,
          %get3A_468 = vector.shape_cast %get3A_467 : vector<1x16xf32> to vector<16xf32>
          %swap3A_469 = arith.index_cast %squeeze3A_424 : i32 to index
          %swap3A_470 = arith.constant 64 : index
          %swap3A_471 = tpu.vector_load %arg7[%swap3A_469, %swap3A_470] {strides = array<i32>} : memref<128x128xf32, #tpu.memory_space<vmem>>, vector<1x16xf32>,
          %swap3A_472 = vector.shape_cast %swap3A_471 : vector<1x16xf32> to vector<16xf32>
          %swap3A_473 = vector.shape_cast %get3A_468 : vector<16xf32> to vector<1x16xf32>
          tpu.vector_store %arg7[%swap3A_469, %swap3A_470], %swap3A_473 {add = true, strides = array<i32>} : memref<128x128xf32, #tpu.memory_space<vmem>>, vector<1x16xf32>,
          %get3A_474 = arith.index_cast %add3A_428 : i32 to index
          %get3A_475 = arith.constant 80 : index
          %get3A_476 = tpu.vector_load %arg5[%get3A_474, %get3A_475] {strides = array<i32>} : memref<400x128xf32, #tpu.memory_space<vmem>>, vector<1x16xf32>,
          %get3A_477 = vector.shape_cast %get3A_476 : vector<1x16xf32> to vector<16xf32>
          %swap3A_478 = arith.index_cast %squeeze3A_424 : i32 to index
          %swap3A_479 = arith.constant 80 : index
          %swap3A_480 = tpu.vector_load %arg7[%swap3A_478, %swap3A_479] {strides = array<i32>} : memref<128x128xf32, #tpu.memory_space<vmem>>, vector<1x16xf32>,
          %swap3A_481 = vector.shape_cast %swap3A_480 : vector<1x16xf32> to vector<16xf32>
          %swap3A_482 = vector.shape_cast %get3A_477 : vector<16xf32> to vector<1x16xf32>
          tpu.vector_store %arg7[%swap3A_478, %swap3A_479], %swap3A_482 {add = true, strides = array<i32>} : memref<128x128xf32, #tpu.memory_space<vmem>>, vector<1x16xf32>,
          %get3A_483 = arith.index_cast %add3A_428 : i32 to index
          %get3A_484 = arith.constant 96 : index
          %get3A_485 = tpu.vector_load %arg5[%get3A_483, %get3A_484] {strides = array<i32>} : memref<400x128xf32, #tpu.memory_space<vmem>>, vector<1x16xf32>,
          %get3A_486 = vector.shape_cast %get3A_485 : vector<1x16xf32> to vector<16xf32>
          %swap3A_487 = arith.index_cast %squeeze3A_424 : i32 to index
          %swap3A_488 = arith.constant 96 : index
          %swap3A_489 = tpu.vector_load %arg7[%swap3A_487, %swap3A_488] {strides = array<i32>} : memref<128x128xf32, #tpu.memory_space<vmem>>, vector<1x16xf32>,
          %swap3A_490 = vector.shape_cast %swap3A_489 : vector<1x16xf32> to vector<16xf32>
          %swap3A_491 = vector.shape_cast %get3A_486 : vector<16xf32> to vector<1x16xf32>
          tpu.vector_store %arg7[%swap3A_487, %swap3A_488], %swap3A_491 {add = true, strides = array<i32>} : memref<128x128xf32, #tpu.memory_space<vmem>>, vector<1x16xf32>,
          %get3A_492 = arith.index_cast %add3A_428 : i32 to index
          %get3A_493 = arith.constant 112 : index
          %get3A_494 = tpu.vector_load %arg5[%get3A_492, %get3A_493] {strides = array<i32>} : memref<400x128xf32, #tpu.memory_space<vmem>>, vector<1x16xf32>,
          %get3A_495 = vector.shape_cast %get3A_494 : vector<1x16xf32> to vector<16xf32>
          %swap3A_496 = arith.index_cast %squeeze3A_424 : i32 to index
          %swap3A_497 = arith.constant 112 : index
          %swap3A_498 = tpu.vector_load %arg7[%swap3A_496, %swap3A_497] {strides = array<i32>} : memref<128x128xf32, #tpu.memory_space<vmem>>, vector<1x16xf32>,
          %swap3A_499 = vector.shape_cast %swap3A_498 : vector<1x16xf32> to vector<16xf32>
          %swap3A_500 = vector.shape_cast %get3A_495 : vector<16xf32> to vector<1x16xf32>
          tpu.vector_store %arg7[%swap3A_496, %swap3A_497], %swap3A_500 {add = true, strides = array<i32>} : memref<128x128xf32, #tpu.memory_space<vmem>>, vector<1x16xf32>,
          %slice3A_501 = vector.extract_strided_slice %get3A_28 {offsets = [6], sizes = [1], strides = [1]} : vector<16xi32> to vector<1xi32>
          %squeeze3A_502 = vector.extract %slice3A_501[0] : i32 from vector<1xi32>
          %mul3A_503 = arith.constant 16 : i32
          %mul3A_504 = arith.muli %scan3A_24, %mul3A_503 : i32
          %add3A_505 = arith.constant 6 : i32
          %add3A_506 = arith.addi %mul3A_504, %add3A_505 : i32
          %get3A_507 = arith.index_cast %add3A_506 : i32 to index
          %get3A_508 = arith.constant 0 : index
          %get3A_509 = tpu.vector_load %arg5[%get3A_507, %get3A_508] {strides = array<i32>} : memref<400x128xf32, #tpu.memory_space<vmem>>, vector<1x16xf32>,
          %get3A_510 = vector.shape_cast %get3A_509 : vector<1x16xf32> to vector<16xf32>
          %swap3A_511 = arith.index_cast %squeeze3A_502 : i32 to index
          %swap3A_512 = arith.constant 0 : index
          %swap3A_513 = tpu.vector_load %arg7[%swap3A_511, %swap3A_512] {strides = array<i32>} : memref<128x128xf32, #tpu.memory_space<vmem>>, vector<1x16xf32>,
          %swap3A_514 = vector.shape_cast %swap3A_513 : vector<1x16xf32> to vector<16xf32>
          %swap3A_515 = vector.shape_cast %get3A_510 : vector<16xf32> to vector<1x16xf32>
          tpu.vector_store %arg7[%swap3A_511, %swap3A_512], %swap3A_515 {add = true, strides = array<i32>} : memref<128x128xf32, #tpu.memory_space<vmem>>, vector<1x16xf32>,
          %get3A_516 = arith.index_cast %add3A_506 : i32 to index
          %get3A_517 = arith.constant 16 : index
          %get3A_518 = tpu.vector_load %arg5[%get3A_516, %get3A_517] {strides = array<i32>} : memref<400x128xf32, #tpu.memory_space<vmem>>, vector<1x16xf32>,
          %get3A_519 = vector.shape_cast %get3A_518 : vector<1x16xf32> to vector<16xf32>
          %swap3A_520 = arith.index_cast %squeeze3A_502 : i32 to index
          %swap3A_521 = arith.constant 16 : index
          %swap3A_522 = tpu.vector_load %arg7[%swap3A_520, %swap3A_521] {strides = array<i32>} : memref<128x128xf32, #tpu.memory_space<vmem>>, vector<1x16xf32>,
          %swap3A_523 = vector.shape_cast %swap3A_522 : vector<1x16xf32> to vector<16xf32>
          %swap3A_524 = vector.shape_cast %get3A_519 : vector<16xf32> to vector<1x16xf32>
          tpu.vector_store %arg7[%swap3A_520, %swap3A_521], %swap3A_524 {add = true, strides = array<i32>} : memref<128x128xf32, #tpu.memory_space<vmem>>, vector<1x16xf32>,
          %get3A_525 = arith.index_cast %add3A_506 : i32 to index
          %get3A_526 = arith.constant 32 : index
          %get3A_527 = tpu.vector_load %arg5[%get3A_525, %get3A_526] {strides = array<i32>} : memref<400x128xf32, #tpu.memory_space<vmem>>, vector<1x16xf32>,
          %get3A_528 = vector.shape_cast %get3A_527 : vector<1x16xf32> to vector<16xf32>
          %swap3A_529 = arith.index_cast %squeeze3A_502 : i32 to index
          %swap3A_530 = arith.constant 32 : index
          %swap3A_531 = tpu.vector_load %arg7[%swap3A_529, %swap3A_530] {strides = array<i32>} : memref<128x128xf32, #tpu.memory_space<vmem>>, vector<1x16xf32>,
          %swap3A_532 = vector.shape_cast %swap3A_531 : vector<1x16xf32> to vector<16xf32>
          %swap3A_533 = vector.shape_cast %get3A_528 : vector<16xf32> to vector<1x16xf32>
          tpu.vector_store %arg7[%swap3A_529, %swap3A_530], %swap3A_533 {add = true, strides = array<i32>} : memref<128x128xf32, #tpu.memory_space<vmem>>, vector<1x16xf32>,
          %get3A_534 = arith.index_cast %add3A_506 : i32 to index
          %get3A_535 = arith.constant 48 : index
          %get3A_536 = tpu.vector_load %arg5[%get3A_534, %get3A_535] {strides = array<i32>} : memref<400x128xf32, #tpu.memory_space<vmem>>, vector<1x16xf32>,
          %get3A_537 = vector.shape_cast %get3A_536 : vector<1x16xf32> to vector<16xf32>
          %swap3A_538 = arith.index_cast %squeeze3A_502 : i32 to index
          %swap3A_539 = arith.constant 48 : index
          %swap3A_540 = tpu.vector_load %arg7[%swap3A_538, %swap3A_539] {strides = array<i32>} : memref<128x128xf32, #tpu.memory_space<vmem>>, vector<1x16xf32>,
          %swap3A_541 = vector.shape_cast %swap3A_540 : vector<1x16xf32> to vector<16xf32>
          %swap3A_542 = vector.shape_cast %get3A_537 : vector<16xf32> to vector<1x16xf32>
          tpu.vector_store %arg7[%swap3A_538, %swap3A_539], %swap3A_542 {add = true, strides = array<i32>} : memref<128x128xf32, #tpu.memory_space<vmem>>, vector<1x16xf32>,
          %get3A_543 = arith.index_cast %add3A_506 : i32 to index
          %get3A_544 = arith.constant 64 : index
          %get3A_545 = tpu.vector_load %arg5[%get3A_543, %get3A_544] {strides = array<i32>} : memref<400x128xf32, #tpu.memory_space<vmem>>, vector<1x16xf32>,
          %get3A_546 = vector.shape_cast %get3A_545 : vector<1x16xf32> to vector<16xf32>
          %swap3A_547 = arith.index_cast %squeeze3A_502 : i32 to index
          %swap3A_548 = arith.constant 64 : index
          %swap3A_549 = tpu.vector_load %arg7[%swap3A_547, %swap3A_548] {strides = array<i32>} : memref<128x128xf32, #tpu.memory_space<vmem>>, vector<1x16xf32>,
          %swap3A_550 = vector.shape_cast %swap3A_549 : vector<1x16xf32> to vector<16xf32>
          %swap3A_551 = vector.shape_cast %get3A_546 : vector<16xf32> to vector<1x16xf32>
          tpu.vector_store %arg7[%swap3A_547, %swap3A_548], %swap3A_551 {add = true, strides = array<i32>} : memref<128x128xf32, #tpu.memory_space<vmem>>, vector<1x16xf32>,
          %get3A_552 = arith.index_cast %add3A_506 : i32 to index
          %get3A_553 = arith.constant 80 : index
          %get3A_554 = tpu.vector_load %arg5[%get3A_552, %get3A_553] {strides = array<i32>} : memref<400x128xf32, #tpu.memory_space<vmem>>, vector<1x16xf32>,
          %get3A_555 = vector.shape_cast %get3A_554 : vector<1x16xf32> to vector<16xf32>
          %swap3A_556 = arith.index_cast %squeeze3A_502 : i32 to index
          %swap3A_557 = arith.constant 80 : index
          %swap3A_558 = tpu.vector_load %arg7[%swap3A_556, %swap3A_557] {strides = array<i32>} : memref<128x128xf32, #tpu.memory_space<vmem>>, vector<1x16xf32>,
          %swap3A_559 = vector.shape_cast %swap3A_558 : vector<1x16xf32> to vector<16xf32>
          %swap3A_560 = vector.shape_cast %get3A_555 : vector<16xf32> to vector<1x16xf32>
          tpu.vector_store %arg7[%swap3A_556, %swap3A_557], %swap3A_560 {add = true, strides = array<i32>} : memref<128x128xf32, #tpu.memory_space<vmem>>, vector<1x16xf32>,
          %get3A_561 = arith.index_cast %add3A_506 : i32 to index
          %get3A_562 = arith.constant 96 : index
          %get3A_563 = tpu.vector_load %arg5[%get3A_561, %get3A_562] {strides = array<i32>} : memref<400x128xf32, #tpu.memory_space<vmem>>, vector<1x16xf32>,
          %get3A_564 = vector.shape_cast %get3A_563 : vector<1x16xf32> to vector<16xf32>
          %swap3A_565 = arith.index_cast %squeeze3A_502 : i32 to index
          %swap3A_566 = arith.constant 96 : index
          %swap3A_567 = tpu.vector_load %arg7[%swap3A_565, %swap3A_566] {strides = array<i32>} : memref<128x128xf32, #tpu.memory_space<vmem>>, vector<1x16xf32>,
          %swap3A_568 = vector.shape_cast %swap3A_567 : vector<1x16xf32> to vector<16xf32>
          %swap3A_569 = vector.shape_cast %get3A_564 : vector<16xf32> to vector<1x16xf32>
          tpu.vector_store %arg7[%swap3A_565, %swap3A_566], %swap3A_569 {add = true, strides = array<i32>} : memref<128x128xf32, #tpu.memory_space<vmem>>, vector<1x16xf32>,
          %get3A_570 = arith.index_cast %add3A_506 : i32 to index
          %get3A_571 = arith.constant 112 : index
          %get3A_572 = tpu.vector_load %arg5[%get3A_570, %get3A_571] {strides = array<i32>} : memref<400x128xf32, #tpu.memory_space<vmem>>, vector<1x16xf32>,
          %get3A_573 = vector.shape_cast %get3A_572 : vector<1x16xf32> to vector<16xf32>
          %swap3A_574 = arith.index_cast %squeeze3A_502 : i32 to index
          %swap3A_575 = arith.constant 112 : index
          %swap3A_576 = tpu.vector_load %arg7[%swap3A_574, %swap3A_575] {strides = array<i32>} : memref<128x128xf32, #tpu.memory_space<vmem>>, vector<1x16xf32>,
          %swap3A_577 = vector.shape_cast %swap3A_576 : vector<1x16xf32> to vector<16xf32>
          %swap3A_578 = vector.shape_cast %get3A_573 : vector<16xf32> to vector<1x16xf32>
          tpu.vector_store %arg7[%swap3A_574, %swap3A_575], %swap3A_578 {add = true, strides = array<i32>} : memref<128x128xf32, #tpu.memory_space<vmem>>, vector<1x16xf32>,
          %slice3A_579 = vector.extract_strided_slice %get3A_28 {offsets = [7], sizes = [1], strides = [1]} : vector<16xi32> to vector<1xi32>
          %squeeze3A_580 = vector.extract %slice3A_579[0] : i32 from vector<1xi32>
          %mul3A_581 = arith.constant 16 : i32
          %mul3A_582 = arith.muli %scan3A_24, %mul3A_581 : i32
          %add3A_583 = arith.constant 7 : i32
          %add3A_584 = arith.addi %mul3A_582, %add3A_583 : i32
          %get3A_585 = arith.index_cast %add3A_584 : i32 to index
          %get3A_586 = arith.constant 0 : index
          %get3A_587 = tpu.vector_load %arg5[%get3A_585, %get3A_586] {strides = array<i32>} : memref<400x128xf32, #tpu.memory_space<vmem>>, vector<1x16xf32>,
          %get3A_588 = vector.shape_cast %get3A_587 : vector<1x16xf32> to vector<16xf32>
          %swap3A_589 = arith.index_cast %squeeze3A_580 : i32 to index
          %swap3A_590 = arith.constant 0 : index
          %swap3A_591 = tpu.vector_load %arg7[%swap3A_589, %swap3A_590] {strides = array<i32>} : memref<128x128xf32, #tpu.memory_space<vmem>>, vector<1x16xf32>,
          %swap3A_592 = vector.shape_cast %swap3A_591 : vector<1x16xf32> to vector<16xf32>
          %swap3A_593 = vector.shape_cast %get3A_588 : vector<16xf32> to vector<1x16xf32>
          tpu.vector_store %arg7[%swap3A_589, %swap3A_590], %swap3A_593 {add = true, strides = array<i32>} : memref<128x128xf32, #tpu.memory_space<vmem>>, vector<1x16xf32>,
          %get3A_594 = arith.index_cast %add3A_584 : i32 to index
          %get3A_595 = arith.constant 16 : index
          %get3A_596 = tpu.vector_load %arg5[%get3A_594, %get3A_595] {strides = array<i32>} : memref<400x128xf32, #tpu.memory_space<vmem>>, vector<1x16xf32>,
          %get3A_597 = vector.shape_cast %get3A_596 : vector<1x16xf32> to vector<16xf32>
          %swap3A_598 = arith.index_cast %squeeze3A_580 : i32 to index
          %swap3A_599 = arith.constant 16 : index
          %swap3A_600 = tpu.vector_load %arg7[%swap3A_598, %swap3A_599] {strides = array<i32>} : memref<128x128xf32, #tpu.memory_space<vmem>>, vector<1x16xf32>,
          %swap3A_601 = vector.shape_cast %swap3A_600 : vector<1x16xf32> to vector<16xf32>
          %swap3A_602 = vector.shape_cast %get3A_597 : vector<16xf32> to vector<1x16xf32>
          tpu.vector_store %arg7[%swap3A_598, %swap3A_599], %swap3A_602 {add = true, strides = array<i32>} : memref<128x128xf32, #tpu.memory_space<vmem>>, vector<1x16xf32>,
          %get3A_603 = arith.index_cast %add3A_584 : i32 to index
          %get3A_604 = arith.constant 32 : index
          %get3A_605 = tpu.vector_load %arg5[%get3A_603, %get3A_604] {strides = array<i32>} : memref<400x128xf32, #tpu.memory_space<vmem>>, vector<1x16xf32>,
          %get3A_606 = vector.shape_cast %get3A_605 : vector<1x16xf32> to vector<16xf32>
          %swap3A_607 = arith.index_cast %squeeze3A_580 : i32 to index
          %swap3A_608 = arith.constant 32 : index
          %swap3A_609 = tpu.vector_load %arg7[%swap3A_607, %swap3A_608] {strides = array<i32>} : memref<128x128xf32, #tpu.memory_space<vmem>>, vector<1x16xf32>,
          %swap3A_610 = vector.shape_cast %swap3A_609 : vector<1x16xf32> to vector<16xf32>
          %swap3A_611 = vector.shape_cast %get3A_606 : vector<16xf32> to vector<1x16xf32>
          tpu.vector_store %arg7[%swap3A_607, %swap3A_608], %swap3A_611 {add = true, strides = array<i32>} : memref<128x128xf32, #tpu.memory_space<vmem>>, vector<1x16xf32>,
          %get3A_612 = arith.index_cast %add3A_584 : i32 to index
          %get3A_613 = arith.constant 48 : index
          %get3A_614 = tpu.vector_load %arg5[%get3A_612, %get3A_613] {strides = array<i32>} : memref<400x128xf32, #tpu.memory_space<vmem>>, vector<1x16xf32>,
          %get3A_615 = vector.shape_cast %get3A_614 : vector<1x16xf32> to vector<16xf32>
          %swap3A_616 = arith.index_cast %squeeze3A_580 : i32 to index
          %swap3A_617 = arith.constant 48 : index
          %swap3A_618 = tpu.vector_load %arg7[%swap3A_616, %swap3A_617] {strides = array<i32>} : memref<128x128xf32, #tpu.memory_space<vmem>>, vector<1x16xf32>,
          %swap3A_619 = vector.shape_cast %swap3A_618 : vector<1x16xf32> to vector<16xf32>
          %swap3A_620 = vector.shape_cast %get3A_615 : vector<16xf32> to vector<1x16xf32>
          tpu.vector_store %arg7[%swap3A_616, %swap3A_617], %swap3A_620 {add = true, strides = array<i32>} : memref<128x128xf32, #tpu.memory_space<vmem>>, vector<1x16xf32>,
          %get3A_621 = arith.index_cast %add3A_584 : i32 to index
          %get3A_622 = arith.constant 64 : index
          %get3A_623 = tpu.vector_load %arg5[%get3A_621, %get3A_622] {strides = array<i32>} : memref<400x128xf32, #tpu.memory_space<vmem>>, vector<1x16xf32>,
          %get3A_624 = vector.shape_cast %get3A_623 : vector<1x16xf32> to vector<16xf32>
          %swap3A_625 = arith.index_cast %squeeze3A_580 : i32 to index
          %swap3A_626 = arith.constant 64 : index
          %swap3A_627 = tpu.vector_load %arg7[%swap3A_625, %swap3A_626] {strides = array<i32>} : memref<128x128xf32, #tpu.memory_space<vmem>>, vector<1x16xf32>,
          %swap3A_628 = vector.shape_cast %swap3A_627 : vector<1x16xf32> to vector<16xf32>
          %swap3A_629 = vector.shape_cast %get3A_624 : vector<16xf32> to vector<1x16xf32>
          tpu.vector_store %arg7[%swap3A_625, %swap3A_626], %swap3A_629 {add = true, strides = array<i32>} : memref<128x128xf32, #tpu.memory_space<vmem>>, vector<1x16xf32>,
          %get3A_630 = arith.index_cast %add3A_584 : i32 to index
          %get3A_631 = arith.constant 80 : index
          %get3A_632 = tpu.vector_load %arg5[%get3A_630, %get3A_631] {strides = array<i32>} : memref<400x128xf32, #tpu.memory_space<vmem>>, vector<1x16xf32>,
          %get3A_633 = vector.shape_cast %get3A_632 : vector<1x16xf32> to vector<16xf32>
          %swap3A_634 = arith.index_cast %squeeze3A_580 : i32 to index
          %swap3A_635 = arith.constant 80 : index
          %swap3A_636 = tpu.vector_load %arg7[%swap3A_634, %swap3A_635] {strides = array<i32>} : memref<128x128xf32, #tpu.memory_space<vmem>>, vector<1x16xf32>,
          %swap3A_637 = vector.shape_cast %swap3A_636 : vector<1x16xf32> to vector<16xf32>
          %swap3A_638 = vector.shape_cast %get3A_633 : vector<16xf32> to vector<1x16xf32>
          tpu.vector_store %arg7[%swap3A_634, %swap3A_635], %swap3A_638 {add = true, strides = array<i32>} : memref<128x128xf32, #tpu.memory_space<vmem>>, vector<1x16xf32>,
          %get3A_639 = arith.index_cast %add3A_584 : i32 to index
          %get3A_640 = arith.constant 96 : index
          %get3A_641 = tpu.vector_load %arg5[%get3A_639, %get3A_640] {strides = array<i32>} : memref<400x128xf32, #tpu.memory_space<vmem>>, vector<1x16xf32>,
          %get3A_642 = vector.shape_cast %get3A_641 : vector<1x16xf32> to vector<16xf32>
          %swap3A_643 = arith.index_cast %squeeze3A_580 : i32 to index
          %swap3A_644 = arith.constant 96 : index
          %swap3A_645 = tpu.vector_load %arg7[%swap3A_643, %swap3A_644] {strides = array<i32>} : memref<128x128xf32, #tpu.memory_space<vmem>>, vector<1x16xf32>,
          %swap3A_646 = vector.shape_cast %swap3A_645 : vector<1x16xf32> to vector<16xf32>
          %swap3A_647 = vector.shape_cast %get3A_642 : vector<16xf32> to vector<1x16xf32>
          tpu.vector_store %arg7[%swap3A_643, %swap3A_644], %swap3A_647 {add = true, strides = array<i32>} : memref<128x128xf32, #tpu.memory_space<vmem>>, vector<1x16xf32>,
          %get3A_648 = arith.index_cast %add3A_584 : i32 to index
          %get3A_649 = arith.constant 112 : index
          %get3A_650 = tpu.vector_load %arg5[%get3A_648, %get3A_649] {strides = array<i32>} : memref<400x128xf32, #tpu.memory_space<vmem>>, vector<1x16xf32>,
          %get3A_651 = vector.shape_cast %get3A_650 : vector<1x16xf32> to vector<16xf32>
          %swap3A_652 = arith.index_cast %squeeze3A_580 : i32 to index
          %swap3A_653 = arith.constant 112 : index
          %swap3A_654 = tpu.vector_load %arg7[%swap3A_652, %swap3A_653] {strides = array<i32>} : memref<128x128xf32, #tpu.memory_space<vmem>>, vector<1x16xf32>,
          %swap3A_655 = vector.shape_cast %swap3A_654 : vector<1x16xf32> to vector<16xf32>
          %swap3A_656 = vector.shape_cast %get3A_651 : vector<16xf32> to vector<1x16xf32>
          tpu.vector_store %arg7[%swap3A_652, %swap3A_653], %swap3A_656 {add = true, strides = array<i32>} : memref<128x128xf32, #tpu.memory_space<vmem>>, vector<1x16xf32>,
          %slice3A_657 = vector.extract_strided_slice %get3A_28 {offsets = [8], sizes = [1], strides = [1]} : vector<16xi32> to vector<1xi32>
          %squeeze3A_658 = vector.extract %slice3A_657[0] : i32 from vector<1xi32>
          %mul3A_659 = arith.constant 16 : i32
          %mul3A_660 = arith.muli %scan3A_24, %mul3A_659 : i32
          %add3A_661 = arith.constant 8 : i32
          %add3A_662 = arith.addi %mul3A_660, %add3A_661 : i32
          %get3A_663 = arith.index_cast %add3A_662 : i32 to index
          %get3A_664 = arith.constant 0 : index
          %get3A_665 = tpu.vector_load %arg5[%get3A_663, %get3A_664] {strides = array<i32>} : memref<400x128xf32, #tpu.memory_space<vmem>>, vector<1x16xf32>,
          %get3A_666 = vector.shape_cast %get3A_665 : vector<1x16xf32> to vector<16xf32>
          %swap3A_667 = arith.index_cast %squeeze3A_658 : i32 to index
          %swap3A_668 = arith.constant 0 : index
          %swap3A_669 = tpu.vector_load %arg7[%swap3A_667, %swap3A_668] {strides = array<i32>} : memref<128x128xf32, #tpu.memory_space<vmem>>, vector<1x16xf32>,
          %swap3A_670 = vector.shape_cast %swap3A_669 : vector<1x16xf32> to vector<16xf32>
          %swap3A_671 = vector.shape_cast %get3A_666 : vector<16xf32> to vector<1x16xf32>
          tpu.vector_store %arg7[%swap3A_667, %swap3A_668], %swap3A_671 {add = true, strides = array<i32>} : memref<128x128xf32, #tpu.memory_space<vmem>>, vector<1x16xf32>,
          %get3A_672 = arith.index_cast %add3A_662 : i32 to index
          %get3A_673 = arith.constant 16 : index
          %get3A_674 = tpu.vector_load %arg5[%get3A_672, %get3A_673] {strides = array<i32>} : memref<400x128xf32, #tpu.memory_space<vmem>>, vector<1x16xf32>,
          %get3A_675 = vector.shape_cast %get3A_674 : vector<1x16xf32> to vector<16xf32>
          %swap3A_676 = arith.index_cast %squeeze3A_658 : i32 to index
          %swap3A_677 = arith.constant 16 : index
          %swap3A_678 = tpu.vector_load %arg7[%swap3A_676, %swap3A_677] {strides = array<i32>} : memref<128x128xf32, #tpu.memory_space<vmem>>, vector<1x16xf32>,
          %swap3A_679 = vector.shape_cast %swap3A_678 : vector<1x16xf32> to vector<16xf32>
          %swap3A_680 = vector.shape_cast %get3A_675 : vector<16xf32> to vector<1x16xf32>
          tpu.vector_store %arg7[%swap3A_676, %swap3A_677], %swap3A_680 {add = true, strides = array<i32>} : memref<128x128xf32, #tpu.memory_space<vmem>>, vector<1x16xf32>,
          %get3A_681 = arith.index_cast %add3A_662 : i32 to index
          %get3A_682 = arith.constant 32 : index
          %get3A_683 = tpu.vector_load %arg5[%get3A_681, %get3A_682] {strides = array<i32>} : memref<400x128xf32, #tpu.memory_space<vmem>>, vector<1x16xf32>,
          %get3A_684 = vector.shape_cast %get3A_683 : vector<1x16xf32> to vector<16xf32>
          %swap3A_685 = arith.index_cast %squeeze3A_658 : i32 to index
          %swap3A_686 = arith.constant 32 : index
          %swap3A_687 = tpu.vector_load %arg7[%swap3A_685, %swap3A_686] {strides = array<i32>} : memref<128x128xf32, #tpu.memory_space<vmem>>, vector<1x16xf32>,
          %swap3A_688 = vector.shape_cast %swap3A_687 : vector<1x16xf32> to vector<16xf32>
          %swap3A_689 = vector.shape_cast %get3A_684 : vector<16xf32> to vector<1x16xf32>
          tpu.vector_store %arg7[%swap3A_685, %swap3A_686], %swap3A_689 {add = true, strides = array<i32>} : memref<128x128xf32, #tpu.memory_space<vmem>>, vector<1x16xf32>,
          %get3A_690 = arith.index_cast %add3A_662 : i32 to index
          %get3A_691 = arith.constant 48 : index
          %get3A_692 = tpu.vector_load %arg5[%get3A_690, %get3A_691] {strides = array<i32>} : memref<400x128xf32, #tpu.memory_space<vmem>>, vector<1x16xf32>,
          %get3A_693 = vector.shape_cast %get3A_692 : vector<1x16xf32> to vector<16xf32>
          %swap3A_694 = arith.index_cast %squeeze3A_658 : i32 to index
          %swap3A_695 = arith.constant 48 : index
          %swap3A_696 = tpu.vector_load %arg7[%swap3A_694, %swap3A_695] {strides = array<i32>} : memref<128x128xf32, #tpu.memory_space<vmem>>, vector<1x16xf32>,
          %swap3A_697 = vector.shape_cast %swap3A_696 : vector<1x16xf32> to vector<16xf32>
          %swap3A_698 = vector.shape_cast %get3A_693 : vector<16xf32> to vector<1x16xf32>
          tpu.vector_store %arg7[%swap3A_694, %swap3A_695], %swap3A_698 {add = true, strides = array<i32>} : memref<128x128xf32, #tpu.memory_space<vmem>>, vector<1x16xf32>,
          %get3A_699 = arith.index_cast %add3A_662 : i32 to index
          %get3A_700 = arith.constant 64 : index
          %get3A_701 = tpu.vector_load %arg5[%get3A_699, %get3A_700] {strides = array<i32>} : memref<400x128xf32, #tpu.memory_space<vmem>>, vector<1x16xf32>,
          %get3A_702 = vector.shape_cast %get3A_701 : vector<1x16xf32> to vector<16xf32>
          %swap3A_703 = arith.index_cast %squeeze3A_658 : i32 to index
          %swap3A_704 = arith.constant 64 : index
          %swap3A_705 = tpu.vector_load %arg7[%swap3A_703, %swap3A_704] {strides = array<i32>} : memref<128x128xf32, #tpu.memory_space<vmem>>, vector<1x16xf32>,
          %swap3A_706 = vector.shape_cast %swap3A_705 : vector<1x16xf32> to vector<16xf32>
          %swap3A_707 = vector.shape_cast %get3A_702 : vector<16xf32> to vector<1x16xf32>
          tpu.vector_store %arg7[%swap3A_703, %swap3A_704], %swap3A_707 {add = true, strides = array<i32>} : memref<128x128xf32, #tpu.memory_space<vmem>>, vector<1x16xf32>,
          %get3A_708 = arith.index_cast %add3A_662 : i32 to index
          %get3A_709 = arith.constant 80 : index
          %get3A_710 = tpu.vector_load %arg5[%get3A_708, %get3A_709] {strides = array<i32>} : memref<400x128xf32, #tpu.memory_space<vmem>>, vector<1x16xf32>,
          %get3A_711 = vector.shape_cast %get3A_710 : vector<1x16xf32> to vector<16xf32>
          %swap3A_712 = arith.index_cast %squeeze3A_658 : i32 to index
          %swap3A_713 = arith.constant 80 : index
          %swap3A_714 = tpu.vector_load %arg7[%swap3A_712, %swap3A_713] {strides = array<i32>} : memref<128x128xf32, #tpu.memory_space<vmem>>, vector<1x16xf32>,
          %swap3A_715 = vector.shape_cast %swap3A_714 : vector<1x16xf32> to vector<16xf32>
          %swap3A_716 = vector.shape_cast %get3A_711 : vector<16xf32> to vector<1x16xf32>
          tpu.vector_store %arg7[%swap3A_712, %swap3A_713], %swap3A_716 {add = true, strides = array<i32>} : memref<128x128xf32, #tpu.memory_space<vmem>>, vector<1x16xf32>,
          %get3A_717 = arith.index_cast %add3A_662 : i32 to index
          %get3A_718 = arith.constant 96 : index
          %get3A_719 = tpu.vector_load %arg5[%get3A_717, %get3A_718] {strides = array<i32>} : memref<400x128xf32, #tpu.memory_space<vmem>>, vector<1x16xf32>,
          %get3A_720 = vector.shape_cast %get3A_719 : vector<1x16xf32> to vector<16xf32>
          %swap3A_721 = arith.index_cast %squeeze3A_658 : i32 to index
          %swap3A_722 = arith.constant 96 : index
          %swap3A_723 = tpu.vector_load %arg7[%swap3A_721, %swap3A_722] {strides = array<i32>} : memref<128x128xf32, #tpu.memory_space<vmem>>, vector<1x16xf32>,
          %swap3A_724 = vector.shape_cast %swap3A_723 : vector<1x16xf32> to vector<16xf32>
          %swap3A_725 = vector.shape_cast %get3A_720 : vector<16xf32> to vector<1x16xf32>
          tpu.vector_store %arg7[%swap3A_721, %swap3A_722], %swap3A_725 {add = true, strides = array<i32>} : memref<128x128xf32, #tpu.memory_space<vmem>>, vector<1x16xf32>,
          %get3A_726 = arith.index_cast %add3A_662 : i32 to index
          %get3A_727 = arith.constant 112 : index
          %get3A_728 = tpu.vector_load %arg5[%get3A_726, %get3A_727] {strides = array<i32>} : memref<400x128xf32, #tpu.memory_space<vmem>>, vector<1x16xf32>,
          %get3A_729 = vector.shape_cast %get3A_728 : vector<1x16xf32> to vector<16xf32>
          %swap3A_730 = arith.index_cast %squeeze3A_658 : i32 to index
          %swap3A_731 = arith.constant 112 : index
          %swap3A_732 = tpu.vector_load %arg7[%swap3A_730, %swap3A_731] {strides = array<i32>} : memref<128x128xf32, #tpu.memory_space<vmem>>, vector<1x16xf32>,
          %swap3A_733 = vector.shape_cast %swap3A_732 : vector<1x16xf32> to vector<16xf32>
          %swap3A_734 = vector.shape_cast %get3A_729 : vector<16xf32> to vector<1x16xf32>
          tpu.vector_store %arg7[%swap3A_730, %swap3A_731], %swap3A_734 {add = true, strides = array<i32>} : memref<128x128xf32, #tpu.memory_space<vmem>>, vector<1x16xf32>,
          %slice3A_735 = vector.extract_strided_slice %get3A_28 {offsets = [9], sizes = [1], strides = [1]} : vector<16xi32> to vector<1xi32>
          %squeeze3A_736 = vector.extract %slice3A_735[0] : i32 from vector<1xi32>
          %mul3A_737 = arith.constant 16 : i32
          %mul3A_738 = arith.muli %scan3A_24, %mul3A_737 : i32
          %add3A_739 = arith.constant 9 : i32
          %add3A_740 = arith.addi %mul3A_738, %add3A_739 : i32
          %get3A_741 = arith.index_cast %add3A_740 : i32 to index
          %get3A_742 = arith.constant 0 : index
          %get3A_743 = tpu.vector_load %arg5[%get3A_741, %get3A_742] {strides = array<i32>} : memref<400x128xf32, #tpu.memory_space<vmem>>, vector<1x16xf32>,
          %get3A_744 = vector.shape_cast %get3A_743 : vector<1x16xf32> to vector<16xf32>
          %swap3A_745 = arith.index_cast %squeeze3A_736 : i32 to index
          %swap3A_746 = arith.constant 0 : index
          %swap3A_747 = tpu.vector_load %arg7[%swap3A_745, %swap3A_746] {strides = array<i32>} : memref<128x128xf32, #tpu.memory_space<vmem>>, vector<1x16xf32>,
          %swap3A_748 = vector.shape_cast %swap3A_747 : vector<1x16xf32> to vector<16xf32>
          %swap3A_749 = vector.shape_cast %get3A_744 : vector<16xf32> to vector<1x16xf32>
          tpu.vector_store %arg7[%swap3A_745, %swap3A_746], %swap3A_749 {add = true, strides = array<i32>} : memref<128x128xf32, #tpu.memory_space<vmem>>, vector<1x16xf32>,
          %get3A_750 = arith.index_cast %add3A_740 : i32 to index
          %get3A_751 = arith.constant 16 : index
          %get3A_752 = tpu.vector_load %arg5[%get3A_750, %get3A_751] {strides = array<i32>} : memref<400x128xf32, #tpu.memory_space<vmem>>, vector<1x16xf32>,
          %get3A_753 = vector.shape_cast %get3A_752 : vector<1x16xf32> to vector<16xf32>
          %swap3A_754 = arith.index_cast %squeeze3A_736 : i32 to index
          %swap3A_755 = arith.constant 16 : index
          %swap3A_756 = tpu.vector_load %arg7[%swap3A_754, %swap3A_755] {strides = array<i32>} : memref<128x128xf32, #tpu.memory_space<vmem>>, vector<1x16xf32>,
          %swap3A_757 = vector.shape_cast %swap3A_756 : vector<1x16xf32> to vector<16xf32>
          %swap3A_758 = vector.shape_cast %get3A_753 : vector<16xf32> to vector<1x16xf32>
          tpu.vector_store %arg7[%swap3A_754, %swap3A_755], %swap3A_758 {add = true, strides = array<i32>} : memref<128x128xf32, #tpu.memory_space<vmem>>, vector<1x16xf32>,
          %get3A_759 = arith.index_cast %add3A_740 : i32 to index
          %get3A_760 = arith.constant 32 : index
          %get3A_761 = tpu.vector_load %arg5[%get3A_759, %get3A_760] {strides = array<i32>} : memref<400x128xf32, #tpu.memory_space<vmem>>, vector<1x16xf32>,
          %get3A_762 = vector.shape_cast %get3A_761 : vector<1x16xf32> to vector<16xf32>
          %swap3A_763 = arith.index_cast %squeeze3A_736 : i32 to index
          %swap3A_764 = arith.constant 32 : index
          %swap3A_765 = tpu.vector_load %arg7[%swap3A_763, %swap3A_764] {strides = array<i32>} : memref<128x128xf32, #tpu.memory_space<vmem>>, vector<1x16xf32>,
          %swap3A_766 = vector.shape_cast %swap3A_765 : vector<1x16xf32> to vector<16xf32>
          %swap3A_767 = vector.shape_cast %get3A_762 : vector<16xf32> to vector<1x16xf32>
          tpu.vector_store %arg7[%swap3A_763, %swap3A_764], %swap3A_767 {add = true, strides = array<i32>} : memref<128x128xf32, #tpu.memory_space<vmem>>, vector<1x16xf32>,
          %get3A_768 = arith.index_cast %add3A_740 : i32 to index
          %get3A_769 = arith.constant 48 : index
          %get3A_770 = tpu.vector_load %arg5[%get3A_768, %get3A_769] {strides = array<i32>} : memref<400x128xf32, #tpu.memory_space<vmem>>, vector<1x16xf32>,
          %get3A_771 = vector.shape_cast %get3A_770 : vector<1x16xf32> to vector<16xf32>
          %swap3A_772 = arith.index_cast %squeeze3A_736 : i32 to index
          %swap3A_773 = arith.constant 48 : index
          %swap3A_774 = tpu.vector_load %arg7[%swap3A_772, %swap3A_773] {strides = array<i32>} : memref<128x128xf32, #tpu.memory_space<vmem>>, vector<1x16xf32>,
          %swap3A_775 = vector.shape_cast %swap3A_774 : vector<1x16xf32> to vector<16xf32>
          %swap3A_776 = vector.shape_cast %get3A_771 : vector<16xf32> to vector<1x16xf32>
          tpu.vector_store %arg7[%swap3A_772, %swap3A_773], %swap3A_776 {add = true, strides = array<i32>} : memref<128x128xf32, #tpu.memory_space<vmem>>, vector<1x16xf32>,
          %get3A_777 = arith.index_cast %add3A_740 : i32 to index
          %get3A_778 = arith.constant 64 : index
          %get3A_779 = tpu.vector_load %arg5[%get3A_777, %get3A_778] {strides = array<i32>} : memref<400x128xf32, #tpu.memory_space<vmem>>, vector<1x16xf32>,
          %get3A_780 = vector.shape_cast %get3A_779 : vector<1x16xf32> to vector<16xf32>
          %swap3A_781 = arith.index_cast %squeeze3A_736 : i32 to index
          %swap3A_782 = arith.constant 64 : index
          %swap3A_783 = tpu.vector_load %arg7[%swap3A_781, %swap3A_782] {strides = array<i32>} : memref<128x128xf32, #tpu.memory_space<vmem>>, vector<1x16xf32>,
          %swap3A_784 = vector.shape_cast %swap3A_783 : vector<1x16xf32> to vector<16xf32>
          %swap3A_785 = vector.shape_cast %get3A_780 : vector<16xf32> to vector<1x16xf32>
          tpu.vector_store %arg7[%swap3A_781, %swap3A_782], %swap3A_785 {add = true, strides = array<i32>} : memref<128x128xf32, #tpu.memory_space<vmem>>, vector<1x16xf32>,
          %get3A_786 = arith.index_cast %add3A_740 : i32 to index
          %get3A_787 = arith.constant 80 : index
          %get3A_788 = tpu.vector_load %arg5[%get3A_786, %get3A_787] {strides = array<i32>} : memref<400x128xf32, #tpu.memory_space<vmem>>, vector<1x16xf32>,
          %get3A_789 = vector.shape_cast %get3A_788 : vector<1x16xf32> to vector<16xf32>
          %swap3A_790 = arith.index_cast %squeeze3A_736 : i32 to index
          %swap3A_791 = arith.constant 80 : index
          %swap3A_792 = tpu.vector_load %arg7[%swap3A_790, %swap3A_791] {strides = array<i32>} : memref<128x128xf32, #tpu.memory_space<vmem>>, vector<1x16xf32>,
          %swap3A_793 = vector.shape_cast %swap3A_792 : vector<1x16xf32> to vector<16xf32>
          %swap3A_794 = vector.shape_cast %get3A_789 : vector<16xf32> to vector<1x16xf32>
          tpu.vector_store %arg7[%swap3A_790, %swap3A_791], %swap3A_794 {add = true, strides = array<i32>} : memref<128x128xf32, #tpu.memory_space<vmem>>, vector<1x16xf32>,
          %get3A_795 = arith.index_cast %add3A_740 : i32 to index
          %get3A_796 = arith.constant 96 : index
          %get3A_797 = tpu.vector_load %arg5[%get3A_795, %get3A_796] {strides = array<i32>} : memref<400x128xf32, #tpu.memory_space<vmem>>, vector<1x16xf32>,
          %get3A_798 = vector.shape_cast %get3A_797 : vector<1x16xf32> to vector<16xf32>
          %swap3A_799 = arith.index_cast %squeeze3A_736 : i32 to index
          %swap3A_800 = arith.constant 96 : index
          %swap3A_801 = tpu.vector_load %arg7[%swap3A_799, %swap3A_800] {strides = array<i32>} : memref<128x128xf32, #tpu.memory_space<vmem>>, vector<1x16xf32>,
          %swap3A_802 = vector.shape_cast %swap3A_801 : vector<1x16xf32> to vector<16xf32>
          %swap3A_803 = vector.shape_cast %get3A_798 : vector<16xf32> to vector<1x16xf32>
          tpu.vector_store %arg7[%swap3A_799, %swap3A_800], %swap3A_803 {add = true, strides = array<i32>} : memref<128x128xf32, #tpu.memory_space<vmem>>, vector<1x16xf32>,
          %get3A_804 = arith.index_cast %add3A_740 : i32 to index
          %get3A_805 = arith.constant 112 : index
          %get3A_806 = tpu.vector_load %arg5[%get3A_804, %get3A_805] {strides = array<i32>} : memref<400x128xf32, #tpu.memory_space<vmem>>, vector<1x16xf32>,
          %get3A_807 = vector.shape_cast %get3A_806 : vector<1x16xf32> to vector<16xf32>
          %swap3A_808 = arith.index_cast %squeeze3A_736 : i32 to index
          %swap3A_809 = arith.constant 112 : index
          %swap3A_810 = tpu.vector_load %arg7[%swap3A_808, %swap3A_809] {strides = array<i32>} : memref<128x128xf32, #tpu.memory_space<vmem>>, vector<1x16xf32>,
          %swap3A_811 = vector.shape_cast %swap3A_810 : vector<1x16xf32> to vector<16xf32>
          %swap3A_812 = vector.shape_cast %get3A_807 : vector<16xf32> to vector<1x16xf32>
          tpu.vector_store %arg7[%swap3A_808, %swap3A_809], %swap3A_812 {add = true, strides = array<i32>} : memref<128x128xf32, #tpu.memory_space<vmem>>, vector<1x16xf32>,
          %slice3A_813 = vector.extract_strided_slice %get3A_28 {offsets = [10], sizes = [1], strides = [1]} : vector<16xi32> to vector<1xi32>
          %squeeze3A_814 = vector.extract %slice3A_813[0] : i32 from vector<1xi32>
          %mul3A_815 = arith.constant 16 : i32
          %mul3A_816 = arith.muli %scan3A_24, %mul3A_815 : i32
          %add3A_817 = arith.constant 10 : i32
          %add3A_818 = arith.addi %mul3A_816, %add3A_817 : i32
          %get3A_819 = arith.index_cast %add3A_818 : i32 to index
          %get3A_820 = arith.constant 0 : index
          %get3A_821 = tpu.vector_load %arg5[%get3A_819, %get3A_820] {strides = array<i32>} : memref<400x128xf32, #tpu.memory_space<vmem>>, vector<1x16xf32>,
          %get3A_822 = vector.shape_cast %get3A_821 : vector<1x16xf32> to vector<16xf32>
          %swap3A_823 = arith.index_cast %squeeze3A_814 : i32 to index
          %swap3A_824 = arith.constant 0 : index
          %swap3A_825 = tpu.vector_load %arg7[%swap3A_823, %swap3A_824] {strides = array<i32>} : memref<128x128xf32, #tpu.memory_space<vmem>>, vector<1x16xf32>,
          %swap3A_826 = vector.shape_cast %swap3A_825 : vector<1x16xf32> to vector<16xf32>
          %swap3A_827 = vector.shape_cast %get3A_822 : vector<16xf32> to vector<1x16xf32>
          tpu.vector_store %arg7[%swap3A_823, %swap3A_824], %swap3A_827 {add = true, strides = array<i32>} : memref<128x128xf32, #tpu.memory_space<vmem>>, vector<1x16xf32>,
          %get3A_828 = arith.index_cast %add3A_818 : i32 to index
          %get3A_829 = arith.constant 16 : index
          %get3A_830 = tpu.vector_load %arg5[%get3A_828, %get3A_829] {strides = array<i32>} : memref<400x128xf32, #tpu.memory_space<vmem>>, vector<1x16xf32>,
          %get3A_831 = vector.shape_cast %get3A_830 : vector<1x16xf32> to vector<16xf32>
          %swap3A_832 = arith.index_cast %squeeze3A_814 : i32 to index
          %swap3A_833 = arith.constant 16 : index
          %swap3A_834 = tpu.vector_load %arg7[%swap3A_832, %swap3A_833] {strides = array<i32>} : memref<128x128xf32, #tpu.memory_space<vmem>>, vector<1x16xf32>,
          %swap3A_835 = vector.shape_cast %swap3A_834 : vector<1x16xf32> to vector<16xf32>
          %swap3A_836 = vector.shape_cast %get3A_831 : vector<16xf32> to vector<1x16xf32>
          tpu.vector_store %arg7[%swap3A_832, %swap3A_833], %swap3A_836 {add = true, strides = array<i32>} : memref<128x128xf32, #tpu.memory_space<vmem>>, vector<1x16xf32>,
          %get3A_837 = arith.index_cast %add3A_818 : i32 to index
          %get3A_838 = arith.constant 32 : index
          %get3A_839 = tpu.vector_load %arg5[%get3A_837, %get3A_838] {strides = array<i32>} : memref<400x128xf32, #tpu.memory_space<vmem>>, vector<1x16xf32>,
          %get3A_840 = vector.shape_cast %get3A_839 : vector<1x16xf32> to vector<16xf32>
          %swap3A_841 = arith.index_cast %squeeze3A_814 : i32 to index
          %swap3A_842 = arith.constant 32 : index
          %swap3A_843 = tpu.vector_load %arg7[%swap3A_841, %swap3A_842] {strides = array<i32>} : memref<128x128xf32, #tpu.memory_space<vmem>>, vector<1x16xf32>,
          %swap3A_844 = vector.shape_cast %swap3A_843 : vector<1x16xf32> to vector<16xf32>
          %swap3A_845 = vector.shape_cast %get3A_840 : vector<16xf32> to vector<1x16xf32>
          tpu.vector_store %arg7[%swap3A_841, %swap3A_842], %swap3A_845 {add = true, strides = array<i32>} : memref<128x128xf32, #tpu.memory_space<vmem>>, vector<1x16xf32>,
          %get3A_846 = arith.index_cast %add3A_818 : i32 to index
          %get3A_847 = arith.constant 48 : index
          %get3A_848 = tpu.vector_load %arg5[%get3A_846, %get3A_847] {strides = array<i32>} : memref<400x128xf32, #tpu.memory_space<vmem>>, vector<1x16xf32>,
          %get3A_849 = vector.shape_cast %get3A_848 : vector<1x16xf32> to vector<16xf32>
          %swap3A_850 = arith.index_cast %squeeze3A_814 : i32 to index
          %swap3A_851 = arith.constant 48 : index
          %swap3A_852 = tpu.vector_load %arg7[%swap3A_850, %swap3A_851] {strides = array<i32>} : memref<128x128xf32, #tpu.memory_space<vmem>>, vector<1x16xf32>,
          %swap3A_853 = vector.shape_cast %swap3A_852 : vector<1x16xf32> to vector<16xf32>
          %swap3A_854 = vector.shape_cast %get3A_849 : vector<16xf32> to vector<1x16xf32>
          tpu.vector_store %arg7[%swap3A_850, %swap3A_851], %swap3A_854 {add = true, strides = array<i32>} : memref<128x128xf32, #tpu.memory_space<vmem>>, vector<1x16xf32>,
          %get3A_855 = arith.index_cast %add3A_818 : i32 to index
          %get3A_856 = arith.constant 64 : index
          %get3A_857 = tpu.vector_load %arg5[%get3A_855, %get3A_856] {strides = array<i32>} : memref<400x128xf32, #tpu.memory_space<vmem>>, vector<1x16xf32>,
          %get3A_858 = vector.shape_cast %get3A_857 : vector<1x16xf32> to vector<16xf32>
          %swap3A_859 = arith.index_cast %squeeze3A_814 : i32 to index
          %swap3A_860 = arith.constant 64 : index
          %swap3A_861 = tpu.vector_load %arg7[%swap3A_859, %swap3A_860] {strides = array<i32>} : memref<128x128xf32, #tpu.memory_space<vmem>>, vector<1x16xf32>,
          %swap3A_862 = vector.shape_cast %swap3A_861 : vector<1x16xf32> to vector<16xf32>
          %swap3A_863 = vector.shape_cast %get3A_858 : vector<16xf32> to vector<1x16xf32>
          tpu.vector_store %arg7[%swap3A_859, %swap3A_860], %swap3A_863 {add = true, strides = array<i32>} : memref<128x128xf32, #tpu.memory_space<vmem>>, vector<1x16xf32>,
          %get3A_864 = arith.index_cast %add3A_818 : i32 to index
          %get3A_865 = arith.constant 80 : index
          %get3A_866 = tpu.vector_load %arg5[%get3A_864, %get3A_865] {strides = array<i32>} : memref<400x128xf32, #tpu.memory_space<vmem>>, vector<1x16xf32>,
          %get3A_867 = vector.shape_cast %get3A_866 : vector<1x16xf32> to vector<16xf32>
          %swap3A_868 = arith.index_cast %squeeze3A_814 : i32 to index
          %swap3A_869 = arith.constant 80 : index
          %swap3A_870 = tpu.vector_load %arg7[%swap3A_868, %swap3A_869] {strides = array<i32>} : memref<128x128xf32, #tpu.memory_space<vmem>>, vector<1x16xf32>,
          %swap3A_871 = vector.shape_cast %swap3A_870 : vector<1x16xf32> to vector<16xf32>
          %swap3A_872 = vector.shape_cast %get3A_867 : vector<16xf32> to vector<1x16xf32>
          tpu.vector_store %arg7[%swap3A_868, %swap3A_869], %swap3A_872 {add = true, strides = array<i32>} : memref<128x128xf32, #tpu.memory_space<vmem>>, vector<1x16xf32>,
          %get3A_873 = arith.index_cast %add3A_818 : i32 to index
          %get3A_874 = arith.constant 96 : index
          %get3A_875 = tpu.vector_load %arg5[%get3A_873, %get3A_874] {strides = array<i32>} : memref<400x128xf32, #tpu.memory_space<vmem>>, vector<1x16xf32>,
          %get3A_876 = vector.shape_cast %get3A_875 : vector<1x16xf32> to vector<16xf32>
          %swap3A_877 = arith.index_cast %squeeze3A_814 : i32 to index
          %swap3A_878 = arith.constant 96 : index
          %swap3A_879 = tpu.vector_load %arg7[%swap3A_877, %swap3A_878] {strides = array<i32>} : memref<128x128xf32, #tpu.memory_space<vmem>>, vector<1x16xf32>,
          %swap3A_880 = vector.shape_cast %swap3A_879 : vector<1x16xf32> to vector<16xf32>
          %swap3A_881 = vector.shape_cast %get3A_876 : vector<16xf32> to vector<1x16xf32>
          tpu.vector_store %arg7[%swap3A_877, %swap3A_878], %swap3A_881 {add = true, strides = array<i32>} : memref<128x128xf32, #tpu.memory_space<vmem>>, vector<1x16xf32>,
          %get3A_882 = arith.index_cast %add3A_818 : i32 to index
          %get3A_883 = arith.constant 112 : index
          %get3A_884 = tpu.vector_load %arg5[%get3A_882, %get3A_883] {strides = array<i32>} : memref<400x128xf32, #tpu.memory_space<vmem>>, vector<1x16xf32>,
          %get3A_885 = vector.shape_cast %get3A_884 : vector<1x16xf32> to vector<16xf32>
          %swap3A_886 = arith.index_cast %squeeze3A_814 : i32 to index
          %swap3A_887 = arith.constant 112 : index
          %swap3A_888 = tpu.vector_load %arg7[%swap3A_886, %swap3A_887] {strides = array<i32>} : memref<128x128xf32, #tpu.memory_space<vmem>>, vector<1x16xf32>,
          %swap3A_889 = vector.shape_cast %swap3A_888 : vector<1x16xf32> to vector<16xf32>
          %swap3A_890 = vector.shape_cast %get3A_885 : vector<16xf32> to vector<1x16xf32>
          tpu.vector_store %arg7[%swap3A_886, %swap3A_887], %swap3A_890 {add = true, strides = array<i32>} : memref<128x128xf32, #tpu.memory_space<vmem>>, vector<1x16xf32>,
          %slice3A_891 = vector.extract_strided_slice %get3A_28 {offsets = [11], sizes = [1], strides = [1]} : vector<16xi32> to vector<1xi32>
          %squeeze3A_892 = vector.extract %slice3A_891[0] : i32 from vector<1xi32>
          %mul3A_893 = arith.constant 16 : i32
          %mul3A_894 = arith.muli %scan3A_24, %mul3A_893 : i32
          %add3A_895 = arith.constant 11 : i32
          %add3A_896 = arith.addi %mul3A_894, %add3A_895 : i32
          %get3A_897 = arith.index_cast %add3A_896 : i32 to index
          %get3A_898 = arith.constant 0 : index
          %get3A_899 = tpu.vector_load %arg5[%get3A_897, %get3A_898] {strides = array<i32>} : memref<400x128xf32, #tpu.memory_space<vmem>>, vector<1x16xf32>,
          %get3A_900 = vector.shape_cast %get3A_899 : vector<1x16xf32> to vector<16xf32>
          %swap3A_901 = arith.index_cast %squeeze3A_892 : i32 to index
          %swap3A_902 = arith.constant 0 : index
          %swap3A_903 = tpu.vector_load %arg7[%swap3A_901, %swap3A_902] {strides = array<i32>} : memref<128x128xf32, #tpu.memory_space<vmem>>, vector<1x16xf32>,
          %swap3A_904 = vector.shape_cast %swap3A_903 : vector<1x16xf32> to vector<16xf32>
          %swap3A_905 = vector.shape_cast %get3A_900 : vector<16xf32> to vector<1x16xf32>
          tpu.vector_store %arg7[%swap3A_901, %swap3A_902], %swap3A_905 {add = true, strides = array<i32>} : memref<128x128xf32, #tpu.memory_space<vmem>>, vector<1x16xf32>,
          %get3A_906 = arith.index_cast %add3A_896 : i32 to index
          %get3A_907 = arith.constant 16 : index
          %get3A_908 = tpu.vector_load %arg5[%get3A_906, %get3A_907] {strides = array<i32>} : memref<400x128xf32, #tpu.memory_space<vmem>>, vector<1x16xf32>,
          %get3A_909 = vector.shape_cast %get3A_908 : vector<1x16xf32> to vector<16xf32>
          %swap3A_910 = arith.index_cast %squeeze3A_892 : i32 to index
          %swap3A_911 = arith.constant 16 : index
          %swap3A_912 = tpu.vector_load %arg7[%swap3A_910, %swap3A_911] {strides = array<i32>} : memref<128x128xf32, #tpu.memory_space<vmem>>, vector<1x16xf32>,
          %swap3A_913 = vector.shape_cast %swap3A_912 : vector<1x16xf32> to vector<16xf32>
          %swap3A_914 = vector.shape_cast %get3A_909 : vector<16xf32> to vector<1x16xf32>
          tpu.vector_store %arg7[%swap3A_910, %swap3A_911], %swap3A_914 {add = true, strides = array<i32>} : memref<128x128xf32, #tpu.memory_space<vmem>>, vector<1x16xf32>,
          %get3A_915 = arith.index_cast %add3A_896 : i32 to index
          %get3A_916 = arith.constant 32 : index
          %get3A_917 = tpu.vector_load %arg5[%get3A_915, %get3A_916] {strides = array<i32>} : memref<400x128xf32, #tpu.memory_space<vmem>>, vector<1x16xf32>,
          %get3A_918 = vector.shape_cast %get3A_917 : vector<1x16xf32> to vector<16xf32>
          %swap3A_919 = arith.index_cast %squeeze3A_892 : i32 to index
          %swap3A_920 = arith.constant 32 : index
          %swap3A_921 = tpu.vector_load %arg7[%swap3A_919, %swap3A_920] {strides = array<i32>} : memref<128x128xf32, #tpu.memory_space<vmem>>, vector<1x16xf32>,
          %swap3A_922 = vector.shape_cast %swap3A_921 : vector<1x16xf32> to vector<16xf32>
          %swap3A_923 = vector.shape_cast %get3A_918 : vector<16xf32> to vector<1x16xf32>
          tpu.vector_store %arg7[%swap3A_919, %swap3A_920], %swap3A_923 {add = true, strides = array<i32>} : memref<128x128xf32, #tpu.memory_space<vmem>>, vector<1x16xf32>,
          %get3A_924 = arith.index_cast %add3A_896 : i32 to index
          %get3A_925 = arith.constant 48 : index
          %get3A_926 = tpu.vector_load %arg5[%get3A_924, %get3A_925] {strides = array<i32>} : memref<400x128xf32, #tpu.memory_space<vmem>>, vector<1x16xf32>,
          %get3A_927 = vector.shape_cast %get3A_926 : vector<1x16xf32> to vector<16xf32>
          %swap3A_928 = arith.index_cast %squeeze3A_892 : i32 to index
          %swap3A_929 = arith.constant 48 : index
          %swap3A_930 = tpu.vector_load %arg7[%swap3A_928, %swap3A_929] {strides = array<i32>} : memref<128x128xf32, #tpu.memory_space<vmem>>, vector<1x16xf32>,
          %swap3A_931 = vector.shape_cast %swap3A_930 : vector<1x16xf32> to vector<16xf32>
          %swap3A_932 = vector.shape_cast %get3A_927 : vector<16xf32> to vector<1x16xf32>
          tpu.vector_store %arg7[%swap3A_928, %swap3A_929], %swap3A_932 {add = true, strides = array<i32>} : memref<128x128xf32, #tpu.memory_space<vmem>>, vector<1x16xf32>,
          %get3A_933 = arith.index_cast %add3A_896 : i32 to index
          %get3A_934 = arith.constant 64 : index
          %get3A_935 = tpu.vector_load %arg5[%get3A_933, %get3A_934] {strides = array<i32>} : memref<400x128xf32, #tpu.memory_space<vmem>>, vector<1x16xf32>,
          %get3A_936 = vector.shape_cast %get3A_935 : vector<1x16xf32> to vector<16xf32>
          %swap3A_937 = arith.index_cast %squeeze3A_892 : i32 to index
          %swap3A_938 = arith.constant 64 : index
          %swap3A_939 = tpu.vector_load %arg7[%swap3A_937, %swap3A_938] {strides = array<i32>} : memref<128x128xf32, #tpu.memory_space<vmem>>, vector<1x16xf32>,
          %swap3A_940 = vector.shape_cast %swap3A_939 : vector<1x16xf32> to vector<16xf32>
          %swap3A_941 = vector.shape_cast %get3A_936 : vector<16xf32> to vector<1x16xf32>
          tpu.vector_store %arg7[%swap3A_937, %swap3A_938], %swap3A_941 {add = true, strides = array<i32>} : memref<128x128xf32, #tpu.memory_space<vmem>>, vector<1x16xf32>,
          %get3A_942 = arith.index_cast %add3A_896 : i32 to index
          %get3A_943 = arith.constant 80 : index
          %get3A_944 = tpu.vector_load %arg5[%get3A_942, %get3A_943] {strides = array<i32>} : memref<400x128xf32, #tpu.memory_space<vmem>>, vector<1x16xf32>,
          %get3A_945 = vector.shape_cast %get3A_944 : vector<1x16xf32> to vector<16xf32>
          %swap3A_946 = arith.index_cast %squeeze3A_892 : i32 to index
          %swap3A_947 = arith.constant 80 : index
          %swap3A_948 = tpu.vector_load %arg7[%swap3A_946, %swap3A_947] {strides = array<i32>} : memref<128x128xf32, #tpu.memory_space<vmem>>, vector<1x16xf32>,
          %swap3A_949 = vector.shape_cast %swap3A_948 : vector<1x16xf32> to vector<16xf32>
          %swap3A_950 = vector.shape_cast %get3A_945 : vector<16xf32> to vector<1x16xf32>
          tpu.vector_store %arg7[%swap3A_946, %swap3A_947], %swap3A_950 {add = true, strides = array<i32>} : memref<128x128xf32, #tpu.memory_space<vmem>>, vector<1x16xf32>,
          %get3A_951 = arith.index_cast %add3A_896 : i32 to index
          %get3A_952 = arith.constant 96 : index
          %get3A_953 = tpu.vector_load %arg5[%get3A_951, %get3A_952] {strides = array<i32>} : memref<400x128xf32, #tpu.memory_space<vmem>>, vector<1x16xf32>,
          %get3A_954 = vector.shape_cast %get3A_953 : vector<1x16xf32> to vector<16xf32>
          %swap3A_955 = arith.index_cast %squeeze3A_892 : i32 to index
          %swap3A_956 = arith.constant 96 : index
          %swap3A_957 = tpu.vector_load %arg7[%swap3A_955, %swap3A_956] {strides = array<i32>} : memref<128x128xf32, #tpu.memory_space<vmem>>, vector<1x16xf32>,
          %swap3A_958 = vector.shape_cast %swap3A_957 : vector<1x16xf32> to vector<16xf32>
          %swap3A_959 = vector.shape_cast %get3A_954 : vector<16xf32> to vector<1x16xf32>
          tpu.vector_store %arg7[%swap3A_955, %swap3A_956], %swap3A_959 {add = true, strides = array<i32>} : memref<128x128xf32, #tpu.memory_space<vmem>>, vector<1x16xf32>,
          %get3A_960 = arith.index_cast %add3A_896 : i32 to index
          %get3A_961 = arith.constant 112 : index
          %get3A_962 = tpu.vector_load %arg5[%get3A_960, %get3A_961] {strides = array<i32>} : memref<400x128xf32, #tpu.memory_space<vmem>>, vector<1x16xf32>,
          %get3A_963 = vector.shape_cast %get3A_962 : vector<1x16xf32> to vector<16xf32>
          %swap3A_964 = arith.index_cast %squeeze3A_892 : i32 to index
          %swap3A_965 = arith.constant 112 : index
          %swap3A_966 = tpu.vector_load %arg7[%swap3A_964, %swap3A_965] {strides = array<i32>} : memref<128x128xf32, #tpu.memory_space<vmem>>, vector<1x16xf32>,
          %swap3A_967 = vector.shape_cast %swap3A_966 : vector<1x16xf32> to vector<16xf32>
          %swap3A_968 = vector.shape_cast %get3A_963 : vector<16xf32> to vector<1x16xf32>
          tpu.vector_store %arg7[%swap3A_964, %swap3A_965], %swap3A_968 {add = true, strides = array<i32>} : memref<128x128xf32, #tpu.memory_space<vmem>>, vector<1x16xf32>,
          %slice3A_969 = vector.extract_strided_slice %get3A_28 {offsets = [12], sizes = [1], strides = [1]} : vector<16xi32> to vector<1xi32>
          %squeeze3A_970 = vector.extract %slice3A_969[0] : i32 from vector<1xi32>
          %mul3A_971 = arith.constant 16 : i32
          %mul3A_972 = arith.muli %scan3A_24, %mul3A_971 : i32
          %add3A_973 = arith.constant 12 : i32
          %add3A_974 = arith.addi %mul3A_972, %add3A_973 : i32
          %get3A_975 = arith.index_cast %add3A_974 : i32 to index
          %get3A_976 = arith.constant 0 : index
          %get3A_977 = tpu.vector_load %arg5[%get3A_975, %get3A_976] {strides = array<i32>} : memref<400x128xf32, #tpu.memory_space<vmem>>, vector<1x16xf32>,
          %get3A_978 = vector.shape_cast %get3A_977 : vector<1x16xf32> to vector<16xf32>
          %swap3A_979 = arith.index_cast %squeeze3A_970 : i32 to index
          %swap3A_980 = arith.constant 0 : index
          %swap3A_981 = tpu.vector_load %arg7[%swap3A_979, %swap3A_980] {strides = array<i32>} : memref<128x128xf32, #tpu.memory_space<vmem>>, vector<1x16xf32>,
          %swap3A_982 = vector.shape_cast %swap3A_981 : vector<1x16xf32> to vector<16xf32>
          %swap3A_983 = vector.shape_cast %get3A_978 : vector<16xf32> to vector<1x16xf32>
          tpu.vector_store %arg7[%swap3A_979, %swap3A_980], %swap3A_983 {add = true, strides = array<i32>} : memref<128x128xf32, #tpu.memory_space<vmem>>, vector<1x16xf32>,
          %get3A_984 = arith.index_cast %add3A_974 : i32 to index
          %get3A_985 = arith.constant 16 : index
          %get3A_986 = tpu.vector_load %arg5[%get3A_984, %get3A_985] {strides = array<i32>} : memref<400x128xf32, #tpu.memory_space<vmem>>, vector<1x16xf32>,
          %get3A_987 = vector.shape_cast %get3A_986 : vector<1x16xf32> to vector<16xf32>
          %swap3A_988 = arith.index_cast %squeeze3A_970 : i32 to index
          %swap3A_989 = arith.constant 16 : index
          %swap3A_990 = tpu.vector_load %arg7[%swap3A_988, %swap3A_989] {strides = array<i32>} : memref<128x128xf32, #tpu.memory_space<vmem>>, vector<1x16xf32>,
          %swap3A_991 = vector.shape_cast %swap3A_990 : vector<1x16xf32> to vector<16xf32>
          %swap3A_992 = vector.shape_cast %get3A_987 : vector<16xf32> to vector<1x16xf32>
          tpu.vector_store %arg7[%swap3A_988, %swap3A_989], %swap3A_992 {add = true, strides = array<i32>} : memref<128x128xf32, #tpu.memory_space<vmem>>, vector<1x16xf32>,
          %get3A_993 = arith.index_cast %add3A_974 : i32 to index
          %get3A_994 = arith.constant 32 : index
          %get3A_995 = tpu.vector_load %arg5[%get3A_993, %get3A_994] {strides = array<i32>} : memref<400x128xf32, #tpu.memory_space<vmem>>, vector<1x16xf32>,
          %get3A_996 = vector.shape_cast %get3A_995 : vector<1x16xf32> to vector<16xf32>
          %swap3A_997 = arith.index_cast %squeeze3A_970 : i32 to index
          %swap3A_998 = arith.constant 32 : index
          %swap3A_999 = tpu.vector_load %arg7[%swap3A_997, %swap3A_998] {strides = array<i32>} : memref<128x128xf32, #tpu.memory_space<vmem>>, vector<1x16xf32>,
          %swap3A_1000 = vector.shape_cast %swap3A_999 : vector<1x16xf32> to vector<16xf32>
          %swap3A_1001 = vector.shape_cast %get3A_996 : vector<16xf32> to vector<1x16xf32>
          tpu.vector_store %arg7[%swap3A_997, %swap3A_998], %swap3A_1001 {add = true, strides = array<i32>} : memref<128x128xf32, #tpu.memory_space<vmem>>, vector<1x16xf32>,
          %get3A_1002 = arith.index_cast %add3A_974 : i32 to index
          %get3A_1003 = arith.constant 48 : index
          %get3A_1004 = tpu.vector_load %arg5[%get3A_1002, %get3A_1003] {strides = array<i32>} : memref<400x128xf32, #tpu.memory_space<vmem>>, vector<1x16xf32>,
          %get3A_1005 = vector.shape_cast %get3A_1004 : vector<1x16xf32> to vector<16xf32>
          %swap3A_1006 = arith.index_cast %squeeze3A_970 : i32 to index
          %swap3A_1007 = arith.constant 48 : index
          %swap3A_1008 = tpu.vector_load %arg7[%swap3A_1006, %swap3A_1007] {strides = array<i32>} : memref<128x128xf32, #tpu.memory_space<vmem>>, vector<1x16xf32>,
          %swap3A_1009 = vector.shape_cast %swap3A_1008 : vector<1x16xf32> to vector<16xf32>
          %swap3A_1010 = vector.shape_cast %get3A_1005 : vector<16xf32> to vector<1x16xf32>
          tpu.vector_store %arg7[%swap3A_1006, %swap3A_1007], %swap3A_1010 {add = true, strides = array<i32>} : memref<128x128xf32, #tpu.memory_space<vmem>>, vector<1x16xf32>,
          %get3A_1011 = arith.index_cast %add3A_974 : i32 to index
          %get3A_1012 = arith.constant 64 : index
          %get3A_1013 = tpu.vector_load %arg5[%get3A_1011, %get3A_1012] {strides = array<i32>} : memref<400x128xf32, #tpu.memory_space<vmem>>, vector<1x16xf32>,
          %get3A_1014 = vector.shape_cast %get3A_1013 : vector<1x16xf32> to vector<16xf32>
          %swap3A_1015 = arith.index_cast %squeeze3A_970 : i32 to index
          %swap3A_1016 = arith.constant 64 : index
          %swap3A_1017 = tpu.vector_load %arg7[%swap3A_1015, %swap3A_1016] {strides = array<i32>} : memref<128x128xf32, #tpu.memory_space<vmem>>, vector<1x16xf32>,
          %swap3A_1018 = vector.shape_cast %swap3A_1017 : vector<1x16xf32> to vector<16xf32>
          %swap3A_1019 = vector.shape_cast %get3A_1014 : vector<16xf32> to vector<1x16xf32>
          tpu.vector_store %arg7[%swap3A_1015, %swap3A_1016], %swap3A_1019 {add = true, strides = array<i32>} : memref<128x128xf32, #tpu.memory_space<vmem>>, vector<1x16xf32>,
          %get3A_1020 = arith.index_cast %add3A_974 : i32 to index
          %get3A_1021 = arith.constant 80 : index
          %get3A_1022 = tpu.vector_load %arg5[%get3A_1020, %get3A_1021] {strides = array<i32>} : memref<400x128xf32, #tpu.memory_space<vmem>>, vector<1x16xf32>,
          %get3A_1023 = vector.shape_cast %get3A_1022 : vector<1x16xf32> to vector<16xf32>
          %swap3A_1024 = arith.index_cast %squeeze3A_970 : i32 to index
          %swap3A_1025 = arith.constant 80 : index
          %swap3A_1026 = tpu.vector_load %arg7[%swap3A_1024, %swap3A_1025] {strides = array<i32>} : memref<128x128xf32, #tpu.memory_space<vmem>>, vector<1x16xf32>,
          %swap3A_1027 = vector.shape_cast %swap3A_1026 : vector<1x16xf32> to vector<16xf32>
          %swap3A_1028 = vector.shape_cast %get3A_1023 : vector<16xf32> to vector<1x16xf32>
          tpu.vector_store %arg7[%swap3A_1024, %swap3A_1025], %swap3A_1028 {add = true, strides = array<i32>} : memref<128x128xf32, #tpu.memory_space<vmem>>, vector<1x16xf32>,
          %get3A_1029 = arith.index_cast %add3A_974 : i32 to index
          %get3A_1030 = arith.constant 96 : index
          %get3A_1031 = tpu.vector_load %arg5[%get3A_1029, %get3A_1030] {strides = array<i32>} : memref<400x128xf32, #tpu.memory_space<vmem>>, vector<1x16xf32>,
          %get3A_1032 = vector.shape_cast %get3A_1031 : vector<1x16xf32> to vector<16xf32>
          %swap3A_1033 = arith.index_cast %squeeze3A_970 : i32 to index
          %swap3A_1034 = arith.constant 96 : index
          %swap3A_1035 = tpu.vector_load %arg7[%swap3A_1033, %swap3A_1034] {strides = array<i32>} : memref<128x128xf32, #tpu.memory_space<vmem>>, vector<1x16xf32>,
          %swap3A_1036 = vector.shape_cast %swap3A_1035 : vector<1x16xf32> to vector<16xf32>
          %swap3A_1037 = vector.shape_cast %get3A_1032 : vector<16xf32> to vector<1x16xf32>
          tpu.vector_store %arg7[%swap3A_1033, %swap3A_1034], %swap3A_1037 {add = true, strides = array<i32>} : memref<128x128xf32, #tpu.memory_space<vmem>>, vector<1x16xf32>,
          %get3A_1038 = arith.index_cast %add3A_974 : i32 to index
          %get3A_1039 = arith.constant 112 : index
          %get3A_1040 = tpu.vector_load %arg5[%get3A_1038, %get3A_1039] {strides = array<i32>} : memref<400x128xf32, #tpu.memory_space<vmem>>, vector<1x16xf32>,
          %get3A_1041 = vector.shape_cast %get3A_1040 : vector<1x16xf32> to vector<16xf32>
          %swap3A_1042 = arith.index_cast %squeeze3A_970 : i32 to index
          %swap3A_1043 = arith.constant 112 : index
          %swap3A_1044 = tpu.vector_load %arg7[%swap3A_1042, %swap3A_1043] {strides = array<i32>} : memref<128x128xf32, #tpu.memory_space<vmem>>, vector<1x16xf32>,
          %swap3A_1045 = vector.shape_cast %swap3A_1044 : vector<1x16xf32> to vector<16xf32>
          %swap3A_1046 = vector.shape_cast %get3A_1041 : vector<16xf32> to vector<1x16xf32>
          tpu.vector_store %arg7[%swap3A_1042, %swap3A_1043], %swap3A_1046 {add = true, strides = array<i32>} : memref<128x128xf32, #tpu.memory_space<vmem>>, vector<1x16xf32>,
          %slice3A_1047 = vector.extract_strided_slice %get3A_28 {offsets = [13], sizes = [1], strides = [1]} : vector<16xi32> to vector<1xi32>
          %squeeze3A_1048 = vector.extract %slice3A_1047[0] : i32 from vector<1xi32>
          %mul3A_1049 = arith.constant 16 : i32
          %mul3A_1050 = arith.muli %scan3A_24, %mul3A_1049 : i32
          %add3A_1051 = arith.constant 13 : i32
          %add3A_1052 = arith.addi %mul3A_1050, %add3A_1051 : i32
          %get3A_1053 = arith.index_cast %add3A_1052 : i32 to index
          %get3A_1054 = arith.constant 0 : index
          %get3A_1055 = tpu.vector_load %arg5[%get3A_1053, %get3A_1054] {strides = array<i32>} : memref<400x128xf32, #tpu.memory_space<vmem>>, vector<1x16xf32>,
          %get3A_1056 = vector.shape_cast %get3A_1055 : vector<1x16xf32> to vector<16xf32>
          %swap3A_1057 = arith.index_cast %squeeze3A_1048 : i32 to index
          %swap3A_1058 = arith.constant 0 : index
          %swap3A_1059 = tpu.vector_load %arg7[%swap3A_1057, %swap3A_1058] {strides = array<i32>} : memref<128x128xf32, #tpu.memory_space<vmem>>, vector<1x16xf32>,
          %swap3A_1060 = vector.shape_cast %swap3A_1059 : vector<1x16xf32> to vector<16xf32>
          %swap3A_1061 = vector.shape_cast %get3A_1056 : vector<16xf32> to vector<1x16xf32>
          tpu.vector_store %arg7[%swap3A_1057, %swap3A_1058], %swap3A_1061 {add = true, strides = array<i32>} : memref<128x128xf32, #tpu.memory_space<vmem>>, vector<1x16xf32>,
          %get3A_1062 = arith.index_cast %add3A_1052 : i32 to index
          %get3A_1063 = arith.constant 16 : index
          %get3A_1064 = tpu.vector_load %arg5[%get3A_1062, %get3A_1063] {strides = array<i32>} : memref<400x128xf32, #tpu.memory_space<vmem>>, vector<1x16xf32>,
          %get3A_1065 = vector.shape_cast %get3A_1064 : vector<1x16xf32> to vector<16xf32>
          %swap3A_1066 = arith.index_cast %squeeze3A_1048 : i32 to index
          %swap3A_1067 = arith.constant 16 : index
          %swap3A_1068 = tpu.vector_load %arg7[%swap3A_1066, %swap3A_1067] {strides = array<i32>} : memref<128x128xf32, #tpu.memory_space<vmem>>, vector<1x16xf32>,
          %swap3A_1069 = vector.shape_cast %swap3A_1068 : vector<1x16xf32> to vector<16xf32>
          %swap3A_1070 = vector.shape_cast %get3A_1065 : vector<16xf32> to vector<1x16xf32>
          tpu.vector_store %arg7[%swap3A_1066, %swap3A_1067], %swap3A_1070 {add = true, strides = array<i32>} : memref<128x128xf32, #tpu.memory_space<vmem>>, vector<1x16xf32>,
          %get3A_1071 = arith.index_cast %add3A_1052 : i32 to index
          %get3A_1072 = arith.constant 32 : index
          %get3A_1073 = tpu.vector_load %arg5[%get3A_1071, %get3A_1072] {strides = array<i32>} : memref<400x128xf32, #tpu.memory_space<vmem>>, vector<1x16xf32>,
          %get3A_1074 = vector.shape_cast %get3A_1073 : vector<1x16xf32> to vector<16xf32>
          %swap3A_1075 = arith.index_cast %squeeze3A_1048 : i32 to index
          %swap3A_1076 = arith.constant 32 : index
          %swap3A_1077 = tpu.vector_load %arg7[%swap3A_1075, %swap3A_1076] {strides = array<i32>} : memref<128x128xf32, #tpu.memory_space<vmem>>, vector<1x16xf32>,
          %swap3A_1078 = vector.shape_cast %swap3A_1077 : vector<1x16xf32> to vector<16xf32>
          %swap3A_1079 = vector.shape_cast %get3A_1074 : vector<16xf32> to vector<1x16xf32>
          tpu.vector_store %arg7[%swap3A_1075, %swap3A_1076], %swap3A_1079 {add = true, strides = array<i32>} : memref<128x128xf32, #tpu.memory_space<vmem>>, vector<1x16xf32>,
          %get3A_1080 = arith.index_cast %add3A_1052 : i32 to index
          %get3A_1081 = arith.constant 48 : index
          %get3A_1082 = tpu.vector_load %arg5[%get3A_1080, %get3A_1081] {strides = array<i32>} : memref<400x128xf32, #tpu.memory_space<vmem>>, vector<1x16xf32>,
          %get3A_1083 = vector.shape_cast %get3A_1082 : vector<1x16xf32> to vector<16xf32>
          %swap3A_1084 = arith.index_cast %squeeze3A_1048 : i32 to index
          %swap3A_1085 = arith.constant 48 : index
          %swap3A_1086 = tpu.vector_load %arg7[%swap3A_1084, %swap3A_1085] {strides = array<i32>} : memref<128x128xf32, #tpu.memory_space<vmem>>, vector<1x16xf32>,
          %swap3A_1087 = vector.shape_cast %swap3A_1086 : vector<1x16xf32> to vector<16xf32>
          %swap3A_1088 = vector.shape_cast %get3A_1083 : vector<16xf32> to vector<1x16xf32>
          tpu.vector_store %arg7[%swap3A_1084, %swap3A_1085], %swap3A_1088 {add = true, strides = array<i32>} : memref<128x128xf32, #tpu.memory_space<vmem>>, vector<1x16xf32>,
          %get3A_1089 = arith.index_cast %add3A_1052 : i32 to index
          %get3A_1090 = arith.constant 64 : index
          %get3A_1091 = tpu.vector_load %arg5[%get3A_1089, %get3A_1090] {strides = array<i32>} : memref<400x128xf32, #tpu.memory_space<vmem>>, vector<1x16xf32>,
          %get3A_1092 = vector.shape_cast %get3A_1091 : vector<1x16xf32> to vector<16xf32>
          %swap3A_1093 = arith.index_cast %squeeze3A_1048 : i32 to index
          %swap3A_1094 = arith.constant 64 : index
          %swap3A_1095 = tpu.vector_load %arg7[%swap3A_1093, %swap3A_1094] {strides = array<i32>} : memref<128x128xf32, #tpu.memory_space<vmem>>, vector<1x16xf32>,
          %swap3A_1096 = vector.shape_cast %swap3A_1095 : vector<1x16xf32> to vector<16xf32>
          %swap3A_1097 = vector.shape_cast %get3A_1092 : vector<16xf32> to vector<1x16xf32>
          tpu.vector_store %arg7[%swap3A_1093, %swap3A_1094], %swap3A_1097 {add = true, strides = array<i32>} : memref<128x128xf32, #tpu.memory_space<vmem>>, vector<1x16xf32>,
          %get3A_1098 = arith.index_cast %add3A_1052 : i32 to index
          %get3A_1099 = arith.constant 80 : index
          %get3A_1100 = tpu.vector_load %arg5[%get3A_1098, %get3A_1099] {strides = array<i32>} : memref<400x128xf32, #tpu.memory_space<vmem>>, vector<1x16xf32>,
          %get3A_1101 = vector.shape_cast %get3A_1100 : vector<1x16xf32> to vector<16xf32>
          %swap3A_1102 = arith.index_cast %squeeze3A_1048 : i32 to index
          %swap3A_1103 = arith.constant 80 : index
          %swap3A_1104 = tpu.vector_load %arg7[%swap3A_1102, %swap3A_1103] {strides = array<i32>} : memref<128x128xf32, #tpu.memory_space<vmem>>, vector<1x16xf32>,
          %swap3A_1105 = vector.shape_cast %swap3A_1104 : vector<1x16xf32> to vector<16xf32>
          %swap3A_1106 = vector.shape_cast %get3A_1101 : vector<16xf32> to vector<1x16xf32>
          tpu.vector_store %arg7[%swap3A_1102, %swap3A_1103], %swap3A_1106 {add = true, strides = array<i32>} : memref<128x128xf32, #tpu.memory_space<vmem>>, vector<1x16xf32>,
          %get3A_1107 = arith.index_cast %add3A_1052 : i32 to index
          %get3A_1108 = arith.constant 96 : index
          %get3A_1109 = tpu.vector_load %arg5[%get3A_1107, %get3A_1108] {strides = array<i32>} : memref<400x128xf32, #tpu.memory_space<vmem>>, vector<1x16xf32>,
          %get3A_1110 = vector.shape_cast %get3A_1109 : vector<1x16xf32> to vector<16xf32>
          %swap3A_1111 = arith.index_cast %squeeze3A_1048 : i32 to index
          %swap3A_1112 = arith.constant 96 : index
          %swap3A_1113 = tpu.vector_load %arg7[%swap3A_1111, %swap3A_1112] {strides = array<i32>} : memref<128x128xf32, #tpu.memory_space<vmem>>, vector<1x16xf32>,
          %swap3A_1114 = vector.shape_cast %swap3A_1113 : vector<1x16xf32> to vector<16xf32>
          %swap3A_1115 = vector.shape_cast %get3A_1110 : vector<16xf32> to vector<1x16xf32>
          tpu.vector_store %arg7[%swap3A_1111, %swap3A_1112], %swap3A_1115 {add = true, strides = array<i32>} : memref<128x128xf32, #tpu.memory_space<vmem>>, vector<1x16xf32>,
          %get3A_1116 = arith.index_cast %add3A_1052 : i32 to index
          %get3A_1117 = arith.constant 112 : index
          %get3A_1118 = tpu.vector_load %arg5[%get3A_1116, %get3A_1117] {strides = array<i32>} : memref<400x128xf32, #tpu.memory_space<vmem>>, vector<1x16xf32>,
          %get3A_1119 = vector.shape_cast %get3A_1118 : vector<1x16xf32> to vector<16xf32>
          %swap3A_1120 = arith.index_cast %squeeze3A_1048 : i32 to index
          %swap3A_1121 = arith.constant 112 : index
          %swap3A_1122 = tpu.vector_load %arg7[%swap3A_1120, %swap3A_1121] {strides = array<i32>} : memref<128x128xf32, #tpu.memory_space<vmem>>, vector<1x16xf32>,
          %swap3A_1123 = vector.shape_cast %swap3A_1122 : vector<1x16xf32> to vector<16xf32>
          %swap3A_1124 = vector.shape_cast %get3A_1119 : vector<16xf32> to vector<1x16xf32>
          tpu.vector_store %arg7[%swap3A_1120, %swap3A_1121], %swap3A_1124 {add = true, strides = array<i32>} : memref<128x128xf32, #tpu.memory_space<vmem>>, vector<1x16xf32>,
          %slice3A_1125 = vector.extract_strided_slice %get3A_28 {offsets = [14], sizes = [1], strides = [1]} : vector<16xi32> to vector<1xi32>
          %squeeze3A_1126 = vector.extract %slice3A_1125[0] : i32 from vector<1xi32>
          %mul3A_1127 = arith.constant 16 : i32
          %mul3A_1128 = arith.muli %scan3A_24, %mul3A_1127 : i32
          %add3A_1129 = arith.constant 14 : i32
          %add3A_1130 = arith.addi %mul3A_1128, %add3A_1129 : i32
          %get3A_1131 = arith.index_cast %add3A_1130 : i32 to index
          %get3A_1132 = arith.constant 0 : index
          %get3A_1133 = tpu.vector_load %arg5[%get3A_1131, %get3A_1132] {strides = array<i32>} : memref<400x128xf32, #tpu.memory_space<vmem>>, vector<1x16xf32>,
          %get3A_1134 = vector.shape_cast %get3A_1133 : vector<1x16xf32> to vector<16xf32>
          %swap3A_1135 = arith.index_cast %squeeze3A_1126 : i32 to index
          %swap3A_1136 = arith.constant 0 : index
          %swap3A_1137 = tpu.vector_load %arg7[%swap3A_1135, %swap3A_1136] {strides = array<i32>} : memref<128x128xf32, #tpu.memory_space<vmem>>, vector<1x16xf32>,
          %swap3A_1138 = vector.shape_cast %swap3A_1137 : vector<1x16xf32> to vector<16xf32>
          %swap3A_1139 = vector.shape_cast %get3A_1134 : vector<16xf32> to vector<1x16xf32>
          tpu.vector_store %arg7[%swap3A_1135, %swap3A_1136], %swap3A_1139 {add = true, strides = array<i32>} : memref<128x128xf32, #tpu.memory_space<vmem>>, vector<1x16xf32>,
          %get3A_1140 = arith.index_cast %add3A_1130 : i32 to index
          %get3A_1141 = arith.constant 16 : index
          %get3A_1142 = tpu.vector_load %arg5[%get3A_1140, %get3A_1141] {strides = array<i32>} : memref<400x128xf32, #tpu.memory_space<vmem>>, vector<1x16xf32>,
          %get3A_1143 = vector.shape_cast %get3A_1142 : vector<1x16xf32> to vector<16xf32>
          %swap3A_1144 = arith.index_cast %squeeze3A_1126 : i32 to index
          %swap3A_1145 = arith.constant 16 : index
          %swap3A_1146 = tpu.vector_load %arg7[%swap3A_1144, %swap3A_1145] {strides = array<i32>} : memref<128x128xf32, #tpu.memory_space<vmem>>, vector<1x16xf32>,
          %swap3A_1147 = vector.shape_cast %swap3A_1146 : vector<1x16xf32> to vector<16xf32>
          %swap3A_1148 = vector.shape_cast %get3A_1143 : vector<16xf32> to vector<1x16xf32>
          tpu.vector_store %arg7[%swap3A_1144, %swap3A_1145], %swap3A_1148 {add = true, strides = array<i32>} : memref<128x128xf32, #tpu.memory_space<vmem>>, vector<1x16xf32>,
          %get3A_1149 = arith.index_cast %add3A_1130 : i32 to index
          %get3A_1150 = arith.constant 32 : index
          %get3A_1151 = tpu.vector_load %arg5[%get3A_1149, %get3A_1150] {strides = array<i32>} : memref<400x128xf32, #tpu.memory_space<vmem>>, vector<1x16xf32>,
          %get3A_1152 = vector.shape_cast %get3A_1151 : vector<1x16xf32> to vector<16xf32>
          %swap3A_1153 = arith.index_cast %squeeze3A_1126 : i32 to index
          %swap3A_1154 = arith.constant 32 : index
          %swap3A_1155 = tpu.vector_load %arg7[%swap3A_1153, %swap3A_1154] {strides = array<i32>} : memref<128x128xf32, #tpu.memory_space<vmem>>, vector<1x16xf32>,
          %swap3A_1156 = vector.shape_cast %swap3A_1155 : vector<1x16xf32> to vector<16xf32>
          %swap3A_1157 = vector.shape_cast %get3A_1152 : vector<16xf32> to vector<1x16xf32>
          tpu.vector_store %arg7[%swap3A_1153, %swap3A_1154], %swap3A_1157 {add = true, strides = array<i32>} : memref<128x128xf32, #tpu.memory_space<vmem>>, vector<1x16xf32>,
          %get3A_1158 = arith.index_cast %add3A_1130 : i32 to index
          %get3A_1159 = arith.constant 48 : index
          %get3A_1160 = tpu.vector_load %arg5[%get3A_1158, %get3A_1159] {strides = array<i32>} : memref<400x128xf32, #tpu.memory_space<vmem>>, vector<1x16xf32>,
          %get3A_1161 = vector.shape_cast %get3A_1160 : vector<1x16xf32> to vector<16xf32>
          %swap3A_1162 = arith.index_cast %squeeze3A_1126 : i32 to index
          %swap3A_1163 = arith.constant 48 : index
          %swap3A_1164 = tpu.vector_load %arg7[%swap3A_1162, %swap3A_1163] {strides = array<i32>} : memref<128x128xf32, #tpu.memory_space<vmem>>, vector<1x16xf32>,
          %swap3A_1165 = vector.shape_cast %swap3A_1164 : vector<1x16xf32> to vector<16xf32>
          %swap3A_1166 = vector.shape_cast %get3A_1161 : vector<16xf32> to vector<1x16xf32>
          tpu.vector_store %arg7[%swap3A_1162, %swap3A_1163], %swap3A_1166 {add = true, strides = array<i32>} : memref<128x128xf32, #tpu.memory_space<vmem>>, vector<1x16xf32>,
          %get3A_1167 = arith.index_cast %add3A_1130 : i32 to index
          %get3A_1168 = arith.constant 64 : index
          %get3A_1169 = tpu.vector_load %arg5[%get3A_1167, %get3A_1168] {strides = array<i32>} : memref<400x128xf32, #tpu.memory_space<vmem>>, vector<1x16xf32>,
          %get3A_1170 = vector.shape_cast %get3A_1169 : vector<1x16xf32> to vector<16xf32>
          %swap3A_1171 = arith.index_cast %squeeze3A_1126 : i32 to index
          %swap3A_1172 = arith.constant 64 : index
          %swap3A_1173 = tpu.vector_load %arg7[%swap3A_1171, %swap3A_1172] {strides = array<i32>} : memref<128x128xf32, #tpu.memory_space<vmem>>, vector<1x16xf32>,
          %swap3A_1174 = vector.shape_cast %swap3A_1173 : vector<1x16xf32> to vector<16xf32>
          %swap3A_1175 = vector.shape_cast %get3A_1170 : vector<16xf32> to vector<1x16xf32>
          tpu.vector_store %arg7[%swap3A_1171, %swap3A_1172], %swap3A_1175 {add = true, strides = array<i32>} : memref<128x128xf32, #tpu.memory_space<vmem>>, vector<1x16xf32>,
          %get3A_1176 = arith.index_cast %add3A_1130 : i32 to index
          %get3A_1177 = arith.constant 80 : index
          %get3A_1178 = tpu.vector_load %arg5[%get3A_1176, %get3A_1177] {strides = array<i32>} : memref<400x128xf32, #tpu.memory_space<vmem>>, vector<1x16xf32>,
          %get3A_1179 = vector.shape_cast %get3A_1178 : vector<1x16xf32> to vector<16xf32>
          %swap3A_1180 = arith.index_cast %squeeze3A_1126 : i32 to index
          %swap3A_1181 = arith.constant 80 : index
          %swap3A_1182 = tpu.vector_load %arg7[%swap3A_1180, %swap3A_1181] {strides = array<i32>} : memref<128x128xf32, #tpu.memory_space<vmem>>, vector<1x16xf32>,
          %swap3A_1183 = vector.shape_cast %swap3A_1182 : vector<1x16xf32> to vector<16xf32>
          %swap3A_1184 = vector.shape_cast %get3A_1179 : vector<16xf32> to vector<1x16xf32>
          tpu.vector_store %arg7[%swap3A_1180, %swap3A_1181], %swap3A_1184 {add = true, strides = array<i32>} : memref<128x128xf32, #tpu.memory_space<vmem>>, vector<1x16xf32>,
          %get3A_1185 = arith.index_cast %add3A_1130 : i32 to index
          %get3A_1186 = arith.constant 96 : index
          %get3A_1187 = tpu.vector_load %arg5[%get3A_1185, %get3A_1186] {strides = array<i32>} : memref<400x128xf32, #tpu.memory_space<vmem>>, vector<1x16xf32>,
          %get3A_1188 = vector.shape_cast %get3A_1187 : vector<1x16xf32> to vector<16xf32>
          %swap3A_1189 = arith.index_cast %squeeze3A_1126 : i32 to index
          %swap3A_1190 = arith.constant 96 : index
          %swap3A_1191 = tpu.vector_load %arg7[%swap3A_1189, %swap3A_1190] {strides = array<i32>} : memref<128x128xf32, #tpu.memory_space<vmem>>, vector<1x16xf32>,
          %swap3A_1192 = vector.shape_cast %swap3A_1191 : vector<1x16xf32> to vector<16xf32>
          %swap3A_1193 = vector.shape_cast %get3A_1188 : vector<16xf32> to vector<1x16xf32>
          tpu.vector_store %arg7[%swap3A_1189, %swap3A_1190], %swap3A_1193 {add = true, strides = array<i32>} : memref<128x128xf32, #tpu.memory_space<vmem>>, vector<1x16xf32>,
          %get3A_1194 = arith.index_cast %add3A_1130 : i32 to index
          %get3A_1195 = arith.constant 112 : index
          %get3A_1196 = tpu.vector_load %arg5[%get3A_1194, %get3A_1195] {strides = array<i32>} : memref<400x128xf32, #tpu.memory_space<vmem>>, vector<1x16xf32>,
          %get3A_1197 = vector.shape_cast %get3A_1196 : vector<1x16xf32> to vector<16xf32>
          %swap3A_1198 = arith.index_cast %squeeze3A_1126 : i32 to index
          %swap3A_1199 = arith.constant 112 : index
          %swap3A_1200 = tpu.vector_load %arg7[%swap3A_1198, %swap3A_1199] {strides = array<i32>} : memref<128x128xf32, #tpu.memory_space<vmem>>, vector<1x16xf32>,
          %swap3A_1201 = vector.shape_cast %swap3A_1200 : vector<1x16xf32> to vector<16xf32>
          %swap3A_1202 = vector.shape_cast %get3A_1197 : vector<16xf32> to vector<1x16xf32>
          tpu.vector_store %arg7[%swap3A_1198, %swap3A_1199], %swap3A_1202 {add = true, strides = array<i32>} : memref<128x128xf32, #tpu.memory_space<vmem>>, vector<1x16xf32>,
          %slice3A_1203 = vector.extract_strided_slice %get3A_28 {offsets = [15], sizes = [1], strides = [1]} : vector<16xi32> to vector<1xi32>
          %squeeze3A_1204 = vector.extract %slice3A_1203[0] : i32 from vector<1xi32>
          %mul3A_1205 = arith.constant 16 : i32
          %mul3A_1206 = arith.muli %scan3A_24, %mul3A_1205 : i32
          %add3A_1207 = arith.constant 15 : i32
          %add3A_1208 = arith.addi %mul3A_1206, %add3A_1207 : i32
          %get3A_1209 = arith.index_cast %add3A_1208 : i32 to index
          %get3A_1210 = arith.constant 0 : index
          %get3A_1211 = tpu.vector_load %arg5[%get3A_1209, %get3A_1210] {strides = array<i32>} : memref<400x128xf32, #tpu.memory_space<vmem>>, vector<1x16xf32>,
          %get3A_1212 = vector.shape_cast %get3A_1211 : vector<1x16xf32> to vector<16xf32>
          %swap3A_1213 = arith.index_cast %squeeze3A_1204 : i32 to index
          %swap3A_1214 = arith.constant 0 : index
          %swap3A_1215 = tpu.vector_load %arg7[%swap3A_1213, %swap3A_1214] {strides = array<i32>} : memref<128x128xf32, #tpu.memory_space<vmem>>, vector<1x16xf32>,
          %swap3A_1216 = vector.shape_cast %swap3A_1215 : vector<1x16xf32> to vector<16xf32>
          %swap3A_1217 = vector.shape_cast %get3A_1212 : vector<16xf32> to vector<1x16xf32>
          tpu.vector_store %arg7[%swap3A_1213, %swap3A_1214], %swap3A_1217 {add = true, strides = array<i32>} : memref<128x128xf32, #tpu.memory_space<vmem>>, vector<1x16xf32>,
          %get3A_1218 = arith.index_cast %add3A_1208 : i32 to index
          %get3A_1219 = arith.constant 16 : index
          %get3A_1220 = tpu.vector_load %arg5[%get3A_1218, %get3A_1219] {strides = array<i32>} : memref<400x128xf32, #tpu.memory_space<vmem>>, vector<1x16xf32>,
          %get3A_1221 = vector.shape_cast %get3A_1220 : vector<1x16xf32> to vector<16xf32>
          %swap3A_1222 = arith.index_cast %squeeze3A_1204 : i32 to index
          %swap3A_1223 = arith.constant 16 : index
          %swap3A_1224 = tpu.vector_load %arg7[%swap3A_1222, %swap3A_1223] {strides = array<i32>} : memref<128x128xf32, #tpu.memory_space<vmem>>, vector<1x16xf32>,
          %swap3A_1225 = vector.shape_cast %swap3A_1224 : vector<1x16xf32> to vector<16xf32>
          %swap3A_1226 = vector.shape_cast %get3A_1221 : vector<16xf32> to vector<1x16xf32>
          tpu.vector_store %arg7[%swap3A_1222, %swap3A_1223], %swap3A_1226 {add = true, strides = array<i32>} : memref<128x128xf32, #tpu.memory_space<vmem>>, vector<1x16xf32>,
          %get3A_1227 = arith.index_cast %add3A_1208 : i32 to index
          %get3A_1228 = arith.constant 32 : index
          %get3A_1229 = tpu.vector_load %arg5[%get3A_1227, %get3A_1228] {strides = array<i32>} : memref<400x128xf32, #tpu.memory_space<vmem>>, vector<1x16xf32>,
          %get3A_1230 = vector.shape_cast %get3A_1229 : vector<1x16xf32> to vector<16xf32>
          %swap3A_1231 = arith.index_cast %squeeze3A_1204 : i32 to index
          %swap3A_1232 = arith.constant 32 : index
          %swap3A_1233 = tpu.vector_load %arg7[%swap3A_1231, %swap3A_1232] {strides = array<i32>} : memref<128x128xf32, #tpu.memory_space<vmem>>, vector<1x16xf32>,
          %swap3A_1234 = vector.shape_cast %swap3A_1233 : vector<1x16xf32> to vector<16xf32>
          %swap3A_1235 = vector.shape_cast %get3A_1230 : vector<16xf32> to vector<1x16xf32>
          tpu.vector_store %arg7[%swap3A_1231, %swap3A_1232], %swap3A_1235 {add = true, strides = array<i32>} : memref<128x128xf32, #tpu.memory_space<vmem>>, vector<1x16xf32>,
          %get3A_1236 = arith.index_cast %add3A_1208 : i32 to index
          %get3A_1237 = arith.constant 48 : index
          %get3A_1238 = tpu.vector_load %arg5[%get3A_1236, %get3A_1237] {strides = array<i32>} : memref<400x128xf32, #tpu.memory_space<vmem>>, vector<1x16xf32>,
          %get3A_1239 = vector.shape_cast %get3A_1238 : vector<1x16xf32> to vector<16xf32>
          %swap3A_1240 = arith.index_cast %squeeze3A_1204 : i32 to index
          %swap3A_1241 = arith.constant 48 : index
          %swap3A_1242 = tpu.vector_load %arg7[%swap3A_1240, %swap3A_1241] {strides = array<i32>} : memref<128x128xf32, #tpu.memory_space<vmem>>, vector<1x16xf32>,
          %swap3A_1243 = vector.shape_cast %swap3A_1242 : vector<1x16xf32> to vector<16xf32>
          %swap3A_1244 = vector.shape_cast %get3A_1239 : vector<16xf32> to vector<1x16xf32>
          tpu.vector_store %arg7[%swap3A_1240, %swap3A_1241], %swap3A_1244 {add = true, strides = array<i32>} : memref<128x128xf32, #tpu.memory_space<vmem>>, vector<1x16xf32>,
          %get3A_1245 = arith.index_cast %add3A_1208 : i32 to index
          %get3A_1246 = arith.constant 64 : index
          %get3A_1247 = tpu.vector_load %arg5[%get3A_1245, %get3A_1246] {strides = array<i32>} : memref<400x128xf32, #tpu.memory_space<vmem>>, vector<1x16xf32>,
          %get3A_1248 = vector.shape_cast %get3A_1247 : vector<1x16xf32> to vector<16xf32>
          %swap3A_1249 = arith.index_cast %squeeze3A_1204 : i32 to index
          %swap3A_1250 = arith.constant 64 : index
          %swap3A_1251 = tpu.vector_load %arg7[%swap3A_1249, %swap3A_1250] {strides = array<i32>} : memref<128x128xf32, #tpu.memory_space<vmem>>, vector<1x16xf32>,
          %swap3A_1252 = vector.shape_cast %swap3A_1251 : vector<1x16xf32> to vector<16xf32>
          %swap3A_1253 = vector.shape_cast %get3A_1248 : vector<16xf32> to vector<1x16xf32>
          tpu.vector_store %arg7[%swap3A_1249, %swap3A_1250], %swap3A_1253 {add = true, strides = array<i32>} : memref<128x128xf32, #tpu.memory_space<vmem>>, vector<1x16xf32>,
          %get3A_1254 = arith.index_cast %add3A_1208 : i32 to index
          %get3A_1255 = arith.constant 80 : index
          %get3A_1256 = tpu.vector_load %arg5[%get3A_1254, %get3A_1255] {strides = array<i32>} : memref<400x128xf32, #tpu.memory_space<vmem>>, vector<1x16xf32>,
          %get3A_1257 = vector.shape_cast %get3A_1256 : vector<1x16xf32> to vector<16xf32>
          %swap3A_1258 = arith.index_cast %squeeze3A_1204 : i32 to index
          %swap3A_1259 = arith.constant 80 : index
          %swap3A_1260 = tpu.vector_load %arg7[%swap3A_1258, %swap3A_1259] {strides = array<i32>} : memref<128x128xf32, #tpu.memory_space<vmem>>, vector<1x16xf32>,
          %swap3A_1261 = vector.shape_cast %swap3A_1260 : vector<1x16xf32> to vector<16xf32>
          %swap3A_1262 = vector.shape_cast %get3A_1257 : vector<16xf32> to vector<1x16xf32>
          tpu.vector_store %arg7[%swap3A_1258, %swap3A_1259], %swap3A_1262 {add = true, strides = array<i32>} : memref<128x128xf32, #tpu.memory_space<vmem>>, vector<1x16xf32>,
          %get3A_1263 = arith.index_cast %add3A_1208 : i32 to index
          %get3A_1264 = arith.constant 96 : index
          %get3A_1265 = tpu.vector_load %arg5[%get3A_1263, %get3A_1264] {strides = array<i32>} : memref<400x128xf32, #tpu.memory_space<vmem>>, vector<1x16xf32>,
          %get3A_1266 = vector.shape_cast %get3A_1265 : vector<1x16xf32> to vector<16xf32>
          %swap3A_1267 = arith.index_cast %squeeze3A_1204 : i32 to index
          %swap3A_1268 = arith.constant 96 : index
          %swap3A_1269 = tpu.vector_load %arg7[%swap3A_1267, %swap3A_1268] {strides = array<i32>} : memref<128x128xf32, #tpu.memory_space<vmem>>, vector<1x16xf32>,
          %swap3A_1270 = vector.shape_cast %swap3A_1269 : vector<1x16xf32> to vector<16xf32>
          %swap3A_1271 = vector.shape_cast %get3A_1266 : vector<16xf32> to vector<1x16xf32>
          tpu.vector_store %arg7[%swap3A_1267, %swap3A_1268], %swap3A_1271 {add = true, strides = array<i32>} : memref<128x128xf32, #tpu.memory_space<vmem>>, vector<1x16xf32>,
          %get3A_1272 = arith.index_cast %add3A_1208 : i32 to index
          %get3A_1273 = arith.constant 112 : index
          %get3A_1274 = tpu.vector_load %arg5[%get3A_1272, %get3A_1273] {strides = array<i32>} : memref<400x128xf32, #tpu.memory_space<vmem>>, vector<1x16xf32>,
          %get3A_1275 = vector.shape_cast %get3A_1274 : vector<1x16xf32> to vector<16xf32>
          %swap3A_1276 = arith.index_cast %squeeze3A_1204 : i32 to index
          %swap3A_1277 = arith.constant 112 : index
          %swap3A_1278 = tpu.vector_load %arg7[%swap3A_1276, %swap3A_1277] {strides = array<i32>} : memref<128x128xf32, #tpu.memory_space<vmem>>, vector<1x16xf32>,
          %swap3A_1279 = vector.shape_cast %swap3A_1278 : vector<1x16xf32> to vector<16xf32>
          %swap3A_1280 = vector.shape_cast %get3A_1275 : vector<16xf32> to vector<1x16xf32>
          tpu.vector_store %arg7[%swap3A_1276, %swap3A_1277], %swap3A_1280 {add = true, strides = array<i32>} : memref<128x128xf32, #tpu.memory_space<vmem>>, vector<1x16xf32>,
          %cond3A_1281 = arith.constant 0 : i32
          scf.yield %cond3A_1281 : i32
        }
      }
      %scan3A_23 = arith.constant 25 : i32
    }
    %scan3A_13 = arith.constant 25 : i32
    "tpu.region"() ({
      %run_scoped3A = tpu.sem_alloc : memref<!tpu.dma_semaphore, #tpu.memory_space<semaphore_mem>>
      %dma_start3A = arith.constant 0 : i32
      %dma_start3A_14 = arith.constant 0 : i32
      %dma_start3A_15 = tpu.memref_slice %arg4[%add3A, %dma_start3A, %dma_start3A_14] : memref<32x128x128xf32, #tpu.memory_space<hbm>> -> memref<1x128x128xf32, #tpu.memory_space<hbm>>
      %dma_start3A_16 = tpu.memref_squeeze %dma_start3A_15 : memref<1x128x128xf32, #tpu.memory_space<hbm>> -> memref<128x128xf32, #tpu.memory_space<hbm>>
      %dma_start3A_17 = arith.constant 0 : i32
      %dma_start3A_18 = arith.constant 0 : i32
      %dma_start3A_19 = tpu.memref_slice %arg4[%add3A, %dma_start3A_17, %dma_start3A_18] : memref<32x128x128xf32, #tpu.memory_space<hbm>> -> memref<1x128x128xf32, #tpu.memory_space<hbm>>
      %dma_start3A_20 = tpu.memref_squeeze %dma_start3A_19 : memref<1x128x128xf32, #tpu.memory_space<hbm>> -> memref<128x128xf32, #tpu.memory_space<hbm>>
      tpu.enqueue_dma source(%arg7 : memref<128x128xf32, #tpu.memory_space<vmem>>) target(%dma_start3A_20 : memref<128x128xf32, #tpu.memory_space<hbm>>) target_semaphore(%run_scoped3A : memref<!tpu.dma_semaphore, #tpu.memory_space<semaphore_mem>>)
      %dma_wait3A = arith.constant 0 : i32
      %dma_wait3A_21 = arith.constant 0 : i32
      %dma_wait3A_22 = tpu.memref_slice %arg4[%add3A, %dma_wait3A, %dma_wait3A_21] : memref<32x128x128xf32, #tpu.memory_space<hbm>> -> memref<1x128x128xf32, #tpu.memory_space<hbm>>
      %dma_wait3A_23 = tpu.memref_squeeze %dma_wait3A_22 : memref<1x128x128xf32, #tpu.memory_space<hbm>> -> memref<128x128xf32, #tpu.memory_space<hbm>>
      %dma_wait3A_24 = arith.constant 0 : i32
      %dma_wait3A_25 = arith.constant 0 : i32
      %dma_wait3A_26 = tpu.memref_slice %arg4[%add3A, %dma_wait3A_24, %dma_wait3A_25] : memref<32x128x128xf32, #tpu.memory_space<hbm>> -> memref<1x128x128xf32, #tpu.memory_space<hbm>>
      %dma_wait3A_27 = tpu.memref_squeeze %dma_wait3A_26 : memref<1x128x128xf32, #tpu.memory_space<hbm>> -> memref<128x128xf32, #tpu.memory_space<hbm>>
      tpu.wait_dma2 semaphore(%run_scoped3A : memref<!tpu.dma_semaphore, #tpu.memory_space<semaphore_mem>>) src(%arg7 : memref<128x128xf32, #tpu.memory_space<vmem>>) dst(%dma_wait3A_27 : memref<128x128xf32, #tpu.memory_space<hbm>>)
      tpu.yield
    }) : () -> ()
    return
  }
}

module attributes {stable_mosaic.version = 14 : i64} {
  func.func @_loss_kernel(%arg0: i32, %arg1: i32, %arg2: memref<16000x128xf32, #tpu.memory_space<vmem>>, %arg3: memref<1x1x16000xi32, #tpu.memory_space<vmem>>, %arg4: memref<32x128x128xf32, #tpu.memory_space<vmem>>, %arg5: memref<1x1xf32, #tpu.memory_space<smem>>, %arg6: memref<128x128xf32, #tpu.memory_space<vmem>>, %arg7: memref<1x128xf32, #tpu.memory_space<vmem>>, %arg8: memref<128x128xf32, #tpu.memory_space<vmem>>, %arg9: memref<2xf32, #tpu.memory_space<smem>>) attributes {dimension_semantics = [#tpu.dimension_semantics<arbitrary>, #tpu.dimension_semantics<arbitrary>], iteration_bounds = array<i64: 2, 20>, scalar_prefetch = 0 : i64, scratch_operands = 4 : i64, tpu.core_type = #tpu.core_type<tc>, window_params = [{transform_indices = @transform_0, window_bounds = array<i64: 16000, 128>}, {transform_indices = @transform_1, window_bounds = array<i64: 1, 1, 16000>}, {pipeline_mode = #tpu.pipeline_mode<synchronous>, transform_indices = @transform_2, window_bounds = array<i64: 32, 128, 128>}, {transform_indices = @transform_3, window_bounds = array<i64: 1, 1>}]} {
    %get3A = arith.constant 0 : index
    %get3A_0 = arith.constant 0 : index
    %get3A_1 = arith.constant 0 : index
    %get3A_2 = vector.load %arg3[%get3A, %get3A_0, %get3A_1] : memref<1x1x16000xi32, #tpu.memory_space<vmem>>, vector<1x1x16000xi32>
    %get3A_3 = vector.shape_cast %get3A_2 : vector<1x1x16000xi32> to vector<16000xi32>
    %iota3A = tpu.iota {dimensions = array<i32: 1>} : vector<16000x128xi16>
    %convert_element_type3A = arith.trunci %get3A_3 : vector<16000xi32> to vector<16000xi16>
    %broadcast_in_dim3A = vector.shape_cast %convert_element_type3A : vector<16000xi16> to vector<16000x1xi16>
    %eq3A = vector.broadcast %broadcast_in_dim3A : vector<16000x1xi16> to vector<16000x128xi16>
    %eq3A_4 = arith.cmpi eq, %eq3A, %iota3A : vector<16000x128xi16>
    %jit3A = arith.constant 1.000000e+00 : bf16
    %jit3A_5 = arith.constant 0.000000e+00 : bf16
    %broadcast_in_dim3A_6 = vector.broadcast %jit3A : bf16 to vector<16000x128xbf16>
    %broadcast_in_dim3A_7 = vector.broadcast %jit3A_5 : bf16 to vector<16000x128xbf16>
    %select_n3A = arith.select %eq3A_4, %broadcast_in_dim3A_6, %broadcast_in_dim3A_7 : vector<16000x128xi1>, vector<16000x128xbf16>
    %eq3A_8 = arith.constant 0 : i32
    %eq3A_9 = arith.cmpi eq, %arg0, %eq3A_8 : i32
    %eq3A_10 = arith.constant 0 : i32
    %eq3A_11 = arith.cmpi eq, %arg1, %eq3A_10 : i32
    %and3A = arith.andi %eq3A_9, %eq3A_11 : i1
    %convert_element_type3A_12 = arith.extui %and3A : i1 to i32
    %cond3A = arith.constant 0 : i32
    %cond3A_13 = arith.cmpi ne, %convert_element_type3A_12, %cond3A : i32
    scf.if %cond3A_13 {
      %broadcast_in_dim3A_32 = arith.constant 0.000000e+00 : f32
      %broadcast_in_dim3A_33 = vector.broadcast %broadcast_in_dim3A_32 : f32 to vector<1x128xf32>
      %swap3A = arith.constant 0 : index
      %swap3A_34 = arith.constant 0 : index
      %swap3A_35 = vector.load %arg7[%swap3A, %swap3A_34] : memref<1x128xf32, #tpu.memory_space<vmem>>, vector<1x128xf32>
      tpu.vector_store %arg7[%swap3A, %swap3A_34], %broadcast_in_dim3A_33 {strides = array<i32>} : memref<1x128xf32, #tpu.memory_space<vmem>>, vector<1x128xf32>,
    } else {
    }
    %eq3A_14 = arith.constant 0 : i32
    %eq3A_15 = arith.cmpi eq, %arg0, %eq3A_14 : i32
    %convert_element_type3A_16 = arith.extui %eq3A_15 : i1 to i32
    %cond3A_17 = arith.constant 0 : i32
    %cond3A_18 = arith.cmpi ne, %convert_element_type3A_16, %cond3A_17 : i32
    scf.if %cond3A_18 {
      %broadcast_in_dim3A_32 = arith.constant 1.000000e+00 : bf16
      %broadcast_in_dim3A_33 = vector.broadcast %broadcast_in_dim3A_32 : bf16 to vector<1x16000xbf16>
      %get3A_34 = arith.constant 0 : index
      %get3A_35 = arith.constant 0 : index
      %get3A_36 = vector.load %arg7[%get3A_34, %get3A_35] : memref<1x128xf32, #tpu.memory_space<vmem>>, vector<1x128xf32>
      %dot_general3A = arith.constant dense<0.000000e+00> : vector<1x128xf32>
      %dot_general3A_37 = tpu.matmul %broadcast_in_dim3A_33, %select_n3A, %dot_general3A {dimension_numbers = #tpu.dot_dimension_numbers<[1], [0], [0], [1], [0, 0, 1, 1], [], []>, transpose_lhs_hint = false} : vector<1x16000xbf16>, vector<16000x128xbf16>, vector<1x128xf32> -> vector<1x128xf32>
      %add3A = arith.addf %get3A_36, %dot_general3A_37 : vector<1x128xf32>
      %swap3A = arith.constant 0 : index
      %swap3A_38 = arith.constant 0 : index
      %swap3A_39 = vector.load %arg7[%swap3A, %swap3A_38] : memref<1x128xf32, #tpu.memory_space<vmem>>, vector<1x128xf32>
      tpu.vector_store %arg7[%swap3A, %swap3A_38], %add3A {strides = array<i32>} : memref<1x128xf32, #tpu.memory_space<vmem>>, vector<1x128xf32>,
    } else {
    }
    %eq3A_19 = arith.constant 1 : i32
    %eq3A_20 = arith.cmpi eq, %arg0, %eq3A_19 : i32
    %eq3A_21 = arith.constant 0 : i32
    %eq3A_22 = arith.cmpi eq, %arg1, %eq3A_21 : i32
    %and3A_23 = arith.andi %eq3A_20, %eq3A_22 : i1
    %convert_element_type3A_24 = arith.extui %and3A_23 : i1 to i32
    %cond3A_25 = arith.constant 0 : i32
    %cond3A_26 = arith.cmpi ne, %convert_element_type3A_24, %cond3A_25 : i32
    scf.if %cond3A_26 {
      %get3A_32 = arith.constant 0 : index
      %get3A_33 = arith.constant 0 : index
      %get3A_34 = arith.constant 0 : index
      %get3A_35 = vector.load %arg4[%get3A_32, %get3A_33, %get3A_34] : memref<32x128x128xf32, #tpu.memory_space<vmem>>, vector<32x128x128xf32>
      %reduce_sum3A = arith.constant dense<0.000000e+00> : vector<128x128xf32>
      %reduce_sum3A_36 = vector.multi_reduction <add>, %get3A_35, %reduce_sum3A [0] : vector<32x128x128xf32> to vector<128x128xf32>
      %swap3A = arith.constant 0 : index
      %swap3A_37 = arith.constant 0 : index
      %swap3A_38 = vector.load %arg6[%swap3A, %swap3A_37] : memref<128x128xf32, #tpu.memory_space<vmem>>, vector<128x128xf32>
      tpu.vector_store %arg6[%swap3A, %swap3A_37], %reduce_sum3A_36 {strides = array<i32>} : memref<128x128xf32, #tpu.memory_space<vmem>>, vector<128x128xf32>,
      %get3A_39 = arith.constant 0 : index
      %get3A_40 = arith.constant 0 : index
      %get3A_41 = vector.load %arg7[%get3A_39, %get3A_40] : memref<1x128xf32, #tpu.memory_space<vmem>>, vector<1x128xf32>
      %get3A_42 = vector.shape_cast %get3A_41 : vector<1x128xf32> to vector<128xf32>
      %gt3A = arith.constant 0.000000e+00 : f32
      %gt3A_43 = vector.broadcast %gt3A : f32 to vector<128xf32>
      %gt3A_44 = arith.cmpf ogt, %get3A_42, %gt3A_43 : vector<128xf32>
      %div3A = arith.constant 1.000000e+00 : f32
      %div3A_45 = vector.broadcast %div3A : f32 to vector<128xf32>
      %div3A_46 = arith.divf %div3A_45, %get3A_42 : vector<128xf32>
      %jit3A_47 = arith.constant 0.000000e+00 : f32
      %broadcast_in_dim3A_48 = vector.broadcast %jit3A_47 : f32 to vector<128xf32>
      %select_n3A_49 = arith.select %gt3A_44, %div3A_46, %broadcast_in_dim3A_48 : vector<128xi1>, vector<128xf32>
      %get3A_50 = arith.constant 0 : index
      %get3A_51 = arith.constant 0 : index
      %get3A_52 = vector.load %arg6[%get3A_50, %get3A_51] : memref<128x128xf32, #tpu.memory_space<vmem>>, vector<128x128xf32>
      %broadcast_in_dim3A_53 = vector.shape_cast %select_n3A_49 : vector<128xf32> to vector<128x1xf32>
      %mul3A = vector.broadcast %broadcast_in_dim3A_53 : vector<128x1xf32> to vector<128x128xf32>
      %mul3A_54 = arith.mulf %get3A_52, %mul3A : vector<128x128xf32>
      %swap3A_55 = arith.constant 0 : index
      %swap3A_56 = arith.constant 0 : index
      %swap3A_57 = vector.load %arg8[%swap3A_55, %swap3A_56] : memref<128x128xf32, #tpu.memory_space<vmem>>, vector<128x128xf32>
      tpu.vector_store %arg8[%swap3A_55, %swap3A_56], %mul3A_54 {strides = array<i32>} : memref<128x128xf32, #tpu.memory_space<vmem>>, vector<128x128xf32>,
      %dot_general3A = arith.constant dense<0.000000e+00> : vector<128x128xf32>
      %dot_general3A_58 = tpu.matmul %mul3A_54, %mul3A_54, %dot_general3A {dimension_numbers = #tpu.dot_dimension_numbers<[1], [1], [0], [0], [0, 0, 1, 0], [], []>, precision = #tpu.contract_precision<fp32>, transpose_lhs_hint = false} : vector<128x128xf32>, vector<128x128xf32>, vector<128x128xf32> -> vector<128x128xf32>
      %mul3A_59 = arith.mulf %mul3A_54, %mul3A_54 : vector<128x128xf32>
      %reduce_sum3A_60 = arith.constant dense<0.000000e+00> : vector<128xf32>
      %reduce_sum3A_61 = vector.multi_reduction <add>, %mul3A_59, %reduce_sum3A_60 [1] : vector<128x128xf32> to vector<128xf32>
      %broadcast_in_dim3A_62 = vector.shape_cast %reduce_sum3A_61 : vector<128xf32> to vector<128x1xf32>
      %broadcast_in_dim3A_63 = vector.shape_cast %reduce_sum3A_61 : vector<128xf32> to vector<1x128xf32>
      %add3A = vector.broadcast %broadcast_in_dim3A_62 : vector<128x1xf32> to vector<128x128xf32>
      %add3A_64 = vector.broadcast %broadcast_in_dim3A_63 : vector<1x128xf32> to vector<128x128xf32>
      %add3A_65 = arith.addf %add3A, %add3A_64 : vector<128x128xf32>
      %mul3A_66 = arith.constant 2.000000e+00 : f32
      %mul3A_67 = vector.broadcast %mul3A_66 : f32 to vector<128x128xf32>
      %mul3A_68 = arith.mulf %mul3A_67, %dot_general3A_58 : vector<128x128xf32>
      %sub3A = arith.subf %add3A_65, %mul3A_68 : vector<128x128xf32>
      %iota3A_69 = tpu.iota {dimensions = array<i32: 0>} : vector<128x128xi32>
      %iota3A_70 = tpu.iota {dimensions = array<i32: 1>} : vector<128x128xi32>
      %lt3A = arith.cmpi slt, %iota3A_69, %iota3A_70 : vector<128x128xi32>
      %lt3A_71 = arith.constant 100 : i32
      %lt3A_72 = vector.broadcast %lt3A_71 : i32 to vector<128x128xi32>
      %lt3A_73 = arith.cmpi slt, %iota3A_70, %lt3A_72 : vector<128x128xi32>
      %and3A_74 = arith.andi %lt3A, %lt3A_73 : vector<128x128xi1>
      %max3A = arith.constant 0.000000e+00 : f32
      %max3A_75 = vector.broadcast %max3A : f32 to vector<128x128xf32>
      %max3A_76 = arith.maximumf %sub3A, %max3A_75 : vector<128x128xf32>
      %sqrt3A = math.sqrt %max3A_76 : vector<128x128xf32>
      %jit3A_77 = arith.constant 0.000000e+00 : f32
      %broadcast_in_dim3A_78 = vector.broadcast %jit3A_77 : f32 to vector<128x128xf32>
      %select_n3A_79 = arith.select %and3A_74, %sqrt3A, %broadcast_in_dim3A_78 : vector<128x128xi1>, vector<128x128xf32>
      %reduce_sum3A_80 = vector.shape_cast %select_n3A_79 : vector<128x128xf32> to vector<1x128x128xf32>
      %reduce_sum3A_81 = arith.constant dense<0.000000e+00> : vector<1xf32>
      %reduce_sum3A_82 = vector.multi_reduction <add>, %reduce_sum3A_80, %reduce_sum3A_81 [1, 2] : vector<1x128x128xf32> to vector<1xf32>
      %reduce_sum3A_83 = vector.shape_cast %reduce_sum3A_82 : vector<1xf32> to vector<1x1x1xf32>
      %reduce_sum3A_84 = vector.extract %reduce_sum3A_83[0, 0, 0] : f32 from vector<1x1x1xf32>
      %swap3A_85 = arith.constant 0 : index
      %swap3A_86 = memref.load %arg9[%swap3A_85] : memref<2xf32, #tpu.memory_space<smem>>
      memref.store %reduce_sum3A_84, %arg9[%swap3A_85] : memref<2xf32, #tpu.memory_space<smem>>
      %swap3A_87 = arith.constant 0.000000e+00 : f32
      %swap3A_88 = arith.constant 1 : index
      %swap3A_89 = memref.load %arg9[%swap3A_88] : memref<2xf32, #tpu.memory_space<smem>>
      memref.store %swap3A_87, %arg9[%swap3A_88] : memref<2xf32, #tpu.memory_space<smem>>
    } else {
    }
    %eq3A_27 = arith.constant 1 : i32
    %eq3A_28 = arith.cmpi eq, %arg0, %eq3A_27 : i32
    %convert_element_type3A_29 = arith.extui %eq3A_28 : i1 to i32
    %cond3A_30 = arith.constant 0 : i32
    %cond3A_31 = arith.cmpi ne, %convert_element_type3A_29, %cond3A_30 : i32
    scf.if %cond3A_31 {
      %get3A_32 = arith.constant 0 : index
      %get3A_33 = arith.constant 0 : index
      %get3A_34 = vector.load %arg2[%get3A_32, %get3A_33] : memref<16000x128xf32, #tpu.memory_space<vmem>>, vector<16000x128xf32>
      %convert_element_type3A_35 = arith.truncf %get3A_34 : vector<16000x128xf32> to vector<16000x128xbf16>
      %get3A_36 = arith.constant 0 : index
      %get3A_37 = arith.constant 0 : index
      %get3A_38 = vector.load %arg8[%get3A_36, %get3A_37] : memref<128x128xf32, #tpu.memory_space<vmem>>, vector<128x128xf32>
      %convert_element_type3A_39 = arith.truncf %get3A_38 : vector<128x128xf32> to vector<128x128xbf16>
      %dot_general3A = arith.constant dense<0.000000e+00> : vector<16000x128xf32>
      %dot_general3A_40 = tpu.matmul %select_n3A, %convert_element_type3A_39, %dot_general3A {dimension_numbers = #tpu.dot_dimension_numbers<[1], [0], [0], [1], [0, 0, 1, 1], [], []>, transpose_lhs_hint = false} : vector<16000x128xbf16>, vector<128x128xbf16>, vector<16000x128xf32> -> vector<16000x128xf32>
      %convert_element_type3A_41 = arith.truncf %dot_general3A_40 : vector<16000x128xf32> to vector<16000x128xbf16>
      %sub3A = arith.subf %convert_element_type3A_35, %convert_element_type3A_41 : vector<16000x128xbf16>
      %mul3A = arith.mulf %sub3A, %sub3A : vector<16000x128xbf16>
      %broadcast_in_dim3A_42 = arith.constant 1.000000e+00 : bf16
      %broadcast_in_dim3A_43 = vector.broadcast %broadcast_in_dim3A_42 : bf16 to vector<1x128xbf16>
      %dot_general3A_44 = arith.constant dense<0.000000e+00> : vector<1x16000xf32>
      %dot_general3A_45 = tpu.matmul %broadcast_in_dim3A_43, %mul3A, %dot_general3A_44 {dimension_numbers = #tpu.dot_dimension_numbers<[1], [1], [0], [0], [0, 0, 1, 0], [], []>, transpose_lhs_hint = false} : vector<1x128xbf16>, vector<16000x128xbf16>, vector<1x16000xf32> -> vector<1x16000xf32>
      %squeeze3A = vector.shape_cast %dot_general3A_45 : vector<1x16000xf32> to vector<16000xf32>
      %get3A_46 = arith.constant 1 : index
      %get3A_47 = memref.load %arg9[%get3A_46] : memref<2xf32, #tpu.memory_space<smem>>
      %sqrt3A = math.sqrt %squeeze3A : vector<16000xf32>
      %reduce_sum3A = vector.shape_cast %sqrt3A : vector<16000xf32> to vector<1x16000xf32>
      %reduce_sum3A_48 = arith.constant dense<0.000000e+00> : vector<1xf32>
      %reduce_sum3A_49 = vector.multi_reduction <add>, %reduce_sum3A, %reduce_sum3A_48 [1] : vector<1x16000xf32> to vector<1xf32>
      %reduce_sum3A_50 = vector.shape_cast %reduce_sum3A_49 : vector<1xf32> to vector<1x1xf32>
      %reduce_sum3A_51 = vector.extract %reduce_sum3A_50[0, 0] : f32 from vector<1x1xf32>
      %add3A = arith.addf %get3A_47, %reduce_sum3A_51 : f32
      %swap3A = arith.constant 1 : index
      %swap3A_52 = memref.load %arg9[%swap3A] : memref<2xf32, #tpu.memory_space<smem>>
      memref.store %add3A, %arg9[%swap3A] : memref<2xf32, #tpu.memory_space<smem>>
      %eq3A_53 = arith.constant 19 : i32
      %eq3A_54 = arith.cmpi eq, %arg1, %eq3A_53 : i32
      %convert_element_type3A_55 = arith.extui %eq3A_54 : i1 to i32
      %cond3A_56 = arith.constant 0 : i32
      %cond3A_57 = arith.cmpi ne, %convert_element_type3A_55, %cond3A_56 : i32
      scf.if %cond3A_57 {
        %get3A_58 = arith.constant 0 : index
        %get3A_59 = memref.load %arg9[%get3A_58] : memref<2xf32, #tpu.memory_space<smem>>
        %get3A_60 = arith.constant 1 : index
        %get3A_61 = memref.load %arg9[%get3A_60] : memref<2xf32, #tpu.memory_space<smem>>
        %gt3A = arith.constant 0.000000e+00 : f32
        %gt3A_62 = arith.cmpf ogt, %get3A_59, %gt3A : f32
        %div3A = arith.divf %get3A_61, %get3A_59 : f32
        %select_n3A_63 = arith.select %gt3A_62, %div3A, %get3A_61 : f32
        %swap3A_64 = arith.constant 0 : index
        %swap3A_65 = arith.constant 0 : index
        %swap3A_66 = memref.load %arg5[%swap3A_64, %swap3A_65] : memref<1x1xf32, #tpu.memory_space<smem>>
        memref.store %select_n3A_63, %arg5[%swap3A_64, %swap3A_65] : memref<1x1xf32, #tpu.memory_space<smem>>
      } else {
      }
    } else {
    }
    return
  }
  func.func @transform_0(%arg0: i32, %arg1: i32) -> (i32, i32) {
    %mul3A = arith.muli %arg1, %arg0 : i32
    %c0_i32 = arith.constant 0 : i32
    %c0_i32_0 = arith.constant 0 : i32
    return %mul3A, %c0_i32 : i32, i32
  }
  func.func @transform_1(%arg0: i32, %arg1: i32) -> (i32, i32, i32) {
    %c0_i32 = arith.constant 0 : i32
    %c0_i32_0 = arith.constant 0 : i32
    %c0_i32_1 = arith.constant 0 : i32
    return %arg1, %c0_i32, %c0_i32_0 : i32, i32, i32
  }
  func.func @transform_2(%arg0: i32, %arg1: i32) -> (i32, i32, i32) {
    %c0_i32 = arith.constant 0 : i32
    %c0_i32_0 = arith.constant 0 : i32
    %c0_i32_1 = arith.constant 0 : i32
    %c0_i32_2 = arith.constant 0 : i32
    return %c0_i32, %c0_i32_0, %c0_i32_1 : i32, i32, i32
  }
  func.func @transform_3(%arg0: i32, %arg1: i32) -> (i32, i32) {
    %c0_i32 = arith.constant 0 : i32
    %c0_i32_0 = arith.constant 0 : i32
    %c0_i32_1 = arith.constant 0 : i32
    return %c0_i32, %c0_i32_0 : i32, i32
  }
}

</mosaic_0001>

<sc_bundles>
// kernel: kernel.4.cloned.1.call-start
scs
__scs_entry_jumppad:
0x0: {  	(pc) =	sbr.rel $0x88, $3  }
0x1: {  	(tag) =	ssettag $0x0;
	lr =	simm.s32 $0x1  }
0x2: {  	[smem:$0x3F9F] =	sst lr;
	_ =	strace $0xD0000000  }
0x3: {  	_ = 	snop  }
0x4: {  	_ = 	snop  }
0x5: {  	_ = 	snop  }
0x6: {  	_ = 	snop  }
0x7: {  	_ = 	snop  }
__scs_overlays_trampoline_lowered:
0x8: {  	[smem:$0x3FAE] =	sst s0  }
0x9: {  	[smem:$0x3FAF] =	sst s1  }
0xa: {  	[smem:$0x3FB0] =	sst s2  }
0xb: {  	[smem:$0x3FB1] =	sst s3  }
0xc: {  	[smem:$0x3FB2] =	sst s4  }
0xd: {  	[smem:$0x3FB3] =	sst s5  }
0xe: {  	[smem:$0x3FB4] =	sst s6  }
0xf: {  	[smem:$0x3FB5] =	sst s7  }
0x10: {  	[smem:$0x3FB6] =	sst s8  }
0x11: {  	[smem:$0x3FB7] =	sst s9;
	s0 =	simm.s32 @!p0 $0x0  }
0x12: {  	s1 =	sld [smem:$0x3F9D];
	s0 =	simm.s32 @p0 $0x1  }
0x13: {  	[smem:$0x3FB8] =	sst s0;
	s0 =	simm.s32 @!p1 $0x0  }
0x14: {  	s2 =	sld [smem:$0x3F9C];
	s0 =	simm.s32 @p1 $0x1  }
0x15: {  	[smem:$0x3FB9] =	sst s0;
	s0 =	simm.s32 @!p2 $0x0  }
0x16: {  	s3 =	sld [smem:$0x3FDB];
	s0 =	simm.s32 @p2 $0x1  }
0x17: {  	s4 =	simm.s32 $0x1BF5;
	[smem:$0x3FBB] =	sst s0  }
0x18: {  	s0 =	sld [smem:$0x3F9E];
	_ =	swait.ge [sflag:s4], $0x0  }
0x19: {  	s7 =	sld [smem:$0x3F9F]  }
0x1a: {  	s8 =	sadd.s32 $0xFFFFE003, lr  }
0x1b: {  	s9 =	sadd.s32 $0xFFFFFEF7, lr;
	s5 =	simm.s32 $0xFFFFFFFF;
	p2 =	slt.u32 s8, $0xFFFFF086  }
0x1c: {  	p1 =	slt.u32 s9, $0xF7A;
	s5 =	simm.s32 @!p2 $0x0  }
0x1d: {  	s5 =	simm.s32 @p1 $0x1;
	p0 =	seq.s32 s7, s2  }
0x1e: {  	s7 =	smul.u32 @!p0 $0xF7A, s2;
	p2 =	seq.s32 @!p0 s5, $0x0  }
0x1f: {  	s9 =	smul.u32 $0xF7A, s1;
	s8 =	simm.s32 @!p0 $0x1BF5;
	p2 =	por !p2, p0  }
0x20: {  	[sflag:s8] =	ssyncset.s32 @!p0 $0xFFFFF086;
	s6 =	sadd.s32 @!p0 s3, s7;
	s7 =	simm.s32 @!p0 $0x108  }
0x21: {  	s3 =	sadd.s32 s3, s9;
	s6 =	sadd.s32 @!p0 $0x88, s6;
	s7 =	simm.s32 @p2 $0x1082  }
0x22: {  	[simem:s7], [sflag:s8] =	dma.local @!p0 [hbm:s6], $0xF7A  }
0x23: {  	s9 =	sor.u32 $0xD0000000, s2;
	s6 =	simm.s32 $0x108;
	_ =	swait.ge @!p0 [sflag:s8], $0x0  }
0x24: {  	s3 =	sadd.s32 $0x88, s3;
	s6 =	simm.s32 @!p1 $0x1082;
	[sflag:s4] =	ssyncset.s32 $0xFFFFF086  }
0x25: {  	[simem:s6], [sflag:s4] =	dma.local [hbm:s3], $0xF7A  }
0x26: {  	[smem:$0x3F9F] =	sst s1;
	(tag) =	ssettag s2;
	_ =	strace s9  }
0x27: {  	s1 =	sld [smem:$0x3FAF]  }
0x28: {  	s2 =	sld [smem:$0x3FB0]  }
0x29: {  	s4 =	sld [smem:$0x3FB2]  }
0x2a: {  	p0 =	seq.s32 s5, $0x0;
	s5 =	sld [smem:$0x3FB3]  }
0x2b: {  	s6 =	sld [smem:$0x3FB4]  }
0x2c: {  	s7 =	sld [smem:$0x3FB5]  }
0x2d: {  	s3 =	simm.s32 $0x108;
	s8 =	sld [smem:$0x3FB6]  }
0x2e: {  	s3 =	simm.s32 @!p0 $0x1082;
	s9 =	sld [smem:$0x3FB7]  }
0x2f: {  	lr =	sadd.s32 s0, s3;
	s0 =	sld [smem:$0x3FAE]  }
0x30: {  	s3 =	sld [smem:$0x3FB1]  }
0x31: {  	[smem:$0x3FBA] =	sst s10  }
0x32: {  	s10 =	sld [smem:$0x3FB8];
	_ =	sdelay $0x3  }
0x33: {  	p0 =	seq.s32 s10, $0x1;
	s10 =	sld [smem:$0x3FBA];
	_ =	sdelay $0x3  }
0x34: {  	[smem:$0x3FBA] =	sst s10  }
0x35: {  	s10 =	sld [smem:$0x3FB9];
	_ =	sdelay $0x3  }
0x36: {  	p1 =	seq.s32 s10, $0x1;
	s10 =	sld [smem:$0x3FBA];
	_ =	sdelay $0x3  }
0x37: {  	[smem:$0x3FBA] =	sst s10  }
0x38: {  	s10 =	sld [smem:$0x3FBB]  }
0x39: {  	_ = 	snop;
	(pc) =	sbr.ind lr, $3  }
0x3a: {  	_ = 	snop  }
0x3b: {  	_ = 	snop  }
0x3c: {  	p2 =	seq.s32 s10, $0x1;
	s10 =	sld [smem:$0x3FBA]  }
0x3d: {  	_ =	shalt  }
0x3e: {  	_ =	shalt  }
0x3f: {  	_ =	shalt  }
0x40: {  	_ =	shalt  }
0x41: {  	_ =	shalt  }
0x42: {  	_ =	shalt  }
0x43: {  	_ =	shalt  }
0x44: {  	_ =	shalt  }
0x45: {  	_ =	shalt  }
0x46: {  	_ =	shalt  }
0x47: {  	_ =	shalt  }
0x48: {  	_ =	shalt  }
0x49: {  	_ =	shalt  }
0x4a: {  	_ =	shalt  }
0x4b: {  	_ =	shalt  }
0x4c: {  	_ =	shalt  }
0x4d: {  	_ =	shalt  }
0x4e: {  	_ =	shalt  }
0x4f: {  	_ =	shalt  }
0x50: {  	_ =	shalt  }
0x51: {  	_ =	shalt  }
0x52: {  	_ =	shalt  }
0x53: {  	_ =	shalt  }
0x54: {  	_ =	shalt  }
0x55: {  	_ =	shalt  }
0x56: {  	_ =	shalt  }
0x57: {  	_ =	shalt  }
0x58: {  	_ =	shalt  }
0x59: {  	_ =	shalt  }
0x5a: {  	_ =	shalt  }
0x5b: {  	_ =	shalt  }
0x5c: {  	_ =	shalt  }
0x5d: {  	_ =	shalt  }
0x5e: {  	_ =	shalt  }
0x5f: {  	_ =	shalt  }
0x60: {  	_ =	shalt  }
0x61: {  	_ =	shalt  }
0x62: {  	_ =	shalt  }
0x63: {  	_ =	shalt  }
0x64: {  	_ =	shalt  }
0x65: {  	_ =	shalt  }
0x66: {  	_ =	shalt  }
0x67: {  	_ =	shalt  }
0x68: {  	_ =	shalt  }
0x69: {  	_ =	shalt  }
0x6a: {  	_ =	shalt  }
0x6b: {  	_ =	shalt  }
0x6c: {  	_ =	shalt  }
0x6d: {  	_ =	shalt  }
0x6e: {  	_ =	shalt  }
0x6f: {  	_ =	shalt  }
0x70: {  	_ =	shalt  }
0x71: {  	_ =	shalt  }
0x72: {  	_ =	shalt  }
0x73: {  	_ =	shalt  }
0x74: {  	_ =	shalt  }
0x75: {  	_ =	shalt  }
0x76: {  	_ =	shalt  }
0x77: {  	_ =	shalt  }
0x78: {  	_ =	shalt  }
0x79: {  	_ =	shalt  }
0x7a: {  	_ =	shalt  }
0x7b: {  	_ =	shalt  }
0x7c: {  	_ =	shalt  }
0x7d: {  	_ =	shalt  }
0x7e: {  	_ =	shalt  }
0x7f: {  	_ =	shalt  }
0x80: {  	_ =	shalt  }
0x81: {  	_ =	shalt  }
0x82: {  	_ =	shalt  }
0x83: {  	_ =	shalt  }
0x84: {  	_ =	shalt  }
0x85: {  	_ =	shalt  }
0x86: {  	_ =	shalt  }
0x87: {  	_ =	shalt  }
.Lfunc_end0:
.L_simem_size_0:
called_computation_lowered:
.L_overlay_start_0:
0x88: {  	s2 =	sld [smem:$0x3FD9]  }
0x89: {  	s3 =	sld [smem:$0x3FFE];
	_ =	sdelay $0x1  }
0x8a: {  	s1 =	srdreg.scid  }
0x8b: {  	s0 =	sand.u32 $0x1, s1  }
0x8c: {  	s17 =	sshll.u32 s0, $0xA;
	s2 =	sadd.s32 s3, s2  }
0x8d: {  	s2 =	sadd.s32 s2, s17  }
0x8e: {  	[smem:$0x3FC6] =	sst s2  }
0x8f: {  	_ = 	snop  }
0x90: {  	s2 =	sld [smem:$0x3FC9]  }
0x91: {  	s18 =	sld [smem:$0x3FC8];
	(tm) =	ssettm $0x1  }
0x92: {  	s4 =	sld [smem:$0x3FFB];
	_ =	sdelay $0x3  }
0x93: {  	_ =	strace s4  }
0x94: {  	s4 =	sld [smem:$0x3FFC];
	_ =	sdelay $0x3  }
0x95: {  	_ =	strace s4  }
0x96: {  	s4 =	sld [smem:$0x3FFD];
	_ =	sdelay $0x3  }
0x97: {  	_ =	strace s4  }
0x98: {  	_ =	strace $0x8FFFFFFF  }
0x99: {  	s19 =	sld [smem:$0x3FDB];
	_ =	sdelay $0x1  }
0x9a: {  	s5 =	simm.s32 $_scs_section_size  }
0x9b: {  	s6 =	simm.s32 $_size__tile_overlayer_lowered;
	s7 =	simm.s32 $_tile_overlayer_lowered  }
0x9c: {  	s22 =	simm.s32 $0x1BFF;
	s21 =	sshll.u32 s7, $0x1;
	s4 =	sadd.s32 s5, s19  }
0x9d: {  	s8 =	simm.s32 $0x0;
	s20 =	sshll.u32 s6, $0x1;
	s6 =	sadd.s32 s21, s4  }
0x9e: {  	[timem:s8], [sflag:s22] =	dma.local [hbm:s6], s20  }
0x9f: {  	_ =	swait.ge [sflag:s22], s20  }
0xa0: {  	s5 =	ssub.s32 $0x0, s20;
	[sflag:s22] =	ssyncset.done $0x0  }
0xa1: {  	[sflag:s22] =	ssyncadd.s32 s5;
	_ =	sdelay $0x1  }
0xa2: {  	s23 =	simm.s32 $0x1B8B  }
0xa3: {  	_ =	swait.ge [sflag:s23], $0x1  }
0xa4: {  	[sflag:s23] =	ssyncset.done $0x0  }
0xa5: {  	s25 =	simm.s32 $0x1B8E;
	s24 =	sld [smem:$0x3FFE];
	[sflag:s23] =	ssyncadd.s32 $0xFFFFFFFF  }
0xa6: {  	s26 =	simm.s32 $execute0_lowered;
	[smem:$0x3FD2] =	sst s25  }
0xa7: {  	s6 =	sshll.u32 s26, $0x1;
	_ =	strace $0x80000046;
	[dreg:$0x1] =	wrdreg $0xFFFFFFFF  }
0xa8: {  	s28 =	simm.s32 $_size_execute0_lowered;
	s4 =	sadd.s32 s4, s6;
	[dreg:$0x0] =	wrdreg $0x0  }
0xa9: {  	s6 =	sshll.u32 s28, $0x1;
	[dreg:$0x2] =	wrdreg s4  }
0xaa: {  	[dreg:$0x3] =	wrdreg s6  }
0xab: {  	[dreg:$0x4] =	wrdreg $0xC0  }
0xac: {  	_ =	task [dreg:s8], $0x5FFFF  }
0xad: {  	[dreg:$0x1] =	wrdreg $0xFFFFFFFF  }
0xae: {  	[dreg:$0x0] =	wrdreg $0x60  }
0xaf: {  	[dreg:$0x2] =	wrdreg s2  }
0xb0: {  	[dreg:$0x3] =	wrdreg s18  }
0xb1: {  	[dreg:$0x4] =	wrdreg s24  }
0xb2: {  	[dreg:$0x5] =	wrdreg $0x9  }
0xb3: {  	_ =	task.clear_ibuf [dreg:s8], $0x6FFFF;
	_ =	strace $0x90000046  }
0xb4: {  	s29 =	simm.s32 $0x9;
	_ =	strace $0x80000048  }
0xb5: {  	_ =	swait.ge [sflag:s29], $0x1  }
0xb6: {  	[sflag:s29] =	ssyncadd.s32 $0xFFFFFFFF  }
0xb7: {  	_ =	strace $0x90000048  }
0xb8: {  	_ =	sfence  }
0xb9: {  	s30 =	sld [smem:$0x0];
	_ =	sdelay $0x2  }
0xba: {  	s31 =	sshll.u32 s1, $0xD;
	s1 =	sshrl.u32 s1, $0x2  }
0xbb: {  	s3 =	sand.u32 $0x4000, s31;
	s1 =	sadd.s32 s1, s30  }
0xbc: {  	s0 =	sor.u32 s3, s0;
	s1 =	sshll.u32 s1, $0x11  }
0xbd: {  	s0 =	sor.u32 s1, s0  }
0xbe: {  	s0 =	sadd.s32 $0x8F2B, s0  }
0xbf: {  	[sflag:s0] =	ssyncadd.remote.s32 $0x1  }
0xc0: {  	_ =	sfence.sel $0xFFFF  }
0xc1: {  	[dreg:$0x0] =	wrdreg $0xFFFFFFFF;
	(pc) =	sbr.abs _section_cstart, $3  }
0xc2: {  	[dreg:$0x1] =	wrdreg $0xFFFFFFFF  }
0xc3: {  	_ =	task.clear_ibuf [dreg:s8], $0x2FFFF;
	_ =	strace $0x9FFFFFFF  }
0xc4: {  	(tm) =	ssettm $0x7FFFFFFF  }
0xc5: {  	_ =	shalt  }
tec
execute0_lowered:
.L_overlay_start_1:
0x0: {  	(tag) =	ssettag $0x1  }
0x1: {  	s1 =	rddreg [dreg:$0x0]  }
0x2: {  	s3 =	rddreg [dreg:$0x1]  }
0x3: {  	s5 =	rddreg [dreg:$0x2]  }
0x4: {  	s0 =	rddreg [dreg:$0x3]  }
0x5: {  	s6 =	srdreg.scid;
	s2 =	stileid.u32;
	s4 =	simm.s32 $0x0  }
0x6: {  	s10 =	simm.s32 $0xCA00;
	s6 =	sand.u32 $0x1, s6;
	s7 =	sshll.u32 s2, $0x1  }
.Ltmp0:
0x7: {  	s11 =	simm.s32 $0x0;
	s7 =	sor.u32 s6, s7;
	(pc) =	sbr.rel .LBB2_1-.Ltmp0, $4  }
0x8: {  	[smem:$0x7FF] =	sst s4;
	s6 =	ssub.s32 $0x2, s6;
	s8 =	sshll.u32 s7, $0xB  }
0x9: {  	_ =	strace $0x80000047;
	s9 =	sshrl.u32 s6, $0x1;
	s8 =	sadd.s32 s8, s5  }
0xa: {  	s9 =	ssub.s32 s6, s9;
	s5 =	smul.u32 $0x2710, s7;
	s6 =	sadd.s32 $0x800, s8  }
0xb: {  	v0 =	vimm.f32 $0.0e+00;
	s7 =	smax.u32 s9, $0x1;
	s8 =	simm.s32 $0x1;
	s9 =	simm.s32 $0xC800  }
.LBB2_10:
0xc: {  	s11 =	sadd.s32 $0x1, s11  }
0xd: {  	p0 =	sne.s32 s11, s7  }
.Ltmp1:
0xe: {  	_ = 	snop;
	(pc) =	sbr.rel @!p0 .LBB2_11-.Ltmp1, $4  }
0xf: {  	[hbm4b:s6+s4] =	stream.linear.scatter [tilespmem:s10], [sflag:$0x1], $0x4000, $0x38;
	[tilespmem:$0x10A00] =	vst v63  }
0x10: {  	_ =	swait.ge [sflag:s8], $0x4000  }
0x11: {  	[sflag:s8] =	ssyncset.done $0x0  }
0x12: {  	[sflag:s8] =	ssyncadd.s32 $0xFFFFC000  }
.LBB2_1:
0x13: {  	s13 =	simm.s32 $0x0;
	s12 =	simm.s32 $0x200  }
.LBB2_2:
0x14: {  	p0 =	sne.s32 s12, $0xFE00;
	[tilespmem:s13+$0xCA70] =	vst v0  }
0x15: {  	[tilespmem:s13+$0xCA00] =	vst v0  }
0x16: {  	[tilespmem:s13+$0xCA10] =	vst v0  }
.Ltmp2:
0x17: {  	[tilespmem:s13+$0xCA20] =	vst v0;
	(pc) =	sbr.rel @p0 .LBB2_2-.Ltmp2, $4  }
0x18: {  	[tilespmem:s13+$0xCA30] =	vst v0  }
0x19: {  	[tilespmem:s13+$0xCA40] =	vst v0  }
0x1a: {  	[tilespmem:s13+$0xCA50] =	vst v0  }
0x1b: {  	[tilespmem:s13+$0xCA60] =	vst v0;
	s13 =	sshra.s32 s12, $0x2;
	s12 =	sadd.s32 $0x200, s12  }
0x1c: {  	[tilespmem:s13+$0xCA70] =	vst v0  }
0x1d: {  	[tilespmem:s13+$0xCA00] =	vst v0  }
0x1e: {  	[tilespmem:s13+$0xCA10] =	vst v0  }
.Ltmp3:
0x1f: {  	[tilespmem:s13+$0xCA20] =	vst v0;
	(pc) =	sbr.rel .LBB2_4-.Ltmp3, $4  }
0x20: {  	[tilespmem:s13+$0xCA30] =	vst v0  }
0x21: {  	[tilespmem:s13+$0xCA40] =	vst v0  }
0x22: {  	[tilespmem:s13+$0xCA50] =	vst v0  }
0x23: {  	s12 =	simm.s32 $0x0;
	[tilespmem:s13+$0xCA60] =	vst v0;
	s13 =	simm.s32 $0x0  }
.LBB2_9:
0x24: {  	s13 =	sadd.s32 $0x1, s13  }
0x25: {  	p0 =	sne.s32 s13, $0x19  }
.Ltmp4:
0x26: {  	_ = 	snop;
	(pc) =	sbr.rel @!p0 .LBB2_10-.Ltmp4, $1  }
0x27: {  	_ =	sdelay $0x3  }
.LBB2_4:
0x28: {  	s14 =	smul.u32 $0x190, s13;
	_ =	sdelay $0x1  }
0x29: {  	s14 =	sadd.s32 s5, s14  }
0x2a: {  	s15 =	sshll.u32 s14, $0x4  }
0x2b: {  	s15 =	sadd.s32 s1, s15  }
0x2c: {  	[tilespmem:s12], [sflag:$0x1] =	stream.linear.gather [hbm4b:s15+s12], $0xC800, $0x38;
	[tilespmem:$0x10A00] =	vst v63  }
0x2d: {  	_ =	swait.ge [sflag:s8], $0xC800  }
0x2e: {  	s14 =	sshrl.u32 s14, $0x3;
	[sflag:s8] =	ssyncset.done $0x0  }
.Ltmp5:
0x2f: {  	s14 =	sadd.s32 s3, s14;
	[sflag:s8] =	ssyncadd.s32 $0xFFFF3800;
	(pc) =	sbr.rel .LBB2_5-.Ltmp5, $4  }
0x30: {  	[tilespmem:s9], [sflag:$0x1] =	stream.linear.gather [hbm4b:s14+s12], $0x190, $0x38;
	[tilespmem:$0x10A00] =	vst v63  }
0x31: {  	_ =	swait.ge [sflag:s8], $0x190  }
0x32: {  	[sflag:s8] =	ssyncset.done $0x0  }
0x33: {  	s14 =	simm.s32 $0x0;
	[sflag:s8] =	ssyncadd.s32 $0xFFFFFE70  }
.LBB2_7:
0x34: {  	s17 =	sshll.u32 s17, $0x9  }
0x35: {  	s17 =	sshra.s32 s17, $0x2  }
0x36: {  	[tilespmem:s17+$0xCA00] =	vst.add.f32.msk $0xffff, v2  }
0x37: {  	v2 =	vld [tilespmem:s15+$0x10];
	_ =	sdelay $0x4  }
0x38: {  	[tilespmem:s17+$0xCA10] =	vst.add.f32.msk $0xffff, v2  }
0x39: {  	v2 =	vld [tilespmem:s15+$0x20];
	_ =	sdelay $0x4  }
0x3a: {  	[tilespmem:s17+$0xCA20] =	vst.add.f32.msk $0xffff, v2  }
0x3b: {  	v2 =	vld [tilespmem:s15+$0x30];
	_ =	sdelay $0x4  }
0x3c: {  	[tilespmem:s17+$0xCA30] =	vst.add.f32.msk $0xffff, v2  }
0x3d: {  	v2 =	vld [tilespmem:s15+$0x40];
	_ =	sdelay $0x4  }
0x3e: {  	[tilespmem:s17+$0xCA40] =	vst.add.f32.msk $0xffff, v2  }
0x3f: {  	v2 =	vld [tilespmem:s15+$0x50];
	_ =	sdelay $0x4  }
0x40: {  	v1 =	vshll.u32 v1, $0x9;
	[tilespmem:s17+$0xCA50] =	vst.add.f32.msk $0xffff, v2  }
0x41: {  	v1 =	vshra.s32 v1, $0x2;
	v2 =	vld [tilespmem:s15+$0x60]  }
0x42: {  	(v2sf) =	vpush v1, $0x1;
	_ =	sdelay $0x3  }
0x43: {  	[tilespmem:s17+$0xCA60] =	vst.add.f32.msk $0xffff, v2  }
0x44: {  	v2 =	vld [tilespmem:s15+$0x70];
	_ =	sdelay $0x4  }
0x45: {  	[tilespmem:s17+$0xCA70] =	vst.add.f32.msk $0xffff, v2  }
0x46: {  	v2 =	vld [tilespmem:s15+$0x80];
	_ =	sdelay $0x3  }
0x47: {  	s30 =	spop (v2sf)  }
0x48: {  	[tilespmem:s30+$0xCA00] =	vst.add.f32.msk $0xffff, v2  }
0x49: {  	v2 =	vld [tilespmem:s15+$0x90];
	_ =	sdelay $0x4  }
0x4a: {  	[tilespmem:s30+$0xCA10] =	vst.add.f32.msk $0xffff, v2  }
0x4b: {  	v2 =	vld [tilespmem:s15+$0xA0];
	_ =	sdelay $0x4  }
0x4c: {  	[tilespmem:s30+$0xCA20] =	vst.add.f32.msk $0xffff, v2  }
0x4d: {  	v2 =	vld [tilespmem:s15+$0xB0];
	_ =	sdelay $0x4  }
0x4e: {  	[tilespmem:s30+$0xCA30] =	vst.add.f32.msk $0xffff, v2  }
0x4f: {  	v2 =	vld [tilespmem:s15+$0xC0];
	_ =	sdelay $0x4  }
0x50: {  	[tilespmem:s30+$0xCA40] =	vst.add.f32.msk $0xffff, v2  }
0x51: {  	v2 =	vld [tilespmem:s15+$0xD0];
	_ =	sdelay $0x4  }
0x52: {  	[tilespmem:s30+$0xCA50] =	vst.add.f32.msk $0xffff, v2  }
0x53: {  	v2 =	vld [tilespmem:s15+$0xE0]  }
0x54: {  	(v2sf) =	vpush v1, $0x2;
	_ =	sdelay $0x3  }
0x55: {  	[tilespmem:s30+$0xCA60] =	vst.add.f32.msk $0xffff, v2  }
0x56: {  	v2 =	vld [tilespmem:s15+$0xF0];
	_ =	sdelay $0x4  }
0x57: {  	[tilespmem:s30+$0xCA70] =	vst.add.f32.msk $0xffff, v2  }
0x58: {  	v2 =	vld [tilespmem:s15+$0x100];
	_ =	sdelay $0x3  }
0x59: {  	s31 =	spop (v2sf)  }
0x5a: {  	[tilespmem:s31+$0xCA00] =	vst.add.f32.msk $0xffff, v2  }
0x5b: {  	v2 =	vld [tilespmem:s15+$0x110];
	_ =	sdelay $0x4  }
0x5c: {  	[tilespmem:s31+$0xCA10] =	vst.add.f32.msk $0xffff, v2  }
0x5d: {  	v2 =	vld [tilespmem:s15+$0x120];
	_ =	sdelay $0x4  }
0x5e: {  	[tilespmem:s31+$0xCA20] =	vst.add.f32.msk $0xffff, v2  }
0x5f: {  	v2 =	vld [tilespmem:s15+$0x130];
	_ =	sdelay $0x4  }
0x60: {  	[tilespmem:s31+$0xCA30] =	vst.add.f32.msk $0xffff, v2  }
0x61: {  	v2 =	vld [tilespmem:s15+$0x140];
	_ =	sdelay $0x4  }
0x62: {  	[tilespmem:s31+$0xCA40] =	vst.add.f32.msk $0xffff, v2  }
0x63: {  	v2 =	vld [tilespmem:s15+$0x150];
	_ =	sdelay $0x4  }
0x64: {  	[tilespmem:s31+$0xCA50] =	vst.add.f32.msk $0xffff, v2  }
0x65: {  	v2 =	vld [tilespmem:s15+$0x160]  }
0x66: {  	(v2sf) =	vpush v1, $0x3;
	_ =	sdelay $0x3  }
0x67: {  	[tilespmem:s31+$0xCA60] =	vst.add.f32.msk $0xffff, v2  }
0x68: {  	v2 =	vld [tilespmem:s15+$0x170];
	_ =	sdelay $0x4  }
0x69: {  	[tilespmem:s31+$0xCA70] =	vst.add.f32.msk $0xffff, v2  }
0x6a: {  	v2 =	vld [tilespmem:s15+$0x180];
	_ =	sdelay $0x3  }
0x6b: {  	s18 =	spop (v2sf)  }
0x6c: {  	[tilespmem:s18+$0xCA00] =	vst.add.f32.msk $0xffff, v2  }
0x6d: {  	v2 =	vld [tilespmem:s15+$0x190];
	_ =	sdelay $0x4  }
0x6e: {  	[tilespmem:s18+$0xCA10] =	vst.add.f32.msk $0xffff, v2  }
0x6f: {  	v2 =	vld [tilespmem:s15+$0x1A0];
	_ =	sdelay $0x4  }
0x70: {  	[tilespmem:s18+$0xCA20] =	vst.add.f32.msk $0xffff, v2  }
0x71: {  	v2 =	vld [tilespmem:s15+$0x1B0];
	_ =	sdelay $0x4  }
0x72: {  	[tilespmem:s18+$0xCA30] =	vst.add.f32.msk $0xffff, v2  }
0x73: {  	v2 =	vld [tilespmem:s15+$0x1C0];
	_ =	sdelay $0x4  }
0x74: {  	[tilespmem:s18+$0xCA40] =	vst.add.f32.msk $0xffff, v2  }
0x75: {  	v2 =	vld [tilespmem:s15+$0x1D0];
	_ =	sdelay $0x4  }
0x76: {  	[tilespmem:s18+$0xCA50] =	vst.add.f32.msk $0xffff, v2  }
0x77: {  	v2 =	vld [tilespmem:s15+$0x1E0]  }
0x78: {  	(v2sf) =	vpush v1, $0x4;
	_ =	sdelay $0x3  }
0x79: {  	[tilespmem:s18+$0xCA60] =	vst.add.f32.msk $0xffff, v2  }
0x7a: {  	v2 =	vld [tilespmem:s15+$0x1F0];
	_ =	sdelay $0x4  }
0x7b: {  	[tilespmem:s18+$0xCA70] =	vst.add.f32.msk $0xffff, v2  }
0x7c: {  	v2 =	vld [tilespmem:s15+$0x200];
	_ =	sdelay $0x3  }
0x7d: {  	s19 =	spop (v2sf)  }
0x7e: {  	[tilespmem:s19+$0xCA00] =	vst.add.f32.msk $0xffff, v2  }
0x7f: {  	v2 =	vld [tilespmem:s15+$0x210];
	_ =	sdelay $0x4  }
0x80: {  	[tilespmem:s19+$0xCA10] =	vst.add.f32.msk $0xffff, v2  }
0x81: {  	v2 =	vld [tilespmem:s15+$0x220];
	_ =	sdelay $0x4  }
0x82: {  	[tilespmem:s19+$0xCA20] =	vst.add.f32.msk $0xffff, v2  }
0x83: {  	v2 =	vld [tilespmem:s15+$0x230];
	_ =	sdelay $0x4  }
0x84: {  	[tilespmem:s19+$0xCA30] =	vst.add.f32.msk $0xffff, v2  }
0x85: {  	v2 =	vld [tilespmem:s15+$0x240];
	_ =	sdelay $0x4  }
0x86: {  	[tilespmem:s19+$0xCA40] =	vst.add.f32.msk $0xffff, v2  }
0x87: {  	v2 =	vld [tilespmem:s15+$0x250];
	_ =	sdelay $0x4  }
0x88: {  	[tilespmem:s19+$0xCA50] =	vst.add.f32.msk $0xffff, v2  }
0x89: {  	v2 =	vld [tilespmem:s15+$0x260]  }
0x8a: {  	(v2sf) =	vpush v1, $0x5;
	_ =	sdelay $0x3  }
0x8b: {  	[tilespmem:s19+$0xCA60] =	vst.add.f32.msk $0xffff, v2  }
0x8c: {  	v2 =	vld [tilespmem:s15+$0x270];
	_ =	sdelay $0x4  }
0x8d: {  	[tilespmem:s19+$0xCA70] =	vst.add.f32.msk $0xffff, v2  }
0x8e: {  	v2 =	vld [tilespmem:s15+$0x280];
	_ =	sdelay $0x3  }
0x8f: {  	s20 =	spop (v2sf)  }
0x90: {  	[tilespmem:s20+$0xCA00] =	vst.add.f32.msk $0xffff, v2  }
0x91: {  	v2 =	vld [tilespmem:s15+$0x290];
	_ =	sdelay $0x4  }
0x92: {  	[tilespmem:s20+$0xCA10] =	vst.add.f32.msk $0xffff, v2  }
0x93: {  	v2 =	vld [tilespmem:s15+$0x2A0];
	_ =	sdelay $0x4  }
0x94: {  	[tilespmem:s20+$0xCA20] =	vst.add.f32.msk $0xffff, v2  }
0x95: {  	v2 =	vld [tilespmem:s15+$0x2B0];
	_ =	sdelay $0x4  }
0x96: {  	[tilespmem:s20+$0xCA30] =	vst.add.f32.msk $0xffff, v2  }
0x97: {  	v2 =	vld [tilespmem:s15+$0x2C0];
	_ =	sdelay $0x4  }
0x98: {  	[tilespmem:s20+$0xCA40] =	vst.add.f32.msk $0xffff, v2  }
0x99: {  	v2 =	vld [tilespmem:s15+$0x2D0];
	_ =	sdelay $0x4  }
0x9a: {  	[tilespmem:s20+$0xCA50] =	vst.add.f32.msk $0xffff, v2  }
0x9b: {  	v2 =	vld [tilespmem:s15+$0x2E0]  }
0x9c: {  	(v2sf) =	vpush v1, $0x6;
	_ =	sdelay $0x3  }
0x9d: {  	[tilespmem:s20+$0xCA60] =	vst.add.f32.msk $0xffff, v2  }
0x9e: {  	v2 =	vld [tilespmem:s15+$0x2F0];
	_ =	sdelay $0x4  }
0x9f: {  	[tilespmem:s20+$0xCA70] =	vst.add.f32.msk $0xffff, v2  }
0xa0: {  	v2 =	vld [tilespmem:s15+$0x300];
	_ =	sdelay $0x3  }
0xa1: {  	s21 =	spop (v2sf)  }
0xa2: {  	[tilespmem:s21+$0xCA00] =	vst.add.f32.msk $0xffff, v2  }
0xa3: {  	v2 =	vld [tilespmem:s15+$0x310];
	_ =	sdelay $0x4  }
0xa4: {  	[tilespmem:s21+$0xCA10] =	vst.add.f32.msk $0xffff, v2  }
0xa5: {  	v2 =	vld [tilespmem:s15+$0x320];
	_ =	sdelay $0x4  }
0xa6: {  	[tilespmem:s21+$0xCA20] =	vst.add.f32.msk $0xffff, v2  }
0xa7: {  	v2 =	vld [tilespmem:s15+$0x330];
	_ =	sdelay $0x4  }
0xa8: {  	[tilespmem:s21+$0xCA30] =	vst.add.f32.msk $0xffff, v2  }
0xa9: {  	v2 =	vld [tilespmem:s15+$0x340];
	_ =	sdelay $0x4  }
0xaa: {  	[tilespmem:s21+$0xCA40] =	vst.add.f32.msk $0xffff, v2  }
0xab: {  	v2 =	vld [tilespmem:s15+$0x350];
	_ =	sdelay $0x4  }
0xac: {  	[tilespmem:s21+$0xCA50] =	vst.add.f32.msk $0xffff, v2  }
0xad: {  	v2 =	vld [tilespmem:s15+$0x360]  }
0xae: {  	(v2sf) =	vpush v1, $0x7;
	_ =	sdelay $0x3  }
0xaf: {  	[tilespmem:s21+$0xCA60] =	vst.add.f32.msk $0xffff, v2  }
0xb0: {  	v2 =	vld [tilespmem:s15+$0x370];
	_ =	sdelay $0x4  }
0xb1: {  	[tilespmem:s21+$0xCA70] =	vst.add.f32.msk $0xffff, v2  }
0xb2: {  	v2 =	vld [tilespmem:s15+$0x380];
	_ =	sdelay $0x3  }
0xb3: {  	s22 =	spop (v2sf)  }
0xb4: {  	[tilespmem:s22+$0xCA00] =	vst.add.f32.msk $0xffff, v2  }
0xb5: {  	v2 =	vld [tilespmem:s15+$0x390];
	_ =	sdelay $0x4  }
0xb6: {  	[tilespmem:s22+$0xCA10] =	vst.add.f32.msk $0xffff, v2  }
0xb7: {  	v2 =	vld [tilespmem:s15+$0x3A0];
	_ =	sdelay $0x4  }
0xb8: {  	[tilespmem:s22+$0xCA20] =	vst.add.f32.msk $0xffff, v2  }
0xb9: {  	v2 =	vld [tilespmem:s15+$0x3B0];
	_ =	sdelay $0x4  }
0xba: {  	[tilespmem:s22+$0xCA30] =	vst.add.f32.msk $0xffff, v2  }
0xbb: {  	v2 =	vld [tilespmem:s15+$0x3C0];
	_ =	sdelay $0x4  }
0xbc: {  	[tilespmem:s22+$0xCA40] =	vst.add.f32.msk $0xffff, v2  }
0xbd: {  	v2 =	vld [tilespmem:s15+$0x3D0];
	_ =	sdelay $0x4  }
0xbe: {  	[tilespmem:s22+$0xCA50] =	vst.add.f32.msk $0xffff, v2  }
0xbf: {  	v2 =	vld [tilespmem:s15+$0x3E0]  }
0xc0: {  	(v2sf) =	vpush v1, $0x8;
	_ =	sdelay $0x3  }
0xc1: {  	[tilespmem:s22+$0xCA60] =	vst.add.f32.msk $0xffff, v2  }
0xc2: {  	v2 =	vld [tilespmem:s15+$0x3F0];
	_ =	sdelay $0x4  }
0xc3: {  	[tilespmem:s22+$0xCA70] =	vst.add.f32.msk $0xffff, v2  }
0xc4: {  	v2 =	vld [tilespmem:s15+$0x400];
	_ =	sdelay $0x3  }
0xc5: {  	s23 =	spop (v2sf)  }
0xc6: {  	[tilespmem:s23+$0xCA00] =	vst.add.f32.msk $0xffff, v2  }
0xc7: {  	v2 =	vld [tilespmem:s15+$0x410];
	_ =	sdelay $0x4  }
0xc8: {  	[tilespmem:s23+$0xCA10] =	vst.add.f32.msk $0xffff, v2  }
0xc9: {  	v2 =	vld [tilespmem:s15+$0x420];
	_ =	sdelay $0x4  }
0xca: {  	[tilespmem:s23+$0xCA20] =	vst.add.f32.msk $0xffff, v2  }
0xcb: {  	v2 =	vld [tilespmem:s15+$0x430];
	_ =	sdelay $0x4  }
0xcc: {  	[tilespmem:s23+$0xCA30] =	vst.add.f32.msk $0xffff, v2  }
0xcd: {  	v2 =	vld [tilespmem:s15+$0x440];
	_ =	sdelay $0x4  }
0xce: {  	[tilespmem:s23+$0xCA40] =	vst.add.f32.msk $0xffff, v2  }
0xcf: {  	v2 =	vld [tilespmem:s15+$0x450];
	_ =	sdelay $0x4  }
0xd0: {  	[tilespmem:s23+$0xCA50] =	vst.add.f32.msk $0xffff, v2  }
0xd1: {  	v2 =	vld [tilespmem:s15+$0x460]  }
0xd2: {  	(v2sf) =	vpush v1, $0x9;
	_ =	sdelay $0x3  }
0xd3: {  	[tilespmem:s23+$0xCA60] =	vst.add.f32.msk $0xffff, v2  }
0xd4: {  	v2 =	vld [tilespmem:s15+$0x470];
	_ =	sdelay $0x4  }
0xd5: {  	[tilespmem:s23+$0xCA70] =	vst.add.f32.msk $0xffff, v2  }
0xd6: {  	v2 =	vld [tilespmem:s15+$0x480];
	_ =	sdelay $0x3  }
0xd7: {  	s24 =	spop (v2sf)  }
0xd8: {  	[tilespmem:s24+$0xCA00] =	vst.add.f32.msk $0xffff, v2  }
0xd9: {  	v2 =	vld [tilespmem:s15+$0x490];
	_ =	sdelay $0x4  }
0xda: {  	[tilespmem:s24+$0xCA10] =	vst.add.f32.msk $0xffff, v2  }
0xdb: {  	v2 =	vld [tilespmem:s15+$0x4A0];
	_ =	sdelay $0x4  }
0xdc: {  	[tilespmem:s24+$0xCA20] =	vst.add.f32.msk $0xffff, v2  }
0xdd: {  	v2 =	vld [tilespmem:s15+$0x4B0];
	_ =	sdelay $0x4  }
0xde: {  	[tilespmem:s24+$0xCA30] =	vst.add.f32.msk $0xffff, v2  }
0xdf: {  	v2 =	vld [tilespmem:s15+$0x4C0];
	_ =	sdelay $0x4  }
0xe0: {  	[tilespmem:s24+$0xCA40] =	vst.add.f32.msk $0xffff, v2  }
0xe1: {  	v2 =	vld [tilespmem:s15+$0x4D0];
	_ =	sdelay $0x4  }
0xe2: {  	[tilespmem:s24+$0xCA50] =	vst.add.f32.msk $0xffff, v2  }
0xe3: {  	v2 =	vld [tilespmem:s15+$0x4E0]  }
0xe4: {  	(v2sf) =	vpush v1, $0xA;
	_ =	sdelay $0x3  }
0xe5: {  	[tilespmem:s24+$0xCA60] =	vst.add.f32.msk $0xffff, v2  }
0xe6: {  	v2 =	vld [tilespmem:s15+$0x4F0];
	_ =	sdelay $0x4  }
0xe7: {  	[tilespmem:s24+$0xCA70] =	vst.add.f32.msk $0xffff, v2  }
0xe8: {  	v2 =	vld [tilespmem:s15+$0x500];
	_ =	sdelay $0x3  }
0xe9: {  	s25 =	spop (v2sf)  }
0xea: {  	[tilespmem:s25+$0xCA00] =	vst.add.f32.msk $0xffff, v2  }
0xeb: {  	v2 =	vld [tilespmem:s15+$0x510];
	_ =	sdelay $0x4  }
0xec: {  	[tilespmem:s25+$0xCA10] =	vst.add.f32.msk $0xffff, v2  }
0xed: {  	v2 =	vld [tilespmem:s15+$0x520];
	_ =	sdelay $0x4  }
0xee: {  	[tilespmem:s25+$0xCA20] =	vst.add.f32.msk $0xffff, v2  }
0xef: {  	v2 =	vld [tilespmem:s15+$0x530];
	_ =	sdelay $0x4  }
0xf0: {  	[tilespmem:s25+$0xCA30] =	vst.add.f32.msk $0xffff, v2  }
0xf1: {  	v2 =	vld [tilespmem:s15+$0x540];
	_ =	sdelay $0x4  }
0xf2: {  	[tilespmem:s25+$0xCA40] =	vst.add.f32.msk $0xffff, v2  }
0xf3: {  	v2 =	vld [tilespmem:s15+$0x550];
	_ =	sdelay $0x4  }
0xf4: {  	[tilespmem:s25+$0xCA50] =	vst.add.f32.msk $0xffff, v2  }
0xf5: {  	v2 =	vld [tilespmem:s15+$0x560]  }
0xf6: {  	(v2sf) =	vpush v1, $0xB;
	_ =	sdelay $0x3  }
0xf7: {  	[tilespmem:s25+$0xCA60] =	vst.add.f32.msk $0xffff, v2  }
0xf8: {  	v2 =	vld [tilespmem:s15+$0x570];
	_ =	sdelay $0x4  }
0xf9: {  	[tilespmem:s25+$0xCA70] =	vst.add.f32.msk $0xffff, v2  }
0xfa: {  	v2 =	vld [tilespmem:s15+$0x580];
	_ =	sdelay $0x3  }
0xfb: {  	s26 =	spop (v2sf)  }
0xfc: {  	[tilespmem:s26+$0xCA00] =	vst.add.f32.msk $0xffff, v2  }
0xfd: {  	v2 =	vld [tilespmem:s15+$0x590];
	_ =	sdelay $0x4  }
0xfe: {  	[tilespmem:s26+$0xCA10] =	vst.add.f32.msk $0xffff, v2  }
0xff: {  	v2 =	vld [tilespmem:s15+$0x5A0];
	_ =	sdelay $0x4  }
0x100: {  	[tilespmem:s26+$0xCA20] =	vst.add.f32.msk $0xffff, v2  }
0x101: {  	v2 =	vld [tilespmem:s15+$0x5B0];
	_ =	sdelay $0x4  }
0x102: {  	[tilespmem:s26+$0xCA30] =	vst.add.f32.msk $0xffff, v2  }
0x103: {  	v2 =	vld [tilespmem:s15+$0x5C0];
	_ =	sdelay $0x4  }
0x104: {  	[tilespmem:s26+$0xCA40] =	vst.add.f32.msk $0xffff, v2  }
0x105: {  	v2 =	vld [tilespmem:s15+$0x5D0];
	_ =	sdelay $0x4  }
0x106: {  	[tilespmem:s26+$0xCA50] =	vst.add.f32.msk $0xffff, v2  }
0x107: {  	v2 =	vld [tilespmem:s15+$0x5E0]  }
0x108: {  	(v2sf) =	vpush v1, $0xC;
	_ =	sdelay $0x3  }
0x109: {  	[tilespmem:s26+$0xCA60] =	vst.add.f32.msk $0xffff, v2  }
0x10a: {  	v2 =	vld [tilespmem:s15+$0x5F0];
	_ =	sdelay $0x4  }
0x10b: {  	[tilespmem:s26+$0xCA70] =	vst.add.f32.msk $0xffff, v2  }
0x10c: {  	v2 =	vld [tilespmem:s15+$0x600];
	_ =	sdelay $0x3  }
0x10d: {  	s28 =	spop (v2sf)  }
0x10e: {  	[tilespmem:s28+$0xCA00] =	vst.add.f32.msk $0xffff, v2  }
0x10f: {  	v2 =	vld [tilespmem:s15+$0x610];
	_ =	sdelay $0x4  }
0x110: {  	[tilespmem:s28+$0xCA10] =	vst.add.f32.msk $0xffff, v2  }
0x111: {  	v2 =	vld [tilespmem:s15+$0x620];
	_ =	sdelay $0x4  }
0x112: {  	[tilespmem:s28+$0xCA20] =	vst.add.f32.msk $0xffff, v2  }
0x113: {  	v2 =	vld [tilespmem:s15+$0x630];
	_ =	sdelay $0x4  }
0x114: {  	[tilespmem:s28+$0xCA30] =	vst.add.f32.msk $0xffff, v2  }
0x115: {  	v2 =	vld [tilespmem:s15+$0x640];
	_ =	sdelay $0x4  }
0x116: {  	[tilespmem:s28+$0xCA40] =	vst.add.f32.msk $0xffff, v2  }
0x117: {  	v2 =	vld [tilespmem:s15+$0x650];
	_ =	sdelay $0x4  }
0x118: {  	[tilespmem:s28+$0xCA50] =	vst.add.f32.msk $0xffff, v2  }
0x119: {  	v2 =	vld [tilespmem:s15+$0x660]  }
0x11a: {  	(v2sf) =	vpush v1, $0xD;
	_ =	sdelay $0x3  }
0x11b: {  	[tilespmem:s28+$0xCA60] =	vst.add.f32.msk $0xffff, v2  }
0x11c: {  	v2 =	vld [tilespmem:s15+$0x670];
	_ =	sdelay $0x4  }
0x11d: {  	[tilespmem:s28+$0xCA70] =	vst.add.f32.msk $0xffff, v2  }
0x11e: {  	v2 =	vld [tilespmem:s15+$0x680];
	_ =	sdelay $0x3  }
0x11f: {  	s29 =	spop (v2sf)  }
0x120: {  	[tilespmem:s29+$0xCA00] =	vst.add.f32.msk $0xffff, v2  }
0x121: {  	v2 =	vld [tilespmem:s15+$0x690];
	_ =	sdelay $0x4  }
0x122: {  	[tilespmem:s29+$0xCA10] =	vst.add.f32.msk $0xffff, v2  }
0x123: {  	v2 =	vld [tilespmem:s15+$0x6A0];
	_ =	sdelay $0x4  }
0x124: {  	[tilespmem:s29+$0xCA20] =	vst.add.f32.msk $0xffff, v2  }
0x125: {  	v2 =	vld [tilespmem:s15+$0x6B0];
	_ =	sdelay $0x4  }
0x126: {  	[tilespmem:s29+$0xCA30] =	vst.add.f32.msk $0xffff, v2  }
0x127: {  	v2 =	vld [tilespmem:s15+$0x6C0];
	_ =	sdelay $0x4  }
0x128: {  	[tilespmem:s29+$0xCA40] =	vst.add.f32.msk $0xffff, v2  }
0x129: {  	v2 =	vld [tilespmem:s15+$0x6D0];
	_ =	sdelay $0x4  }
0x12a: {  	[tilespmem:s29+$0xCA50] =	vst.add.f32.msk $0xffff, v2  }
0x12b: {  	v2 =	vld [tilespmem:s15+$0x6E0]  }
0x12c: {  	(v2sf) =	vpush v1, $0xE;
	_ =	sdelay $0x3  }
0x12d: {  	[tilespmem:s29+$0xCA60] =	vst.add.f32.msk $0xffff, v2  }
0x12e: {  	v1 =	vld [tilespmem:s15+$0x6F0];
	_ =	sdelay $0x4  }
0x12f: {  	[tilespmem:s29+$0xCA70] =	vst.add.f32.msk $0xffff, v1  }
0x130: {  	v1 =	vld [tilespmem:s15+$0x700];
	_ =	sdelay $0x3  }
0x131: {  	s30 =	spop (v2sf)  }
0x132: {  	[tilespmem:s30+$0xCA00] =	vst.add.f32.msk $0xffff, v1  }
0x133: {  	v1 =	vld [tilespmem:s15+$0x710];
	_ =	sdelay $0x4  }
0x134: {  	[tilespmem:s30+$0xCA10] =	vst.add.f32.msk $0xffff, v1  }
0x135: {  	v1 =	vld [tilespmem:s15+$0x720];
	_ =	sdelay $0x4  }
0x136: {  	[tilespmem:s30+$0xCA20] =	vst.add.f32.msk $0xffff, v1  }
0x137: {  	v1 =	vld [tilespmem:s15+$0x730];
	_ =	sdelay $0x4  }
0x138: {  	[tilespmem:s30+$0xCA30] =	vst.add.f32.msk $0xffff, v1  }
0x139: {  	v1 =	vld [tilespmem:s15+$0x740];
	_ =	sdelay $0x4  }
0x13a: {  	[tilespmem:s30+$0xCA40] =	vst.add.f32.msk $0xffff, v1  }
0x13b: {  	v1 =	vld [tilespmem:s15+$0x750];
	_ =	sdelay $0x4  }
0x13c: {  	[tilespmem:s30+$0xCA50] =	vst.add.f32.msk $0xffff, v1  }
0x13d: {  	v1 =	vld [tilespmem:s15+$0x760];
	_ =	sdelay $0x4  }
0x13e: {  	[tilespmem:s30+$0xCA60] =	vst.add.f32.msk $0xffff, v1  }
0x13f: {  	v1 =	vld [tilespmem:s15+$0x770];
	_ =	sdelay $0x4  }
0x140: {  	[tilespmem:s30+$0xCA70] =	vst.add.f32.msk $0xffff, v1  }
0x141: {  	v1 =	vld [tilespmem:s15+$0x780];
	_ =	sdelay $0x2  }
0x142: {  	s16 =	sshll.u32 s16, $0x9  }
0x143: {  	s31 =	sshra.s32 s16, $0x2  }
0x144: {  	[tilespmem:s31+$0xCA00] =	vst.add.f32.msk $0xffff, v1  }
0x145: {  	v1 =	vld [tilespmem:s15+$0x790];
	_ =	sdelay $0x4  }
0x146: {  	[tilespmem:s31+$0xCA10] =	vst.add.f32.msk $0xffff, v1  }
0x147: {  	v1 =	vld [tilespmem:s15+$0x7A0];
	_ =	sdelay $0x4  }
0x148: {  	[tilespmem:s31+$0xCA20] =	vst.add.f32.msk $0xffff, v1  }
0x149: {  	v1 =	vld [tilespmem:s15+$0x7B0];
	_ =	sdelay $0x4  }
0x14a: {  	[tilespmem:s31+$0xCA30] =	vst.add.f32.msk $0xffff, v1  }
0x14b: {  	v1 =	vld [tilespmem:s15+$0x7C0];
	_ =	sdelay $0x4  }
0x14c: {  	[tilespmem:s31+$0xCA40] =	vst.add.f32.msk $0xffff, v1  }
0x14d: {  	v1 =	vld [tilespmem:s15+$0x7D0];
	_ =	sdelay $0x4  }
0x14e: {  	[tilespmem:s31+$0xCA50] =	vst.add.f32.msk $0xffff, v1  }
0x14f: {  	v1 =	vld [tilespmem:s15+$0x7E0];
	_ =	sdelay $0x4  }
0x150: {  	[tilespmem:s31+$0xCA60] =	vst.add.f32.msk $0xffff, v1  }
0x151: {  	v1 =	vld [tilespmem:s15+$0x7F0]  }
.LBB2_8:
0x152: {  	s14 =	sadd.s32 $0x1, s14  }
0x153: {  	p0 =	sne.s32 s14, $0x19  }
.Ltmp6:
0x154: {  	_ = 	snop;
	(pc) =	sbr.rel @!p0 .LBB2_9-.Ltmp6, $3  }
0x155: {  	_ =	sdelay $0x1  }
0x156: {  	s15 =	sshra.s32 s16, $0x2  }
0x157: {  	[tilespmem:s15+$0xCA70] =	vst.add.f32.msk $0xffff, v1  }
.LBB2_5:
0x158: {  	s15 =	sshll.u32 s14, $0x4  }
0x159: {  	s15 =	sand.u32 $0x3FFFFFF0, s15  }
0x15a: {  	v1 =	vld [tilespmem:s15+$0xC800];
	_ =	sdelay $0x4  }
0x15b: {  	(v2sf) =	vpush v1, $0x0  }
0x15c: {  	(v2sf) =	vpush v1, $0xF;
	_ =	sdelay $0xd  }
0x15d: {  	s17 =	spop (v2sf)  }
0x15e: {  	s16 =	spop (v2sf)  }
0x15f: {  	p0 =	sne.s32 s17, s16  }
.Ltmp7:
0x160: {  	s31 =	sshll.u32 s14, $0xB;
	(pc) =	sbr.rel @p0 .LBB2_7-.Ltmp7, $2  }
0x161: {  	s15 =	sand.u32 $0x3FFFF800, s31  }
0x162: {  	v2 =	vld [tilespmem:s15+$0x0];
	_ =	sdelay $0x2  }
0x163: {  	v1 =	vld [tilespmem:s15+$0x80];
	_ =	sdelay $0x1  }
0x164: {  	v3 =	vld [tilespmem:s15+$0x100];
	_ =	sdelay $0x1  }
0x165: {  	v4 =	vld [tilespmem:s15+$0x180]  }
0x166: {  	v1 =	vadd.f32 v1, v2  }
0x167: {  	v2 =	vld [tilespmem:s15+$0x200]  }
0x168: {  	v1 =	vadd.f32 v3, v1  }
0x169: {  	v3 =	vld [tilespmem:s15+$0x280]  }
0x16a: {  	v1 =	vadd.f32 v4, v1  }
0x16b: {  	v25 =	vld [tilespmem:s15+$0x300]  }
0x16c: {  	v1 =	vadd.f32 v2, v1  }
0x16d: {  	v2 =	vld [tilespmem:s15+$0x380]  }
0x16e: {  	v1 =	vadd.f32 v3, v1  }
0x16f: {  	v3 =	vld [tilespmem:s15+$0x400]  }
0x170: {  	v1 =	vadd.f32 v25, v1  }
0x171: {  	v26 =	vld [tilespmem:s15+$0x480]  }
0x172: {  	v1 =	vadd.f32 v2, v1  }
0x173: {  	v2 =	vld [tilespmem:s15+$0x500]  }
0x174: {  	v1 =	vadd.f32 v3, v1  }
0x175: {  	v3 =	vld [tilespmem:s15+$0x580]  }
0x176: {  	v1 =	vadd.f32 v26, v1  }
0x177: {  	v27 =	vld [tilespmem:s15+$0x600]  }
0x178: {  	v1 =	vadd.f32 v2, v1  }
0x179: {  	v2 =	vld [tilespmem:s15+$0x680]  }
0x17a: {  	v1 =	vadd.f32 v3, v1  }
0x17b: {  	v3 =	vld [tilespmem:s15+$0x700]  }
0x17c: {  	v1 =	vadd.f32 v27, v1  }
0x17d: {  	v28 =	vld [tilespmem:s15+$0x780]  }
0x17e: {  	v1 =	vadd.f32 v2, v1;
	_ =	sdelay $0x1  }
0x17f: {  	v1 =	vadd.f32 v3, v1;
	_ =	sdelay $0x1  }
0x180: {  	s16 =	sshll.u32 s17, $0x9;
	v1 =	vadd.f32 v28, v1  }
0x181: {  	s17 =	sshra.s32 s16, $0x2  }
0x182: {  	[tilespmem:s17+$0xCA00] =	vst.add.f32.msk $0xffff, v1  }
0x183: {  	v1 =	vld [tilespmem:s15+$0x10]  }
0x184: {  	v2 =	vld [tilespmem:s15+$0x90];
	_ =	sdelay $0x1  }
0x185: {  	v3 =	vld [tilespmem:s15+$0x110];
	_ =	sdelay $0x1  }
0x186: {  	v29 =	vld [tilespmem:s15+$0x190]  }
0x187: {  	v1 =	vadd.f32 v2, v1  }
0x188: {  	v2 =	vld [tilespmem:s15+$0x210]  }
0x189: {  	v1 =	vadd.f32 v3, v1  }
0x18a: {  	v3 =	vld [tilespmem:s15+$0x290]  }
0x18b: {  	v1 =	vadd.f32 v29, v1  }
0x18c: {  	v30 =	vld [tilespmem:s15+$0x310]  }
0x18d: {  	v1 =	vadd.f32 v2, v1  }
0x18e: {  	v2 =	vld [tilespmem:s15+$0x390]  }
0x18f: {  	v1 =	vadd.f32 v3, v1  }
0x190: {  	v3 =	vld [tilespmem:s15+$0x410]  }
0x191: {  	v1 =	vadd.f32 v30, v1  }
0x192: {  	v31 =	vld [tilespmem:s15+$0x490]  }
0x193: {  	v1 =	vadd.f32 v2, v1  }
0x194: {  	v2 =	vld [tilespmem:s15+$0x510]  }
0x195: {  	v1 =	vadd.f32 v3, v1  }
0x196: {  	v3 =	vld [tilespmem:s15+$0x590]  }
0x197: {  	v1 =	vadd.f32 v31, v1  }
0x198: {  	v32 =	vld [tilespmem:s15+$0x610]  }
0x199: {  	v1 =	vadd.f32 v2, v1  }
0x19a: {  	v2 =	vld [tilespmem:s15+$0x690]  }
0x19b: {  	v1 =	vadd.f32 v3, v1  }
0x19c: {  	v3 =	vld [tilespmem:s15+$0x710]  }
0x19d: {  	v1 =	vadd.f32 v32, v1  }
0x19e: {  	v33 =	vld [tilespmem:s15+$0x790]  }
0x19f: {  	v1 =	vadd.f32 v2, v1;
	_ =	sdelay $0x1  }
0x1a0: {  	v1 =	vadd.f32 v3, v1;
	_ =	sdelay $0x1  }
0x1a1: {  	v1 =	vadd.f32 v33, v1;
	_ =	sdelay $0x1  }
0x1a2: {  	[tilespmem:s17+$0xCA10] =	vst.add.f32.msk $0xffff, v1  }
0x1a3: {  	v1 =	vld [tilespmem:s15+$0x20]  }
0x1a4: {  	v2 =	vld [tilespmem:s15+$0xA0];
	_ =	sdelay $0x1  }
0x1a5: {  	v3 =	vld [tilespmem:s15+$0x120];
	_ =	sdelay $0x1  }
0x1a6: {  	v34 =	vld [tilespmem:s15+$0x1A0]  }
0x1a7: {  	v1 =	vadd.f32 v2, v1  }
0x1a8: {  	v2 =	vld [tilespmem:s15+$0x220]  }
0x1a9: {  	v1 =	vadd.f32 v3, v1  }
0x1aa: {  	v3 =	vld [tilespmem:s15+$0x2A0]  }
0x1ab: {  	v1 =	vadd.f32 v34, v1  }
0x1ac: {  	v35 =	vld [tilespmem:s15+$0x320]  }
0x1ad: {  	v1 =	vadd.f32 v2, v1  }
0x1ae: {  	v2 =	vld [tilespmem:s15+$0x3A0]  }
0x1af: {  	v1 =	vadd.f32 v3, v1  }
0x1b0: {  	v3 =	vld [tilespmem:s15+$0x420]  }
0x1b1: {  	v1 =	vadd.f32 v35, v1  }
0x1b2: {  	v36 =	vld [tilespmem:s15+$0x4A0]  }
0x1b3: {  	v1 =	vadd.f32 v2, v1  }
0x1b4: {  	v2 =	vld [tilespmem:s15+$0x520]  }
0x1b5: {  	v1 =	vadd.f32 v3, v1  }
0x1b6: {  	v3 =	vld [tilespmem:s15+$0x5A0]  }
0x1b7: {  	v1 =	vadd.f32 v36, v1  }
0x1b8: {  	v37 =	vld [tilespmem:s15+$0x620]  }
0x1b9: {  	v1 =	vadd.f32 v2, v1  }
0x1ba: {  	v2 =	vld [tilespmem:s15+$0x6A0]  }
0x1bb: {  	v1 =	vadd.f32 v3, v1  }
0x1bc: {  	v3 =	vld [tilespmem:s15+$0x720]  }
0x1bd: {  	v1 =	vadd.f32 v37, v1  }
0x1be: {  	v38 =	vld [tilespmem:s15+$0x7A0]  }
0x1bf: {  	v1 =	vadd.f32 v2, v1;
	_ =	sdelay $0x1  }
0x1c0: {  	v1 =	vadd.f32 v3, v1;
	_ =	sdelay $0x1  }
0x1c1: {  	v1 =	vadd.f32 v38, v1;
	_ =	sdelay $0x1  }
0x1c2: {  	[tilespmem:s17+$0xCA20] =	vst.add.f32.msk $0xffff, v1  }
0x1c3: {  	v1 =	vld [tilespmem:s15+$0x30]  }
0x1c4: {  	v2 =	vld [tilespmem:s15+$0xB0];
	_ =	sdelay $0x1  }
0x1c5: {  	v3 =	vld [tilespmem:s15+$0x130];
	_ =	sdelay $0x1  }
0x1c6: {  	v39 =	vld [tilespmem:s15+$0x1B0]  }
0x1c7: {  	v1 =	vadd.f32 v2, v1  }
0x1c8: {  	v2 =	vld [tilespmem:s15+$0x230]  }
0x1c9: {  	v1 =	vadd.f32 v3, v1  }
0x1ca: {  	v3 =	vld [tilespmem:s15+$0x2B0]  }
0x1cb: {  	v1 =	vadd.f32 v39, v1  }
0x1cc: {  	v40 =	vld [tilespmem:s15+$0x330]  }
0x1cd: {  	v1 =	vadd.f32 v2, v1  }
0x1ce: {  	v2 =	vld [tilespmem:s15+$0x3B0]  }
0x1cf: {  	v1 =	vadd.f32 v3, v1  }
0x1d0: {  	v3 =	vld [tilespmem:s15+$0x430]  }
0x1d1: {  	v1 =	vadd.f32 v40, v1  }
0x1d2: {  	v41 =	vld [tilespmem:s15+$0x4B0]  }
0x1d3: {  	v1 =	vadd.f32 v2, v1  }
0x1d4: {  	v2 =	vld [tilespmem:s15+$0x530]  }
0x1d5: {  	v1 =	vadd.f32 v3, v1  }
0x1d6: {  	v3 =	vld [tilespmem:s15+$0x5B0]  }
0x1d7: {  	v1 =	vadd.f32 v41, v1  }
0x1d8: {  	v42 =	vld [tilespmem:s15+$0x630]  }
0x1d9: {  	v1 =	vadd.f32 v2, v1  }
0x1da: {  	v2 =	vld [tilespmem:s15+$0x6B0]  }
0x1db: {  	v1 =	vadd.f32 v3, v1  }
0x1dc: {  	v3 =	vld [tilespmem:s15+$0x730]  }
0x1dd: {  	v1 =	vadd.f32 v42, v1  }
0x1de: {  	v43 =	vld [tilespmem:s15+$0x7B0]  }
0x1df: {  	v1 =	vadd.f32 v2, v1;
	_ =	sdelay $0x1  }
0x1e0: {  	v1 =	vadd.f32 v3, v1;
	_ =	sdelay $0x1  }
0x1e1: {  	v1 =	vadd.f32 v43, v1;
	_ =	sdelay $0x1  }
0x1e2: {  	[tilespmem:s17+$0xCA30] =	vst.add.f32.msk $0xffff, v1  }
0x1e3: {  	v1 =	vld [tilespmem:s15+$0x40]  }
0x1e4: {  	v2 =	vld [tilespmem:s15+$0xC0];
	_ =	sdelay $0x1  }
0x1e5: {  	v3 =	vld [tilespmem:s15+$0x140];
	_ =	sdelay $0x1  }
0x1e6: {  	v44 =	vld [tilespmem:s15+$0x1C0]  }
0x1e7: {  	v1 =	vadd.f32 v2, v1  }
0x1e8: {  	v2 =	vld [tilespmem:s15+$0x240]  }
0x1e9: {  	v1 =	vadd.f32 v3, v1  }
0x1ea: {  	v3 =	vld [tilespmem:s15+$0x2C0]  }
0x1eb: {  	v1 =	vadd.f32 v44, v1  }
0x1ec: {  	v45 =	vld [tilespmem:s15+$0x340]  }
0x1ed: {  	v1 =	vadd.f32 v2, v1  }
0x1ee: {  	v2 =	vld [tilespmem:s15+$0x3C0]  }
0x1ef: {  	v1 =	vadd.f32 v3, v1  }
0x1f0: {  	v3 =	vld [tilespmem:s15+$0x440]  }
0x1f1: {  	v1 =	vadd.f32 v45, v1  }
0x1f2: {  	v46 =	vld [tilespmem:s15+$0x4C0]  }
0x1f3: {  	v1 =	vadd.f32 v2, v1  }
0x1f4: {  	v2 =	vld [tilespmem:s15+$0x540]  }
0x1f5: {  	v1 =	vadd.f32 v3, v1  }
0x1f6: {  	v3 =	vld [tilespmem:s15+$0x5C0]  }
0x1f7: {  	v1 =	vadd.f32 v46, v1  }
0x1f8: {  	v47 =	vld [tilespmem:s15+$0x640]  }
0x1f9: {  	v1 =	vadd.f32 v2, v1  }
0x1fa: {  	v2 =	vld [tilespmem:s15+$0x6C0]  }
0x1fb: {  	v1 =	vadd.f32 v3, v1  }
0x1fc: {  	v3 =	vld [tilespmem:s15+$0x740]  }
0x1fd: {  	v1 =	vadd.f32 v47, v1  }
0x1fe: {  	v48 =	vld [tilespmem:s15+$0x7C0]  }
0x1ff: {  	v1 =	vadd.f32 v2, v1;
	_ =	sdelay $0x1  }
0x200: {  	v1 =	vadd.f32 v3, v1;
	_ =	sdelay $0x1  }
0x201: {  	v1 =	vadd.f32 v48, v1;
	_ =	sdelay $0x1  }
0x202: {  	[tilespmem:s17+$0xCA40] =	vst.add.f32.msk $0xffff, v1  }
0x203: {  	v1 =	vld [tilespmem:s15+$0x50]  }
0x204: {  	v2 =	vld [tilespmem:s15+$0xD0];
	_ =	sdelay $0x1  }
0x205: {  	v3 =	vld [tilespmem:s15+$0x150];
	_ =	sdelay $0x1  }
0x206: {  	v49 =	vld [tilespmem:s15+$0x1D0]  }
0x207: {  	v1 =	vadd.f32 v2, v1  }
0x208: {  	v2 =	vld [tilespmem:s15+$0x250]  }
0x209: {  	v1 =	vadd.f32 v3, v1  }
0x20a: {  	v3 =	vld [tilespmem:s15+$0x2D0]  }
0x20b: {  	v1 =	vadd.f32 v49, v1  }
0x20c: {  	v50 =	vld [tilespmem:s15+$0x350]  }
0x20d: {  	v1 =	vadd.f32 v2, v1  }
0x20e: {  	v2 =	vld [tilespmem:s15+$0x3D0]  }
0x20f: {  	v1 =	vadd.f32 v3, v1  }
0x210: {  	v3 =	vld [tilespmem:s15+$0x450]  }
0x211: {  	v1 =	vadd.f32 v50, v1  }
0x212: {  	v51 =	vld [tilespmem:s15+$0x4D0]  }
0x213: {  	v1 =	vadd.f32 v2, v1  }
0x214: {  	v2 =	vld [tilespmem:s15+$0x550]  }
0x215: {  	v1 =	vadd.f32 v3, v1  }
0x216: {  	v3 =	vld [tilespmem:s15+$0x5D0]  }
0x217: {  	v1 =	vadd.f32 v51, v1  }
0x218: {  	v52 =	vld [tilespmem:s15+$0x650]  }
0x219: {  	v1 =	vadd.f32 v2, v1  }
0x21a: {  	v2 =	vld [tilespmem:s15+$0x6D0]  }
0x21b: {  	v1 =	vadd.f32 v3, v1  }
0x21c: {  	v3 =	vld [tilespmem:s15+$0x750]  }
0x21d: {  	v1 =	vadd.f32 v52, v1  }
0x21e: {  	v53 =	vld [tilespmem:s15+$0x7D0]  }
0x21f: {  	v1 =	vadd.f32 v2, v1;
	_ =	sdelay $0x1  }
0x220: {  	v1 =	vadd.f32 v3, v1;
	_ =	sdelay $0x1  }
0x221: {  	v1 =	vadd.f32 v53, v1;
	_ =	sdelay $0x1  }
0x222: {  	[tilespmem:s17+$0xCA50] =	vst.add.f32.msk $0xffff, v1  }
0x223: {  	v1 =	vld [tilespmem:s15+$0x60]  }
0x224: {  	v2 =	vld [tilespmem:s15+$0xE0];
	_ =	sdelay $0x1  }
0x225: {  	v3 =	vld [tilespmem:s15+$0x160];
	_ =	sdelay $0x1  }
0x226: {  	v54 =	vld [tilespmem:s15+$0x1E0]  }
0x227: {  	v1 =	vadd.f32 v2, v1  }
0x228: {  	v2 =	vld [tilespmem:s15+$0x260]  }
0x229: {  	v1 =	vadd.f32 v3, v1  }
0x22a: {  	v3 =	vld [tilespmem:s15+$0x2E0]  }
0x22b: {  	v1 =	vadd.f32 v54, v1  }
0x22c: {  	v55 =	vld [tilespmem:s15+$0x360]  }
0x22d: {  	v1 =	vadd.f32 v2, v1  }
0x22e: {  	v2 =	vld [tilespmem:s15+$0x3E0]  }
0x22f: {  	v1 =	vadd.f32 v3, v1  }
0x230: {  	v3 =	vld [tilespmem:s15+$0x460]  }
0x231: {  	v1 =	vadd.f32 v55, v1  }
0x232: {  	v56 =	vld [tilespmem:s15+$0x4E0]  }
0x233: {  	v1 =	vadd.f32 v2, v1  }
0x234: {  	v2 =	vld [tilespmem:s15+$0x560]  }
0x235: {  	v1 =	vadd.f32 v3, v1  }
0x236: {  	v3 =	vld [tilespmem:s15+$0x5E0]  }
0x237: {  	v1 =	vadd.f32 v56, v1  }
0x238: {  	v57 =	vld [tilespmem:s15+$0x660]  }
0x239: {  	v1 =	vadd.f32 v2, v1  }
0x23a: {  	v2 =	vld [tilespmem:s15+$0x6E0]  }
0x23b: {  	v1 =	vadd.f32 v3, v1  }
0x23c: {  	v3 =	vld [tilespmem:s15+$0x760]  }
0x23d: {  	v1 =	vadd.f32 v57, v1  }
0x23e: {  	v58 =	vld [tilespmem:s15+$0x7E0]  }
0x23f: {  	v1 =	vadd.f32 v2, v1;
	_ =	sdelay $0x1  }
0x240: {  	v1 =	vadd.f32 v3, v1;
	_ =	sdelay $0x1  }
0x241: {  	v1 =	vadd.f32 v58, v1;
	_ =	sdelay $0x1  }
0x242: {  	[tilespmem:s17+$0xCA60] =	vst.add.f32.msk $0xffff, v1  }
0x243: {  	v1 =	vld [tilespmem:s15+$0x70]  }
0x244: {  	v2 =	vld [tilespmem:s15+$0xF0];
	_ =	sdelay $0x1  }
0x245: {  	v3 =	vld [tilespmem:s15+$0x170];
	_ =	sdelay $0x1  }
0x246: {  	v59 =	vld [tilespmem:s15+$0x1F0]  }
0x247: {  	v1 =	vadd.f32 v2, v1  }
0x248: {  	v2 =	vld [tilespmem:s15+$0x270]  }
0x249: {  	v1 =	vadd.f32 v3, v1  }
0x24a: {  	v3 =	vld [tilespmem:s15+$0x2F0]  }
0x24b: {  	v1 =	vadd.f32 v59, v1  }
0x24c: {  	v60 =	vld [tilespmem:s15+$0x370]  }
0x24d: {  	v1 =	vadd.f32 v2, v1  }
0x24e: {  	v2 =	vld [tilespmem:s15+$0x3F0]  }
0x24f: {  	v1 =	vadd.f32 v3, v1  }
0x250: {  	v3 =	vld [tilespmem:s15+$0x470]  }
0x251: {  	v1 =	vadd.f32 v60, v1  }
0x252: {  	v61 =	vld [tilespmem:s15+$0x4F0]  }
0x253: {  	v1 =	vadd.f32 v2, v1  }
0x254: {  	v2 =	vld [tilespmem:s15+$0x570]  }
0x255: {  	v1 =	vadd.f32 v3, v1  }
0x256: {  	v3 =	vld [tilespmem:s15+$0x5F0]  }
0x257: {  	v1 =	vadd.f32 v61, v1  }
0x258: {  	v62 =	vld [tilespmem:s15+$0x670]  }
0x259: {  	v1 =	vadd.f32 v2, v1  }
0x25a: {  	v2 =	vld [tilespmem:s15+$0x6F0]  }
0x25b: {  	v1 =	vadd.f32 v3, v1  }
0x25c: {  	v3 =	vld [tilespmem:s15+$0x770]  }
0x25d: {  	v1 =	vadd.f32 v62, v1  }
0x25e: {  	v63 =	vld [tilespmem:s15+$0x7F0]  }
.Ltmp8:
0x25f: {  	v1 =	vadd.f32 v2, v1;
	(pc) =	sbr.rel .LBB2_8-.Ltmp8, $3  }
0x260: {  	_ = 	snop  }
0x261: {  	v1 =	vadd.f32 v3, v1;
	_ =	sdelay $0x1  }
0x262: {  	v1 =	vadd.f32 v63, v1  }
.LBB2_11:
0x263: {  	_ =	sfence.sel $0x180000  }
0x264: {  	[bflag:$0x0] =	sbarrier.arrive $0xFFFF  }
0x265: {  	p0 =	sne.s32 s2, $0x0;
	_ =	strace $0x90000047  }
0x266: {  	s0 =	sadd.s32 @!p0 $0x100000, s0;
	[bflag:$0x2] =	sbarrier.arrive $0xFFFF  }
0x267: {  	[sflag:s0] =	ssyncadd.tile.s32 @!p0 $0x1;
	_ =	shalt  }
.Lfunc_end2:
_tile_overlayer_lowered:
.L_overlay_start_2:
0x268: {  	(tag) =	ssettag $0x2  }
0x269: {  	s0 =	rddreg [dreg:$0x0];
	s2 =	stileid.u32  }
0x26a: {  	s1 =	rddreg [dreg:$0x1];
	p0 =	sne.s32 s2, $0x0  }
0x26b: {  	s3 =	rddreg [dreg:$0x2];
	[bflag:$0x3] =	sbarrier.arrive $0xFFFF;
	s2 =	simm.s32 @!p0 $0x1C01  }
0x26c: {  	[timem:s3], [sflag:s2] =	dma.local @!p0 [hbm:s0], s1  }
0x26d: {  	s0 =	simm.s32 @!p0 $0x1  }
0x26e: {  	_ =	swait.ge @!p0 [sflag:s0], s1  }
0x26f: {  	s1 =	ssub.s32 @!p0 $0x0, s1;
	[sflag:s0] =	ssyncset.done @!p0 $0x0  }
0x270: {  	[sflag:s0] =	ssyncadd.s32 @!p0 s1  }
0x271: {  	[bflag:$0x3] =	sbarrier.arrive $0xFFFF  }
0x272: {  	_ =	shalt  }

</sc_bundles>
